<compile_context>
chip_gen: v7x
topology: tpu7x:2x2x1
jax: 0.10.2.dev20260603
libtpu: 0.0.44.dev20260713+nightly
codegen_flags: <defaults>
</compile_context>

<pallas_src>
import jax
import jax.numpy as jnp
from jax import lax
from jax.experimental import pallas as pl
from jax.experimental.pallas import tpu as pltpu, tpu_sc as plsc

_S, _B, _T, _C = 2, 8, 500, 2048
_N_DEN, _A_DEN = 512, 8192
_N_NUM, _A_NUM = 128, 512
_DEN_SCALE = 1.0
_L = 16
_NC, _NS = 2, 16
_NW = _NC * _NS
_LN2 = 0.6931471805599453


def _sc_body(llh_ref, seql_ref, dsrc_ref, ddst_ref, dpdf_ref, dw_ref,
             dstart_ref, dfinal_ref, nsrc_ref, ndst_ref, npdf_ref, nw_ref,
             nstart_ref, nfinal_ref, out_ref,
             src_v, dst_v, pdf_v, pack_v, w_v, p_v, pnew_v, final_v, llh_v,
             eobs_v, seql_v, out_v, sem0, sem1):
    cid = lax.axis_index("c")
    sid = lax.axis_index("s")
    wid = sid * _NC + cid
    iota = lax.iota(jnp.int32, _L)
    zero16 = jnp.zeros((_L,), jnp.float32)

    pltpu.sync_copy(seql_ref, seql_v)

    def _pack(n_groups):
        def body(g, _):
            sl = pl.ds(g * _L, _L)
            pack_v[sl] = src_v[sl] | (dst_v[sl] << 9) | (pdf_v[sl] << 18)
            return 0
        lax.fori_loop(0, n_groups, body, 0)

    def _renorm_zero(n_groups, poff):
        def mx_body(g, mx):
            return jnp.maximum(mx, pnew_v[pl.ds(poff + g * _L, _L)])
        mx = lax.fori_loop(0, n_groups, mx_body, zero16)
        e_vec = (plsc.bitcast(mx, jnp.int32) >> 23) - 127
        e = jnp.max(e_vec.astype(jnp.float32)).astype(jnp.int32)
        scale = plsc.bitcast(jnp.broadcast_to(127 - e, (_L,)) << 23,
                             jnp.float32)

        def upd_body(g, _):
            sl = pl.ds(poff + g * _L, _L)
            p_v[sl] = pnew_v[sl] * scale
            pnew_v[sl] = zero16
            return 0
        lax.fori_loop(0, n_groups, upd_body, 0)
        return e

    def _zero_pnew(n_groups):
        def body(g, _):
            pnew_v[pl.ds(g * _L, _L)] = zero16
            return 0
        lax.fori_loop(0, n_groups, body, 0)

    def _final_lin(n_groups, poff):
        def body(g, acc):
            sl = pl.ds(poff + g * _L, _L)
            return acc + p_v[sl] * jnp.exp(final_v[sl])
        return jnp.sum(lax.fori_loop(0, n_groups, body, zero16))

    def _myseq(b):
        seqv = seql_v[...]
        return jnp.max(
            jnp.where(iota == b, seqv, 0).astype(jnp.float32)
        ).astype(jnp.int32)

    def _llh_wait_prefetch(t, base_row, myseq):
        pltpu.sync_copy(llh_ref.at[base_row + t], llh_v.at[pl.ds(0, _C)])
        return 0

    @pl.when(wid < _L)
    def _den():
        s = wid // _B
        b = wid % _B
        pltpu.sync_copy(dsrc_ref, src_v)
        pltpu.sync_copy(ddst_ref, dst_v)
        pltpu.sync_copy(dpdf_ref, pdf_v)
        pltpu.sync_copy(dw_ref, w_v)
        pltpu.sync_copy(dfinal_ref, final_v)
        pltpu.sync_copy(dstart_ref, pnew_v)
        _pack(_A_DEN // _L)

        def w_exp(g, _):
            sl = pl.ds(g * _L, _L)
            w_v[sl] = jnp.exp(w_v[sl])
            return 0
        lax.fori_loop(0, _A_DEN // _L, w_exp, 0)

        def p_init(g, _):
            sl = pl.ds(g * _L, _L)
            p_v[sl] = jnp.exp(pnew_v[sl])
            return 0
        lax.fori_loop(0, _N_DEN // _L, p_init, 0)
        _zero_pnew(_N_DEN // _L)

        base_row = (s * _B + b) * _T
        myseq = _myseq(b)

        def t_body(t, e_tot):
            coff = _llh_wait_prefetch(t, base_row, myseq)

            @plsc.parallel_loop(0, _C // _L, unroll=4)
            def eobs_body(g):
                sl = pl.ds(g * _L, _L)
                eobs_v[sl] = jnp.exp(llh_v[pl.ds(coff + g * _L, _L)])

            @plsc.parallel_loop(0, _A_DEN // _L, unroll=4)
            def arc_body(g):
                sl = pl.ds(g * _L, _L)
                pk = pack_v[sl]
                pv = plsc.load_gather(p_v, [pk & 511])
                ov = plsc.load_gather(eobs_v, [pk >> 18])
                val = pv * w_v[sl] * ov
                plsc.addupdate_scatter(pnew_v, [(pk >> 9) & 511], val)

            return e_tot + _renorm_zero(_N_DEN // _L, 0)

        e_tot = lax.fori_loop(0, myseq, t_body, jnp.int32(0))
        lin = _final_lin(_N_DEN // _L, 0)
        res = jnp.where(iota == 0, lin,
                        jnp.where(iota == 1, e_tot.astype(jnp.float32), 0.0))
        out_v[...] = res
        pltpu.sync_copy(out_v, out_ref.at[wid])

    @pl.when(wid >= _L)
    def _num():
        w2 = wid - _L
        s = w2 // _B
        b = w2 % _B
        for j in range(2):
            r = j * _B + b
            aoff = j * _A_NUM
            poff = j * _N_NUM
            pltpu.sync_copy(nsrc_ref.at[r], src_v.at[pl.ds(aoff, _A_NUM)])
            pltpu.sync_copy(ndst_ref.at[r], dst_v.at[pl.ds(aoff, _A_NUM)])
            pltpu.sync_copy(npdf_ref.at[r], pdf_v.at[pl.ds(aoff, _A_NUM)])
            pltpu.sync_copy(nw_ref.at[r], w_v.at[pl.ds(aoff, _A_NUM)])
            pltpu.sync_copy(nstart_ref.at[r], pnew_v.at[pl.ds(poff, _N_NUM)])
            pltpu.sync_copy(nfinal_ref.at[r], final_v.at[pl.ds(poff, _N_NUM)])
        _pack(2 * _A_NUM // _L)

        def p_init(g, _):
            sl = pl.ds(g * _L, _L)
            p_v[sl] = jnp.exp(pnew_v[sl])
            return 0
        lax.fori_loop(0, 2 * _N_NUM // _L, p_init, 0)
        _zero_pnew(2 * _N_NUM // _L)

        base_row = (s * _B + b) * _T
        myseq = _myseq(b)

        def t_body(t, es):
            coff = _llh_wait_prefetch(t, base_row, myseq)
            new_es = []
            for j in range(2):
                aoff = j * _A_NUM
                poff = j * _N_NUM

                def arc_body(g, _, aoff=aoff, poff=poff):
                    for u in range(4):
                        sl = pl.ds(aoff + (g * 4 + u) * _L, _L)
                        pk = pack_v[sl]
                        pv = plsc.load_gather(p_v, [(pk & 511) + poff])
                        ov = plsc.load_gather(llh_v, [(pk >> 18) + coff])
                        val = pv * jnp.exp(w_v[sl] + ov)
                        plsc.addupdate_scatter(
                            pnew_v, [((pk >> 9) & 511) + poff], val)
                    return 0
                lax.fori_loop(0, _A_NUM // _L // 4, arc_body, 0)
                new_es.append(es[j] + _renorm_zero(_N_NUM // _L, poff))
            return tuple(new_es)

        e0, e1 = lax.fori_loop(0, myseq, t_body,
                               (jnp.int32(0), jnp.int32(0)))
        lin0 = _final_lin(_N_NUM // _L, 0)
        lin1 = _final_lin(_N_NUM // _L, _N_NUM)
        res = jnp.where(iota == 0, lin0,
              jnp.where(iota == 1, e0.astype(jnp.float32),
              jnp.where(iota == 2, lin1,
              jnp.where(iota == 3, e1.astype(jnp.float32), 0.0))))
        out_v[...] = res
        pltpu.sync_copy(out_v, out_ref.at[wid])


def kernel(est_llhs, seqlengths, den_src, den_dst, den_pdf, den_weight,
           den_start, den_final, num_src, num_dst, num_pdf, num_weight,
           num_start, num_final):
    llh_rows = est_llhs.reshape(_S * _B * _T, _C)
    seql16 = jnp.zeros((16,), jnp.int32).at[:_B].set(
        seqlengths.astype(jnp.int32))
    mesh = plsc.VectorSubcoreMesh(core_axis_name="c", subcore_axis_name="s",
                                  num_cores=_NC, num_subcores=_NS)
    scratch = [
        pltpu.VMEM((_A_DEN,), jnp.int32),
        pltpu.VMEM((_A_DEN,), jnp.int32),
        pltpu.VMEM((_A_DEN,), jnp.int32),
        pltpu.VMEM((_A_DEN,), jnp.int32),
        pltpu.VMEM((_A_DEN,), jnp.float32),
        pltpu.VMEM((_N_DEN,), jnp.float32),
        pltpu.VMEM((_N_DEN,), jnp.float32),
        pltpu.VMEM((_N_DEN,), jnp.float32),
        pltpu.VMEM((2 * _C,), jnp.float32),
        pltpu.VMEM((_C,), jnp.float32),
        pltpu.VMEM((16,), jnp.int32),
        pltpu.VMEM((16,), jnp.float32),
        pltpu.SemaphoreType.DMA,
        pltpu.SemaphoreType.DMA,
    ]
    run = pl.kernel(_sc_body,
                    out_type=jax.ShapeDtypeStruct((_NW, 16), jnp.float32),
                    mesh=mesh, scratch_types=scratch,
                    compiler_params=pltpu.CompilerParams(
                        needs_layout_passes=False))
    out = run(llh_rows, seql16,
              den_src.astype(jnp.int32), den_dst.astype(jnp.int32),
              den_pdf.astype(jnp.int32), den_weight,
              den_start, den_final,
              num_src.reshape(_S * _B, _A_NUM).astype(jnp.int32),
              num_dst.reshape(_S * _B, _A_NUM).astype(jnp.int32),
              num_pdf.reshape(_S * _B, _A_NUM).astype(jnp.int32),
              num_weight.reshape(_S * _B, _A_NUM),
              num_start.reshape(_S * _B, _N_NUM),
              num_final.reshape(_S * _B, _N_NUM))

    den = out[:_L]
    den_llh = (jnp.log(den[:, 0]) + den[:, 1] * _LN2).reshape(_S, _B).T
    num = out[_L:]
    num_ll = (jnp.log(num[:, jnp.array([0, 2])])
              + num[:, jnp.array([1, 3])] * _LN2).reshape(_S, _B, 2)
    nlp0 = jnp.stack([num_ll[0, :, 0], num_ll[1, :, 1]], axis=1)
    nlp1 = jnp.stack([num_ll[0, :, 1], num_ll[1, :, 0]], axis=1)
    use1 = jnp.sum(nlp1, axis=1) > jnp.sum(nlp0, axis=1)
    num_llh = jnp.where(use1[:, None], nlp1, nlp0)
    loss = -(num_llh - _DEN_SCALE * den_llh)
    return loss.sum()

# --- scband reference (transcript-rebuilt; emitter-appended) ---
"""Pipeline reference for scband-pit-lfmmiloss-66202625900735 (READ-ONLY COPY).

The authoritative reference and input builder live on the scoring server;
editing this copy changes nothing except your own understanding.
"""

import jax, jax.numpy as jnp
import numpy as np
from itertools import permutations

S, B, T, C = 2, 8, 500, 2048
N_DEN, A_DEN = 512, 8192
N_NUM, A_NUM = 128, 512
DEN_SCALE = 1.0


def setup_inputs(seed: int = 0):
    key = jax.random.key(seed)
    ks = jax.random.split(key, 16)
    est_llhs = jax.random.normal(ks[0], (S, B, T, C), dtype=jnp.float32)
    seqlengths = jax.random.randint(ks[1], (B,), 1, T)
    den_src = jax.random.randint(ks[2], (A_DEN,), 0, N_DEN)
    den_dst = jax.random.randint(ks[3], (A_DEN,), 0, N_DEN)
    den_pdf = jax.random.randint(ks[4], (A_DEN,), 0, C)
    den_weight = jax.random.normal(ks[5], (A_DEN,), dtype=jnp.float32) * 0.1
    den_start = jax.random.normal(ks[6], (N_DEN,), dtype=jnp.float32)
    den_final = jax.random.normal(ks[7], (N_DEN,), dtype=jnp.float32)
    num_src = jax.random.randint(ks[8], (S, B, A_NUM), 0, N_NUM)
    num_dst = jax.random.randint(ks[9], (S, B, A_NUM), 0, N_NUM)
    num_pdf = jax.random.randint(ks[10], (S, B, A_NUM), 0, C)
    num_weight = jax.random.normal(ks[11], (S, B, A_NUM), dtype=jnp.float32) * 0.1
    num_start = jax.random.normal(ks[12], (S, B, N_NUM), dtype=jnp.float32)
    num_final = jax.random.normal(ks[13], (S, B, N_NUM), dtype=jnp.float32)
    return {
        'est_llhs': est_llhs, 'seqlengths': seqlengths,
        'den_src': den_src, 'den_dst': den_dst, 'den_pdf': den_pdf,
        'den_weight': den_weight, 'den_start': den_start, 'den_final': den_final,
        'num_src': num_src, 'num_dst': num_dst, 'num_pdf': num_pdf,
        'num_weight': num_weight, 'num_start': num_start, 'num_final': num_final,
    }


def fsm_log_marginal(llh, seqlengths, src, dst, pdf, weight, start, final):
    # llh: [B,T,C]; src/dst/pdf/weight: [B,A]; start/final: [B,N]
    Bb, Tt, Cc = llh.shape
    Nn = start.shape[1]
    llh_T = jnp.transpose(llh, (1, 0, 2))  # [T,B,C]
    ts = jnp.arange(Tt)

    def step(alpha, xs):
        llh_t, t = xs
        a = jnp.take_along_axis(alpha, src, axis=1)          # gather alpha[src]
        obs = jnp.take_along_axis(llh_t, pdf, axis=1)        # gather llh[t, pdf]
        scores = a + weight + obs                            # [B,A]
        m = jnp.max(scores, axis=1, keepdims=True)
        ex = jnp.exp(scores - m)
        summed = jax.vmap(lambda e, d: jnp.zeros((Nn,), dtype=e.dtype).at[d].add(e))(ex, dst)
        new_alpha = jnp.log(summed + 1e-30) + m              # log-space scatter-add
        keep = (t < seqlengths)[:, None]
        alpha = jnp.where(keep, new_alpha, alpha)
        return alpha, None

    alpha, _ = jax.lax.scan(step, start, (llh_T, ts))
    return jax.scipy.special.logsumexp(alpha + final, axis=1)  # [B]


def reference(est_llhs, seqlengths, den_src, den_dst, den_pdf, den_weight, den_start, den_final,
              num_src, num_dst, num_pdf, num_weight, num_start, num_final):
    Ss = est_llhs.shape[0]
    Bb = est_llhs.shape[1]
    # BatchCompiledFSA.from_list([denfsm]*B): replicate denominator FSM over batch
    dsrc = jnp.broadcast_to(den_src[None, :], (Bb, den_src.shape[0]))
    ddst = jnp.broadcast_to(den_dst[None, :], (Bb, den_dst.shape[0]))
    dpdf = jnp.broadcast_to(den_pdf[None, :], (Bb, den_pdf.shape[0]))
    dw = jnp.broadcast_to(den_weight[None, :], (Bb, den_weight.shape[0]))
    dstart = jnp.broadcast_to(den_start[None, :], (Bb, den_start.shape[0]))
    dfinal = jnp.broadcast_to(den_final[None, :], (Bb, den_final.shape[0]))
    # denominator log-marginals, one per speaker -> [B,S]
    den_llh = jnp.stack([fsm_log_marginal(est_llhs[s], seqlengths, dsrc, ddst, dpdf, dw, dstart, dfinal)
                         for s in range(Ss)], axis=1)
    # numerator log-marginals under each speaker permutation -> [P,B,S]
    perms = list(permutations(range(Ss)))
    num_llh_perms = jnp.stack([
        jnp.stack([fsm_log_marginal(est_llhs[s], seqlengths, num_src[p[s]], num_dst[p[s]], num_pdf[p[s]],
                                    num_weight[p[s]], num_start[p[s]], num_final[p[s]])
                   for s in range(Ss)], axis=1)
        for p in perms], axis=0)
    idxs = jnp.argmax(jnp.sum(num_llh_perms, axis=2), axis=0)       # best perm per utt [B]
    idx3 = jnp.broadcast_to(idxs[None, :, None], (1, Bb, Ss))
    num_llh = jnp.take_along_axis(num_llh_perms, idx3, axis=0)[0]    # [B,S]
    loss = -(num_llh - DEN_SCALE * den_llh)
    return loss.sum()

if __name__ == "__main__":
    import jax
    _d = setup_inputs()
    print(jax.jit(kernel)(*tuple(_d.values())))

</pallas_src>

<mosaic_0001>
#map = affine_map<(d0, d1) -> (0, 0)>
#map1 = affine_map<(d0, d1) -> (0)>
module attributes {stable_mosaic.version = 14 : i64} {
  func.func @_sc_body(%arg0: i32, %arg1: i32, %arg2: memref<8000x2048xf32, #tpu.memory_space<hbm>>, %arg3: memref<16xi32, #tpu.memory_space<hbm>>, %arg4: memref<8192xi32, #tpu.memory_space<hbm>>, %arg5: memref<8192xi32, #tpu.memory_space<hbm>>, %arg6: memref<8192xi32, #tpu.memory_space<hbm>>, %arg7: memref<8192xf32, #tpu.memory_space<hbm>>, %arg8: memref<512xf32, #tpu.memory_space<hbm>>, %arg9: memref<512xf32, #tpu.memory_space<hbm>>, %arg10: memref<16x512xi32, #tpu.memory_space<hbm>>, %arg11: memref<16x512xi32, #tpu.memory_space<hbm>>, %arg12: memref<16x512xi32, #tpu.memory_space<hbm>>, %arg13: memref<16x512xf32, #tpu.memory_space<hbm>>, %arg14: memref<16x128xf32, #tpu.memory_space<hbm>>, %arg15: memref<16x128xf32, #tpu.memory_space<hbm>>, %arg16: memref<32x16xf32, #tpu.memory_space<hbm>>, %arg17: memref<8192xi32, #tpu.memory_space<vmem>>, %arg18: memref<8192xi32, #tpu.memory_space<vmem>>, %arg19: memref<8192xi32, #tpu.memory_space<vmem>>, %arg20: memref<8192xi32, #tpu.memory_space<vmem>>, %arg21: memref<8192xf32, #tpu.memory_space<vmem>>, %arg22: memref<512xf32, #tpu.memory_space<vmem>>, %arg23: memref<512xf32, #tpu.memory_space<vmem>>, %arg24: memref<512xf32, #tpu.memory_space<vmem>>, %arg25: memref<4096xf32, #tpu.memory_space<vmem>>, %arg26: memref<2048xf32, #tpu.memory_space<vmem>>, %arg27: memref<16xi32, #tpu.memory_space<vmem>>, %arg28: memref<16xf32, #tpu.memory_space<vmem>>, %arg29: memref<!tpu.dma_semaphore, #tpu.memory_space<semaphore_mem>>, %arg30: memref<!tpu.dma_semaphore, #tpu.memory_space<semaphore_mem>>) attributes {dimension_semantics = [#tpu.dimension_semantics<core_parallel>, #tpu.dimension_semantics<subcore_parallel>], iteration_bounds = array<i64: 2, 16>, scalar_prefetch = 0 : i64, scratch_operands = 14 : i64, tpu.core_type = #tpu.core_type<sc_vector_subcore>, window_params = [{transform_indices = #map}, {transform_indices = #map1}, {transform_indices = #map1}, {transform_indices = #map1}, {transform_indices = #map1}, {transform_indices = #map1}, {transform_indices = #map1}, {transform_indices = #map1}, {transform_indices = #map}, {transform_indices = #map}, {transform_indices = #map}, {transform_indices = #map}, {transform_indices = #map}, {transform_indices = #map}, {transform_indices = #map}]} {
    %mul3A = arith.constant 2 : i32
    %mul3A_0 = arith.muli %arg1, %mul3A : i32
    %add3A = arith.addi %mul3A_0, %arg0 : i32
    %iota3A = tpu.iota {dimensions = array<i32: 0>} : vector<16xi32>
    %broadcast_in_dim3A = arith.constant 0.000000e+00 : f32
    %broadcast_in_dim3A_1 = vector.broadcast %broadcast_in_dim3A : f32 to vector<16xf32>
    "tpu.region"() ({
      %run_scoped3A = tpu.sem_alloc : memref<!tpu.dma_semaphore, #tpu.memory_space<semaphore_mem>>
      tpu.enqueue_dma source(%arg3 : memref<16xi32, #tpu.memory_space<hbm>>) target(%arg27 : memref<16xi32, #tpu.memory_space<vmem>>) target_semaphore(%run_scoped3A : memref<!tpu.dma_semaphore, #tpu.memory_space<semaphore_mem>>)
      tpu.wait_dma2 semaphore(%run_scoped3A : memref<!tpu.dma_semaphore, #tpu.memory_space<semaphore_mem>>) src(%arg3 : memref<16xi32, #tpu.memory_space<hbm>>) dst(%arg27 : memref<16xi32, #tpu.memory_space<vmem>>)
      tpu.yield
    }) : () -> ()
    %lt3A = arith.constant 16 : i32
    %lt3A_2 = arith.cmpi slt, %add3A, %lt3A : i32
    %convert_element_type3A = arith.extui %lt3A_2 : i1 to i32
    %cond3A = arith.constant 0 : i32
    %cond3A_3 = arith.cmpi ne, %convert_element_type3A, %cond3A : i32
    scf.if %cond3A_3 {
      %jit3A = arith.constant 8 : i32
      %div3A = arith.divsi %add3A, %jit3A : i32
      %sign3A = arith.constant 0 : i32
      %sign3A_8 = arith.cmpi sgt, %add3A, %sign3A : i32
      %sign3A_9 = arith.extui %sign3A_8 : i1 to i32
      %sign3A_10 = arith.constant 0 : i32
      %sign3A_11 = arith.cmpi slt, %add3A, %sign3A_10 : i32
      %sign3A_12 = arith.extui %sign3A_11 : i1 to i32
      %sign3A_13 = arith.subi %sign3A_9, %sign3A_12 : i32
      %sign3A_14 = arith.constant 0 : i32
      %sign3A_15 = arith.cmpi sgt, %jit3A, %sign3A_14 : i32
      %sign3A_16 = arith.extui %sign3A_15 : i1 to i32
      %sign3A_17 = arith.constant 0 : i32
      %sign3A_18 = arith.cmpi slt, %jit3A, %sign3A_17 : i32
      %sign3A_19 = arith.extui %sign3A_18 : i1 to i32
      %sign3A_20 = arith.subi %sign3A_16, %sign3A_19 : i32
      %ne3A = arith.cmpi ne, %sign3A_13, %sign3A_20 : i32
      %rem3A = arith.remsi %add3A, %jit3A : i32
      %ne3A_21 = arith.constant 0 : i32
      %ne3A_22 = arith.cmpi ne, %rem3A, %ne3A_21 : i32
      %and3A = arith.andi %ne3A, %ne3A_22 : i1
      %sub3A = arith.constant 1 : i32
      %sub3A_23 = arith.subi %div3A, %sub3A : i32
      %select_n3A = arith.select %and3A, %sub3A_23, %div3A : i32
      %jit3A_24 = arith.constant 8 : i32
      %eq3A = arith.constant 0 : i32
      %eq3A_25 = arith.cmpi eq, %jit3A_24, %eq3A : i32
      %jit3A_26 = arith.constant 1 : i32
      %select_n3A_27 = arith.select %eq3A_25, %jit3A_26, %jit3A_24 : i32
      %rem3A_28 = arith.remsi %add3A, %select_n3A_27 : i32
      %ne3A_29 = arith.constant 0 : i32
      %ne3A_30 = arith.cmpi ne, %rem3A_28, %ne3A_29 : i32
      %lt3A_31 = arith.constant 0 : i32
      %lt3A_32 = arith.cmpi slt, %rem3A_28, %lt3A_31 : i32
      %lt3A_33 = arith.constant 0 : i32
      %lt3A_34 = arith.cmpi slt, %select_n3A_27, %lt3A_33 : i32
      %ne3A_35 = arith.xori %lt3A_32, %lt3A_34 : i1
      %and3A_36 = arith.andi %ne3A_35, %ne3A_30 : i1
      %add3A_37 = arith.addi %rem3A_28, %select_n3A_27 : i32
      %select_n3A_38 = arith.select %and3A_36, %add3A_37, %rem3A_28 : i32
      "tpu.region"() ({
        %run_scoped3A = tpu.sem_alloc : memref<!tpu.dma_semaphore, #tpu.memory_space<semaphore_mem>>
        tpu.enqueue_dma source(%arg4 : memref<8192xi32, #tpu.memory_space<hbm>>) target(%arg17 : memref<8192xi32, #tpu.memory_space<vmem>>) target_semaphore(%run_scoped3A : memref<!tpu.dma_semaphore, #tpu.memory_space<semaphore_mem>>)
        tpu.wait_dma2 semaphore(%run_scoped3A : memref<!tpu.dma_semaphore, #tpu.memory_space<semaphore_mem>>) src(%arg4 : memref<8192xi32, #tpu.memory_space<hbm>>) dst(%arg17 : memref<8192xi32, #tpu.memory_space<vmem>>)
        tpu.yield
      }) : () -> ()
      "tpu.region"() ({
        %run_scoped3A = tpu.sem_alloc : memref<!tpu.dma_semaphore, #tpu.memory_space<semaphore_mem>>
        tpu.enqueue_dma source(%arg5 : memref<8192xi32, #tpu.memory_space<hbm>>) target(%arg18 : memref<8192xi32, #tpu.memory_space<vmem>>) target_semaphore(%run_scoped3A : memref<!tpu.dma_semaphore, #tpu.memory_space<semaphore_mem>>)
        tpu.wait_dma2 semaphore(%run_scoped3A : memref<!tpu.dma_semaphore, #tpu.memory_space<semaphore_mem>>) src(%arg5 : memref<8192xi32, #tpu.memory_space<hbm>>) dst(%arg18 : memref<8192xi32, #tpu.memory_space<vmem>>)
        tpu.yield
      }) : () -> ()
      "tpu.region"() ({
        %run_scoped3A = tpu.sem_alloc : memref<!tpu.dma_semaphore, #tpu.memory_space<semaphore_mem>>
        tpu.enqueue_dma source(%arg6 : memref<8192xi32, #tpu.memory_space<hbm>>) target(%arg19 : memref<8192xi32, #tpu.memory_space<vmem>>) target_semaphore(%run_scoped3A : memref<!tpu.dma_semaphore, #tpu.memory_space<semaphore_mem>>)
        tpu.wait_dma2 semaphore(%run_scoped3A : memref<!tpu.dma_semaphore, #tpu.memory_space<semaphore_mem>>) src(%arg6 : memref<8192xi32, #tpu.memory_space<hbm>>) dst(%arg19 : memref<8192xi32, #tpu.memory_space<vmem>>)
        tpu.yield
      }) : () -> ()
      "tpu.region"() ({
        %run_scoped3A = tpu.sem_alloc : memref<!tpu.dma_semaphore, #tpu.memory_space<semaphore_mem>>
        tpu.enqueue_dma source(%arg7 : memref<8192xf32, #tpu.memory_space<hbm>>) target(%arg21 : memref<8192xf32, #tpu.memory_space<vmem>>) target_semaphore(%run_scoped3A : memref<!tpu.dma_semaphore, #tpu.memory_space<semaphore_mem>>)
        tpu.wait_dma2 semaphore(%run_scoped3A : memref<!tpu.dma_semaphore, #tpu.memory_space<semaphore_mem>>) src(%arg7 : memref<8192xf32, #tpu.memory_space<hbm>>) dst(%arg21 : memref<8192xf32, #tpu.memory_space<vmem>>)
        tpu.yield
      }) : () -> ()
      "tpu.region"() ({
        %run_scoped3A = tpu.sem_alloc : memref<!tpu.dma_semaphore, #tpu.memory_space<semaphore_mem>>
        tpu.enqueue_dma source(%arg9 : memref<512xf32, #tpu.memory_space<hbm>>) target(%arg24 : memref<512xf32, #tpu.memory_space<vmem>>) target_semaphore(%run_scoped3A : memref<!tpu.dma_semaphore, #tpu.memory_space<semaphore_mem>>)
        tpu.wait_dma2 semaphore(%run_scoped3A : memref<!tpu.dma_semaphore, #tpu.memory_space<semaphore_mem>>) src(%arg9 : memref<512xf32, #tpu.memory_space<hbm>>) dst(%arg24 : memref<512xf32, #tpu.memory_space<vmem>>)
        tpu.yield
      }) : () -> ()
      "tpu.region"() ({
        %run_scoped3A = tpu.sem_alloc : memref<!tpu.dma_semaphore, #tpu.memory_space<semaphore_mem>>
        tpu.enqueue_dma source(%arg8 : memref<512xf32, #tpu.memory_space<hbm>>) target(%arg23 : memref<512xf32, #tpu.memory_space<vmem>>) target_semaphore(%run_scoped3A : memref<!tpu.dma_semaphore, #tpu.memory_space<semaphore_mem>>)
        tpu.wait_dma2 semaphore(%run_scoped3A : memref<!tpu.dma_semaphore, #tpu.memory_space<semaphore_mem>>) src(%arg8 : memref<512xf32, #tpu.memory_space<hbm>>) dst(%arg23 : memref<512xf32, #tpu.memory_space<vmem>>)
        tpu.yield
      }) : () -> ()
      %scan3A = arith.constant 0 : i32
      %scan3A_39 = arith.constant 0 : i32
      %scan3A_40 = arith.constant 512 : i32
      %scan3A_41 = arith.addi %scan3A_39, %scan3A_40 : i32
      %scan3A_42 = arith.constant 1 : i32
      %scan3A_43 = scf.for %scan3A_116 = %scan3A_39 to %scan3A_41 step %scan3A_42 iter_args(%scan3A_117 = %scan3A) -> (i32)  : i32 {
        %mul3A_118 = arith.constant 16 : i32
        %mul3A_119 = arith.muli %scan3A_116, %mul3A_118 : i32
        %get3A_120 = arith.index_cast %mul3A_119 : i32 to index
        %get3A_121 = tpu.vector_load %arg17[%get3A_120] {strides = array<i32>} : memref<8192xi32, #tpu.memory_space<vmem>>, vector<16xi32>,
        %get3A_122 = arith.index_cast %mul3A_119 : i32 to index
        %get3A_123 = tpu.vector_load %arg18[%get3A_122] {strides = array<i32>} : memref<8192xi32, #tpu.memory_space<vmem>>, vector<16xi32>,
        %shift_left3A = arith.constant 9 : i32
        %shift_left3A_124 = vector.broadcast %shift_left3A : i32 to vector<16xi32>
        %shift_left3A_125 = arith.shli %get3A_123, %shift_left3A_124 : vector<16xi32>
        %or3A = arith.ori %get3A_121, %shift_left3A_125 : vector<16xi32>
        %get3A_126 = arith.index_cast %mul3A_119 : i32 to index
        %get3A_127 = tpu.vector_load %arg19[%get3A_126] {strides = array<i32>} : memref<8192xi32, #tpu.memory_space<vmem>>, vector<16xi32>,
        %shift_left3A_128 = arith.constant 18 : i32
        %shift_left3A_129 = vector.broadcast %shift_left3A_128 : i32 to vector<16xi32>
        %shift_left3A_130 = arith.shli %get3A_127, %shift_left3A_129 : vector<16xi32>
        %or3A_131 = arith.ori %or3A, %shift_left3A_130 : vector<16xi32>
        %swap3A_132 = arith.index_cast %mul3A_119 : i32 to index
        %swap3A_133 = tpu.vector_load %arg20[%swap3A_132] {strides = array<i32>} : memref<8192xi32, #tpu.memory_space<vmem>>, vector<16xi32>,
        tpu.vector_store %arg20[%swap3A_132], %or3A_131 {strides = array<i32>} : memref<8192xi32, #tpu.memory_space<vmem>>, vector<16xi32>,
        %scan3A_134 = arith.constant 0 : i32
        scf.yield %scan3A_134 : i32
      }
      %scan3A_44 = arith.constant 512 : i32
      %scan3A_45 = arith.constant 0 : i32
      %scan3A_46 = arith.constant 0 : i32
      %scan3A_47 = arith.constant 512 : i32
      %scan3A_48 = arith.addi %scan3A_46, %scan3A_47 : i32
      %scan3A_49 = arith.constant 1 : i32
      %scan3A_50 = scf.for %scan3A_116 = %scan3A_46 to %scan3A_48 step %scan3A_49 iter_args(%scan3A_117 = %scan3A_45) -> (i32)  : i32 {
        %mul3A_118 = arith.constant 16 : i32
        %mul3A_119 = arith.muli %scan3A_116, %mul3A_118 : i32
        %get3A_120 = arith.index_cast %mul3A_119 : i32 to index
        %get3A_121 = tpu.vector_load %arg21[%get3A_120] {strides = array<i32>} : memref<8192xf32, #tpu.memory_space<vmem>>, vector<16xf32>,
        %exp3A = math.exp %get3A_121 : vector<16xf32>
        %swap3A_122 = arith.index_cast %mul3A_119 : i32 to index
        %swap3A_123 = tpu.vector_load %arg21[%swap3A_122] {strides = array<i32>} : memref<8192xf32, #tpu.memory_space<vmem>>, vector<16xf32>,
        tpu.vector_store %arg21[%swap3A_122], %exp3A {strides = array<i32>} : memref<8192xf32, #tpu.memory_space<vmem>>, vector<16xf32>,
        %scan3A_124 = arith.constant 0 : i32
        scf.yield %scan3A_124 : i32
      }
      %scan3A_51 = arith.constant 512 : i32
      %scan3A_52 = arith.constant 0 : i32
      %scan3A_53 = arith.constant 0 : i32
      %scan3A_54 = arith.constant 32 : i32
      %scan3A_55 = arith.addi %scan3A_53, %scan3A_54 : i32
      %scan3A_56 = arith.constant 1 : i32
      %scan3A_57 = scf.for %scan3A_116 = %scan3A_53 to %scan3A_55 step %scan3A_56 iter_args(%scan3A_117 = %scan3A_52) -> (i32)  : i32 {
        %mul3A_118 = arith.constant 16 : i32
        %mul3A_119 = arith.muli %scan3A_116, %mul3A_118 : i32
        %get3A_120 = arith.index_cast %mul3A_119 : i32 to index
        %get3A_121 = tpu.vector_load %arg23[%get3A_120] {strides = array<i32>} : memref<512xf32, #tpu.memory_space<vmem>>, vector<16xf32>,
        %exp3A = math.exp %get3A_121 : vector<16xf32>
        %swap3A_122 = arith.index_cast %mul3A_119 : i32 to index
        %swap3A_123 = tpu.vector_load %arg22[%swap3A_122] {strides = array<i32>} : memref<512xf32, #tpu.memory_space<vmem>>, vector<16xf32>,
        tpu.vector_store %arg22[%swap3A_122], %exp3A {strides = array<i32>} : memref<512xf32, #tpu.memory_space<vmem>>, vector<16xf32>,
        %scan3A_124 = arith.constant 0 : i32
        scf.yield %scan3A_124 : i32
      }
      %scan3A_58 = arith.constant 32 : i32
      %scan3A_59 = arith.constant 0 : i32
      %scan3A_60 = arith.constant 0 : i32
      %scan3A_61 = arith.constant 32 : i32
      %scan3A_62 = arith.addi %scan3A_60, %scan3A_61 : i32
      %scan3A_63 = arith.constant 1 : i32
      %scan3A_64 = scf.for %scan3A_116 = %scan3A_60 to %scan3A_62 step %scan3A_63 iter_args(%scan3A_117 = %scan3A_59) -> (i32)  : i32 {
        %mul3A_118 = arith.constant 16 : i32
        %mul3A_119 = arith.muli %scan3A_116, %mul3A_118 : i32
        %swap3A_120 = arith.index_cast %mul3A_119 : i32 to index
        %swap3A_121 = tpu.vector_load %arg23[%swap3A_120] {strides = array<i32>} : memref<512xf32, #tpu.memory_space<vmem>>, vector<16xf32>,
        tpu.vector_store %arg23[%swap3A_120], %broadcast_in_dim3A_1 {strides = array<i32>} : memref<512xf32, #tpu.memory_space<vmem>>, vector<16xf32>,
        %scan3A_122 = arith.constant 0 : i32
        scf.yield %scan3A_122 : i32
      }
      %scan3A_65 = arith.constant 32 : i32
      %mul3A_66 = arith.constant 8 : i32
      %mul3A_67 = arith.muli %select_n3A, %mul3A_66 : i32
      %add3A_68 = arith.addi %mul3A_67, %select_n3A_38 : i32
      %mul3A_69 = arith.constant 500 : i32
      %mul3A_70 = arith.muli %add3A_68, %mul3A_69 : i32
      %get3A = arith.constant 0 : index
      %get3A_71 = tpu.vector_load %arg27[%get3A] {strides = array<i32>} : memref<16xi32, #tpu.memory_space<vmem>>, vector<16xi32>,
      %eq3A_72 = vector.broadcast %select_n3A_38 : i32 to vector<16xi32>
      %eq3A_73 = arith.cmpi eq, %iota3A, %eq3A_72 : vector<16xi32>
      %jit3A_74 = arith.constant 0 : i32
      %broadcast_in_dim3A_75 = vector.broadcast %jit3A_74 : i32 to vector<16xi32>
      %select_n3A_76 = arith.select %eq3A_73, %get3A_71, %broadcast_in_dim3A_75 : vector<16xi1>, vector<16xi32>
      %convert_element_type3A_77 = arith.sitofp %select_n3A_76 : vector<16xi32> to vector<16xf32>
      %reduce_max3A = arith.constant true
      %reduce_max3A_78 = vector.broadcast %reduce_max3A : i1 to vector<16xi1>
      %reduce_max3A_79 = tpu.scan <max>, %convert_element_type3A_77 masked %reduce_max3A_78 : vector<16xf32>, vector<16xi1> -> vector<16xf32>
      %reduce_max3A_80 = vector.extract %reduce_max3A_79[15] : f32 from vector<16xf32>
      %convert_element_type3A_81 = arith.fptosi %reduce_max3A_80 : f32 to i32
      %while3A = arith.constant 0 : i32
      %while3A_82 = arith.constant 0 : i32
      %while3A_83 = arith.subi %convert_element_type3A_81, %while3A : i32
      %while3A_84 = arith.addi %while3A, %while3A_83 : i32
      %while3A_85 = arith.constant 1 : i32
      %while3A_86 = arith.divsi %while3A_83, %while3A_85 : i32
      %while3A_87 = arith.muli %while3A_86, %while3A_85 : i32
      %while3A_88 = arith.addi %while3A, %while3A_87 : i32
      %while3A_89 = arith.constant 1 : i32
      %while3A_90 = scf.for %while3A_116 = %while3A to %while3A_88 step %while3A_89 iter_args(%while3A_117 = %while3A_82) -> (i32)  : i32 {
        %add3A_118 = arith.addi %mul3A_70, %while3A_116 : i32
        "tpu.region"() ({
          %run_scoped3A = tpu.sem_alloc : memref<!tpu.dma_semaphore, #tpu.memory_space<semaphore_mem>>
          %dma_start3A = arith.constant 0 : i32
          %dma_start3A_155 = tpu.memref_slice %arg25[%dma_start3A] : memref<4096xf32, #tpu.memory_space<vmem>> -> memref<2048xf32, #tpu.memory_space<vmem>>
          %dma_start3A_156 = arith.constant 0 : i32
          %dma_start3A_157 = tpu.memref_slice %arg2[%add3A_118, %dma_start3A_156] : memref<8000x2048xf32, #tpu.memory_space<hbm>> -> memref<1x2048xf32, #tpu.memory_space<hbm>>
          %dma_start3A_158 = tpu.memref_squeeze %dma_start3A_157 : memref<1x2048xf32, #tpu.memory_space<hbm>> -> memref<2048xf32, #tpu.memory_space<hbm>>
          %dma_start3A_159 = arith.constant 0 : i32
          %dma_start3A_160 = tpu.memref_slice %arg25[%dma_start3A_159] : memref<4096xf32, #tpu.memory_space<vmem>> -> memref<2048xf32, #tpu.memory_space<vmem>>
          %dma_start3A_161 = arith.constant 0 : i32
          %dma_start3A_162 = tpu.memref_slice %arg2[%add3A_118, %dma_start3A_161] : memref<8000x2048xf32, #tpu.memory_space<hbm>> -> memref<1x2048xf32, #tpu.memory_space<hbm>>
          %dma_start3A_163 = tpu.memref_squeeze %dma_start3A_162 : memref<1x2048xf32, #tpu.memory_space<hbm>> -> memref<2048xf32, #tpu.memory_space<hbm>>
          tpu.enqueue_dma source(%dma_start3A_163 : memref<2048xf32, #tpu.memory_space<hbm>>) target(%dma_start3A_160 : memref<2048xf32, #tpu.memory_space<vmem>>) target_semaphore(%run_scoped3A : memref<!tpu.dma_semaphore, #tpu.memory_space<semaphore_mem>>)
          %dma_wait3A = arith.constant 0 : i32
          %dma_wait3A_164 = tpu.memref_slice %arg25[%dma_wait3A] : memref<4096xf32, #tpu.memory_space<vmem>> -> memref<2048xf32, #tpu.memory_space<vmem>>
          %dma_wait3A_165 = arith.constant 0 : i32
          %dma_wait3A_166 = tpu.memref_slice %arg2[%add3A_118, %dma_wait3A_165] : memref<8000x2048xf32, #tpu.memory_space<hbm>> -> memref<1x2048xf32, #tpu.memory_space<hbm>>
          %dma_wait3A_167 = tpu.memref_squeeze %dma_wait3A_166 : memref<1x2048xf32, #tpu.memory_space<hbm>> -> memref<2048xf32, #tpu.memory_space<hbm>>
          %dma_wait3A_168 = arith.constant 0 : i32
          %dma_wait3A_169 = tpu.memref_slice %arg25[%dma_wait3A_168] : memref<4096xf32, #tpu.memory_space<vmem>> -> memref<2048xf32, #tpu.memory_space<vmem>>
          %dma_wait3A_170 = arith.constant 0 : i32
          %dma_wait3A_171 = tpu.memref_slice %arg2[%add3A_118, %dma_wait3A_170] : memref<8000x2048xf32, #tpu.memory_space<hbm>> -> memref<1x2048xf32, #tpu.memory_space<hbm>>
          %dma_wait3A_172 = tpu.memref_squeeze %dma_wait3A_171 : memref<1x2048xf32, #tpu.memory_space<hbm>> -> memref<2048xf32, #tpu.memory_space<hbm>>
          tpu.wait_dma2 semaphore(%run_scoped3A : memref<!tpu.dma_semaphore, #tpu.memory_space<semaphore_mem>>) src(%dma_wait3A_172 : memref<2048xf32, #tpu.memory_space<hbm>>) dst(%dma_wait3A_169 : memref<2048xf32, #tpu.memory_space<vmem>>)
          tpu.yield
        }) : () -> ()
        %parallel_loop3A = arith.constant 0 : i32
        %parallel_loop3A_119 = arith.constant 128 : i32
        %parallel_loop3A_120 = arith.constant 1 : i32
        scf.for %parallel_loop3A_155 = %parallel_loop3A to %parallel_loop3A_119 step %parallel_loop3A_120  : i32 {
          %parallel_loop3A_156 = arith.constant 16 : i32
          %parallel_loop3A_157 = arith.muli %parallel_loop3A_155, %parallel_loop3A_156 : i32
          %parallel_loop3A_158 = arith.constant 16 : i32
          %parallel_loop3A_159 = arith.muli %parallel_loop3A_155, %parallel_loop3A_158 : i32
          %parallel_loop3A_160 = arith.constant 0 : i32
          %parallel_loop3A_161 = arith.addi %parallel_loop3A_160, %parallel_loop3A_159 : i32
          %parallel_loop3A_162 = arith.index_cast %parallel_loop3A_161 : i32 to index
          %parallel_loop3A_163 = tpu.vector_load %arg25[%parallel_loop3A_162] {strides = array<i32>} : memref<4096xf32, #tpu.memory_space<vmem>>, vector<16xf32>,
          %parallel_loop3A_164 = math.exp %parallel_loop3A_163 : vector<16xf32>
          %parallel_loop3A_165 = arith.index_cast %parallel_loop3A_157 : i32 to index
          %parallel_loop3A_166 = tpu.vector_load %arg26[%parallel_loop3A_165] {strides = array<i32>} : memref<2048xf32, #tpu.memory_space<vmem>>, vector<16xf32>,
          tpu.vector_store %arg26[%parallel_loop3A_165], %parallel_loop3A_164 {strides = array<i32>} : memref<2048xf32, #tpu.memory_space<vmem>>, vector<16xf32>,
        } {sc.loop_unroll_factor = 4 : i64, sc.parallel_access}
        %parallel_loop3A_121 = arith.constant 0 : i32
        %parallel_loop3A_122 = arith.constant 512 : i32
        %parallel_loop3A_123 = arith.constant 1 : i32
        scf.for %parallel_loop3A_155 = %parallel_loop3A_121 to %parallel_loop3A_122 step %parallel_loop3A_123  : i32 {
          %parallel_loop3A_156 = arith.constant 16 : i32
          %parallel_loop3A_157 = arith.muli %parallel_loop3A_155, %parallel_loop3A_156 : i32
          %parallel_loop3A_158 = arith.index_cast %parallel_loop3A_157 : i32 to index
          %parallel_loop3A_159 = tpu.vector_load %arg20[%parallel_loop3A_158] {strides = array<i32>} : memref<8192xi32, #tpu.memory_space<vmem>>, vector<16xi32>,
          %parallel_loop3A_160 = arith.constant 511 : i32
          %parallel_loop3A_161 = vector.broadcast %parallel_loop3A_160 : i32 to vector<16xi32>
          %parallel_loop3A_162 = arith.andi %parallel_loop3A_159, %parallel_loop3A_161 : vector<16xi32>
          %parallel_loop3A_163 = tpu.vector_load_idx %arg22[%parallel_loop3A_162] : memref<512xf32, #tpu.memory_space<vmem>>[vector<16xi32>], vector<16xf32>,
          %parallel_loop3A_164 = arith.constant 18 : i32
          %parallel_loop3A_165 = vector.broadcast %parallel_loop3A_164 : i32 to vector<16xi32>
          %parallel_loop3A_166 = arith.shrsi %parallel_loop3A_159, %parallel_loop3A_165 : vector<16xi32>
          %parallel_loop3A_167 = tpu.vector_load_idx %arg26[%parallel_loop3A_166] : memref<2048xf32, #tpu.memory_space<vmem>>[vector<16xi32>], vector<16xf32>,
          %parallel_loop3A_168 = arith.index_cast %parallel_loop3A_157 : i32 to index
          %parallel_loop3A_169 = tpu.vector_load %arg21[%parallel_loop3A_168] {strides = array<i32>} : memref<8192xf32, #tpu.memory_space<vmem>>, vector<16xf32>,
          %parallel_loop3A_170 = arith.mulf %parallel_loop3A_163, %parallel_loop3A_169 : vector<16xf32>
          %parallel_loop3A_171 = arith.mulf %parallel_loop3A_170, %parallel_loop3A_167 : vector<16xf32>
          %parallel_loop3A_172 = arith.constant 9 : i32
          %parallel_loop3A_173 = vector.broadcast %parallel_loop3A_172 : i32 to vector<16xi32>
          %parallel_loop3A_174 = arith.shrsi %parallel_loop3A_159, %parallel_loop3A_173 : vector<16xi32>
          %parallel_loop3A_175 = arith.constant 511 : i32
          %parallel_loop3A_176 = vector.broadcast %parallel_loop3A_175 : i32 to vector<16xi32>
          %parallel_loop3A_177 = arith.andi %parallel_loop3A_174, %parallel_loop3A_176 : vector<16xi32>
          tpu.vector_store_idx %arg23[%parallel_loop3A_177], %parallel_loop3A_171 {add = true} : memref<512xf32, #tpu.memory_space<vmem>>[vector<16xi32>], vector<16xf32>,
        } {sc.loop_unroll_factor = 4 : i64, sc.parallel_access}
        %scan3A_124 = arith.constant 0 : i32
        %scan3A_125 = arith.constant 32 : i32
        %scan3A_126 = arith.addi %scan3A_124, %scan3A_125 : i32
        %scan3A_127 = arith.constant 1 : i32
        %scan3A_128 = scf.for %scan3A_155 = %scan3A_124 to %scan3A_126 step %scan3A_127 iter_args(%scan3A_156 = %broadcast_in_dim3A_1) -> (vector<16xf32>)  : i32 {
          %mul3A_157 = arith.constant 16 : i32
          %mul3A_158 = arith.muli %scan3A_155, %mul3A_157 : i32
          %add3A_159 = arith.constant 0 : i32
          %add3A_160 = arith.addi %add3A_159, %mul3A_158 : i32
          %get3A_161 = arith.index_cast %add3A_160 : i32 to index
          %get3A_162 = tpu.vector_load %arg23[%get3A_161] {strides = array<i32>} : memref<512xf32, #tpu.memory_space<vmem>>, vector<16xf32>,
          %max3A = arith.maximumf %scan3A_156, %get3A_162 : vector<16xf32>
          scf.yield %max3A : vector<16xf32>
        }
        %scan3A_129 = arith.constant 32 : i32
        %bitcast3A = vector.bitcast %scan3A_128 : vector<16xf32> to vector<16xi32>
        %shift_right_arithmetic3A = arith.constant 23 : i32
        %shift_right_arithmetic3A_130 = vector.broadcast %shift_right_arithmetic3A : i32 to vector<16xi32>
        %shift_right_arithmetic3A_131 = arith.shrsi %bitcast3A, %shift_right_arithmetic3A_130 : vector<16xi32>
        %sub3A_132 = arith.constant 127 : i32
        %sub3A_133 = vector.broadcast %sub3A_132 : i32 to vector<16xi32>
        %sub3A_134 = arith.subi %shift_right_arithmetic3A_131, %sub3A_133 : vector<16xi32>
        %convert_element_type3A_135 = arith.sitofp %sub3A_134 : vector<16xi32> to vector<16xf32>
        %reduce_max3A_136 = arith.constant true
        %reduce_max3A_137 = vector.broadcast %reduce_max3A_136 : i1 to vector<16xi1>
        %reduce_max3A_138 = tpu.scan <max>, %convert_element_type3A_135 masked %reduce_max3A_137 : vector<16xf32>, vector<16xi1> -> vector<16xf32>
        %reduce_max3A_139 = vector.extract %reduce_max3A_138[15] : f32 from vector<16xf32>
        %convert_element_type3A_140 = arith.fptosi %reduce_max3A_139 : f32 to i32
        %sub3A_141 = arith.constant 127 : i32
        %sub3A_142 = arith.subi %sub3A_141, %convert_element_type3A_140 : i32
        %broadcast_in_dim3A_143 = vector.broadcast %sub3A_142 : i32 to vector<16xi32>
        %shift_left3A = arith.constant 23 : i32
        %shift_left3A_144 = vector.broadcast %shift_left3A : i32 to vector<16xi32>
        %shift_left3A_145 = arith.shli %broadcast_in_dim3A_143, %shift_left3A_144 : vector<16xi32>
        %bitcast3A_146 = vector.bitcast %shift_left3A_145 : vector<16xi32> to vector<16xf32>
        %scan3A_147 = arith.constant 0 : i32
        %scan3A_148 = arith.constant 0 : i32
        %scan3A_149 = arith.constant 32 : i32
        %scan3A_150 = arith.addi %scan3A_148, %scan3A_149 : i32
        %scan3A_151 = arith.constant 1 : i32
        %scan3A_152 = scf.for %scan3A_155 = %scan3A_148 to %scan3A_150 step %scan3A_151 iter_args(%scan3A_156 = %scan3A_147) -> (i32)  : i32 {
          %mul3A_157 = arith.constant 16 : i32
          %mul3A_158 = arith.muli %scan3A_155, %mul3A_157 : i32
          %add3A_159 = arith.constant 0 : i32
          %add3A_160 = arith.addi %add3A_159, %mul3A_158 : i32
          %get3A_161 = arith.index_cast %add3A_160 : i32 to index
          %get3A_162 = tpu.vector_load %arg23[%get3A_161] {strides = array<i32>} : memref<512xf32, #tpu.memory_space<vmem>>, vector<16xf32>,
          %mul3A_163 = arith.mulf %get3A_162, %bitcast3A_146 : vector<16xf32>
          %swap3A_164 = arith.index_cast %add3A_160 : i32 to index
          %swap3A_165 = tpu.vector_load %arg22[%swap3A_164] {strides = array<i32>} : memref<512xf32, #tpu.memory_space<vmem>>, vector<16xf32>,
          tpu.vector_store %arg22[%swap3A_164], %mul3A_163 {strides = array<i32>} : memref<512xf32, #tpu.memory_space<vmem>>, vector<16xf32>,
          %swap3A_166 = arith.index_cast %add3A_160 : i32 to index
          %swap3A_167 = tpu.vector_load %arg23[%swap3A_166] {strides = array<i32>} : memref<512xf32, #tpu.memory_space<vmem>>, vector<16xf32>,
          tpu.vector_store %arg23[%swap3A_166], %broadcast_in_dim3A_1 {strides = array<i32>} : memref<512xf32, #tpu.memory_space<vmem>>, vector<16xf32>,
          %scan3A_168 = arith.constant 0 : i32
          scf.yield %scan3A_168 : i32
        }
        %scan3A_153 = arith.constant 32 : i32
        %add3A_154 = arith.addi %while3A_117, %convert_element_type3A_140 : i32
        scf.yield %add3A_154 : i32
      }
      %while3A_91 = arith.constant 1 : i32
      %while3A_92 = scf.for %while3A_116 = %while3A_88 to %while3A_84 step %while3A_91 iter_args(%while3A_117 = %while3A_90) -> (i32)  : i32 {
        %add3A_118 = arith.addi %mul3A_70, %while3A_116 : i32
        "tpu.region"() ({
          %run_scoped3A = tpu.sem_alloc : memref<!tpu.dma_semaphore, #tpu.memory_space<semaphore_mem>>
          %dma_start3A = arith.constant 0 : i32
          %dma_start3A_155 = tpu.memref_slice %arg25[%dma_start3A] : memref<4096xf32, #tpu.memory_space<vmem>> -> memref<2048xf32, #tpu.memory_space<vmem>>
          %dma_start3A_156 = arith.constant 0 : i32
          %dma_start3A_157 = tpu.memref_slice %arg2[%add3A_118, %dma_start3A_156] : memref<8000x2048xf32, #tpu.memory_space<hbm>> -> memref<1x2048xf32, #tpu.memory_space<hbm>>
          %dma_start3A_158 = tpu.memref_squeeze %dma_start3A_157 : memref<1x2048xf32, #tpu.memory_space<hbm>> -> memref<2048xf32, #tpu.memory_space<hbm>>
          %dma_start3A_159 = arith.constant 0 : i32
          %dma_start3A_160 = tpu.memref_slice %arg25[%dma_start3A_159] : memref<4096xf32, #tpu.memory_space<vmem>> -> memref<2048xf32, #tpu.memory_space<vmem>>
          %dma_start3A_161 = arith.constant 0 : i32
          %dma_start3A_162 = tpu.memref_slice %arg2[%add3A_118, %dma_start3A_161] : memref<8000x2048xf32, #tpu.memory_space<hbm>> -> memref<1x2048xf32, #tpu.memory_space<hbm>>
          %dma_start3A_163 = tpu.memref_squeeze %dma_start3A_162 : memref<1x2048xf32, #tpu.memory_space<hbm>> -> memref<2048xf32, #tpu.memory_space<hbm>>
          tpu.enqueue_dma source(%dma_start3A_163 : memref<2048xf32, #tpu.memory_space<hbm>>) target(%dma_start3A_160 : memref<2048xf32, #tpu.memory_space<vmem>>) target_semaphore(%run_scoped3A : memref<!tpu.dma_semaphore, #tpu.memory_space<semaphore_mem>>)
          %dma_wait3A = arith.constant 0 : i32
          %dma_wait3A_164 = tpu.memref_slice %arg25[%dma_wait3A] : memref<4096xf32, #tpu.memory_space<vmem>> -> memref<2048xf32, #tpu.memory_space<vmem>>
          %dma_wait3A_165 = arith.constant 0 : i32
          %dma_wait3A_166 = tpu.memref_slice %arg2[%add3A_118, %dma_wait3A_165] : memref<8000x2048xf32, #tpu.memory_space<hbm>> -> memref<1x2048xf32, #tpu.memory_space<hbm>>
          %dma_wait3A_167 = tpu.memref_squeeze %dma_wait3A_166 : memref<1x2048xf32, #tpu.memory_space<hbm>> -> memref<2048xf32, #tpu.memory_space<hbm>>
          %dma_wait3A_168 = arith.constant 0 : i32
          %dma_wait3A_169 = tpu.memref_slice %arg25[%dma_wait3A_168] : memref<4096xf32, #tpu.memory_space<vmem>> -> memref<2048xf32, #tpu.memory_space<vmem>>
          %dma_wait3A_170 = arith.constant 0 : i32
          %dma_wait3A_171 = tpu.memref_slice %arg2[%add3A_118, %dma_wait3A_170] : memref<8000x2048xf32, #tpu.memory_space<hbm>> -> memref<1x2048xf32, #tpu.memory_space<hbm>>
          %dma_wait3A_172 = tpu.memref_squeeze %dma_wait3A_171 : memref<1x2048xf32, #tpu.memory_space<hbm>> -> memref<2048xf32, #tpu.memory_space<hbm>>
          tpu.wait_dma2 semaphore(%run_scoped3A : memref<!tpu.dma_semaphore, #tpu.memory_space<semaphore_mem>>) src(%dma_wait3A_172 : memref<2048xf32, #tpu.memory_space<hbm>>) dst(%dma_wait3A_169 : memref<2048xf32, #tpu.memory_space<vmem>>)
          tpu.yield
        }) : () -> ()
        %parallel_loop3A = arith.constant 0 : i32
        %parallel_loop3A_119 = arith.constant 128 : i32
        %parallel_loop3A_120 = arith.constant 1 : i32
        scf.for %parallel_loop3A_155 = %parallel_loop3A to %parallel_loop3A_119 step %parallel_loop3A_120  : i32 {
          %parallel_loop3A_156 = arith.constant 16 : i32
          %parallel_loop3A_157 = arith.muli %parallel_loop3A_155, %parallel_loop3A_156 : i32
          %parallel_loop3A_158 = arith.constant 16 : i32
          %parallel_loop3A_159 = arith.muli %parallel_loop3A_155, %parallel_loop3A_158 : i32
          %parallel_loop3A_160 = arith.constant 0 : i32
          %parallel_loop3A_161 = arith.addi %parallel_loop3A_160, %parallel_loop3A_159 : i32
          %parallel_loop3A_162 = arith.index_cast %parallel_loop3A_161 : i32 to index
          %parallel_loop3A_163 = tpu.vector_load %arg25[%parallel_loop3A_162] {strides = array<i32>} : memref<4096xf32, #tpu.memory_space<vmem>>, vector<16xf32>,
          %parallel_loop3A_164 = math.exp %parallel_loop3A_163 : vector<16xf32>
          %parallel_loop3A_165 = arith.index_cast %parallel_loop3A_157 : i32 to index
          %parallel_loop3A_166 = tpu.vector_load %arg26[%parallel_loop3A_165] {strides = array<i32>} : memref<2048xf32, #tpu.memory_space<vmem>>, vector<16xf32>,
          tpu.vector_store %arg26[%parallel_loop3A_165], %parallel_loop3A_164 {strides = array<i32>} : memref<2048xf32, #tpu.memory_space<vmem>>, vector<16xf32>,
        } {sc.loop_unroll_factor = 4 : i64, sc.parallel_access}
        %parallel_loop3A_121 = arith.constant 0 : i32
        %parallel_loop3A_122 = arith.constant 512 : i32
        %parallel_loop3A_123 = arith.constant 1 : i32
        scf.for %parallel_loop3A_155 = %parallel_loop3A_121 to %parallel_loop3A_122 step %parallel_loop3A_123  : i32 {
          %parallel_loop3A_156 = arith.constant 16 : i32
          %parallel_loop3A_157 = arith.muli %parallel_loop3A_155, %parallel_loop3A_156 : i32
          %parallel_loop3A_158 = arith.index_cast %parallel_loop3A_157 : i32 to index
          %parallel_loop3A_159 = tpu.vector_load %arg20[%parallel_loop3A_158] {strides = array<i32>} : memref<8192xi32, #tpu.memory_space<vmem>>, vector<16xi32>,
          %parallel_loop3A_160 = arith.constant 511 : i32
          %parallel_loop3A_161 = vector.broadcast %parallel_loop3A_160 : i32 to vector<16xi32>
          %parallel_loop3A_162 = arith.andi %parallel_loop3A_159, %parallel_loop3A_161 : vector<16xi32>
          %parallel_loop3A_163 = tpu.vector_load_idx %arg22[%parallel_loop3A_162] : memref<512xf32, #tpu.memory_space<vmem>>[vector<16xi32>], vector<16xf32>,
          %parallel_loop3A_164 = arith.constant 18 : i32
          %parallel_loop3A_165 = vector.broadcast %parallel_loop3A_164 : i32 to vector<16xi32>
          %parallel_loop3A_166 = arith.shrsi %parallel_loop3A_159, %parallel_loop3A_165 : vector<16xi32>
          %parallel_loop3A_167 = tpu.vector_load_idx %arg26[%parallel_loop3A_166] : memref<2048xf32, #tpu.memory_space<vmem>>[vector<16xi32>], vector<16xf32>,
          %parallel_loop3A_168 = arith.index_cast %parallel_loop3A_157 : i32 to index
          %parallel_loop3A_169 = tpu.vector_load %arg21[%parallel_loop3A_168] {strides = array<i32>} : memref<8192xf32, #tpu.memory_space<vmem>>, vector<16xf32>,
          %parallel_loop3A_170 = arith.mulf %parallel_loop3A_163, %parallel_loop3A_169 : vector<16xf32>
          %parallel_loop3A_171 = arith.mulf %parallel_loop3A_170, %parallel_loop3A_167 : vector<16xf32>
          %parallel_loop3A_172 = arith.constant 9 : i32
          %parallel_loop3A_173 = vector.broadcast %parallel_loop3A_172 : i32 to vector<16xi32>
          %parallel_loop3A_174 = arith.shrsi %parallel_loop3A_159, %parallel_loop3A_173 : vector<16xi32>
          %parallel_loop3A_175 = arith.constant 511 : i32
          %parallel_loop3A_176 = vector.broadcast %parallel_loop3A_175 : i32 to vector<16xi32>
          %parallel_loop3A_177 = arith.andi %parallel_loop3A_174, %parallel_loop3A_176 : vector<16xi32>
          tpu.vector_store_idx %arg23[%parallel_loop3A_177], %parallel_loop3A_171 {add = true} : memref<512xf32, #tpu.memory_space<vmem>>[vector<16xi32>], vector<16xf32>,
        } {sc.loop_unroll_factor = 4 : i64, sc.parallel_access}
        %scan3A_124 = arith.constant 0 : i32
        %scan3A_125 = arith.constant 32 : i32
        %scan3A_126 = arith.addi %scan3A_124, %scan3A_125 : i32
        %scan3A_127 = arith.constant 1 : i32
        %scan3A_128 = scf.for %scan3A_155 = %scan3A_124 to %scan3A_126 step %scan3A_127 iter_args(%scan3A_156 = %broadcast_in_dim3A_1) -> (vector<16xf32>)  : i32 {
          %mul3A_157 = arith.constant 16 : i32
          %mul3A_158 = arith.muli %scan3A_155, %mul3A_157 : i32
          %add3A_159 = arith.constant 0 : i32
          %add3A_160 = arith.addi %add3A_159, %mul3A_158 : i32
          %get3A_161 = arith.index_cast %add3A_160 : i32 to index
          %get3A_162 = tpu.vector_load %arg23[%get3A_161] {strides = array<i32>} : memref<512xf32, #tpu.memory_space<vmem>>, vector<16xf32>,
          %max3A = arith.maximumf %scan3A_156, %get3A_162 : vector<16xf32>
          scf.yield %max3A : vector<16xf32>
        }
        %scan3A_129 = arith.constant 32 : i32
        %bitcast3A = vector.bitcast %scan3A_128 : vector<16xf32> to vector<16xi32>
        %shift_right_arithmetic3A = arith.constant 23 : i32
        %shift_right_arithmetic3A_130 = vector.broadcast %shift_right_arithmetic3A : i32 to vector<16xi32>
        %shift_right_arithmetic3A_131 = arith.shrsi %bitcast3A, %shift_right_arithmetic3A_130 : vector<16xi32>
        %sub3A_132 = arith.constant 127 : i32
        %sub3A_133 = vector.broadcast %sub3A_132 : i32 to vector<16xi32>
        %sub3A_134 = arith.subi %shift_right_arithmetic3A_131, %sub3A_133 : vector<16xi32>
        %convert_element_type3A_135 = arith.sitofp %sub3A_134 : vector<16xi32> to vector<16xf32>
        %reduce_max3A_136 = arith.constant true
        %reduce_max3A_137 = vector.broadcast %reduce_max3A_136 : i1 to vector<16xi1>
        %reduce_max3A_138 = tpu.scan <max>, %convert_element_type3A_135 masked %reduce_max3A_137 : vector<16xf32>, vector<16xi1> -> vector<16xf32>
        %reduce_max3A_139 = vector.extract %reduce_max3A_138[15] : f32 from vector<16xf32>
        %convert_element_type3A_140 = arith.fptosi %reduce_max3A_139 : f32 to i32
        %sub3A_141 = arith.constant 127 : i32
        %sub3A_142 = arith.subi %sub3A_141, %convert_element_type3A_140 : i32
        %broadcast_in_dim3A_143 = vector.broadcast %sub3A_142 : i32 to vector<16xi32>
        %shift_left3A = arith.constant 23 : i32
        %shift_left3A_144 = vector.broadcast %shift_left3A : i32 to vector<16xi32>
        %shift_left3A_145 = arith.shli %broadcast_in_dim3A_143, %shift_left3A_144 : vector<16xi32>
        %bitcast3A_146 = vector.bitcast %shift_left3A_145 : vector<16xi32> to vector<16xf32>
        %scan3A_147 = arith.constant 0 : i32
        %scan3A_148 = arith.constant 0 : i32
        %scan3A_149 = arith.constant 32 : i32
        %scan3A_150 = arith.addi %scan3A_148, %scan3A_149 : i32
        %scan3A_151 = arith.constant 1 : i32
        %scan3A_152 = scf.for %scan3A_155 = %scan3A_148 to %scan3A_150 step %scan3A_151 iter_args(%scan3A_156 = %scan3A_147) -> (i32)  : i32 {
          %mul3A_157 = arith.constant 16 : i32
          %mul3A_158 = arith.muli %scan3A_155, %mul3A_157 : i32
          %add3A_159 = arith.constant 0 : i32
          %add3A_160 = arith.addi %add3A_159, %mul3A_158 : i32
          %get3A_161 = arith.index_cast %add3A_160 : i32 to index
          %get3A_162 = tpu.vector_load %arg23[%get3A_161] {strides = array<i32>} : memref<512xf32, #tpu.memory_space<vmem>>, vector<16xf32>,
          %mul3A_163 = arith.mulf %get3A_162, %bitcast3A_146 : vector<16xf32>
          %swap3A_164 = arith.index_cast %add3A_160 : i32 to index
          %swap3A_165 = tpu.vector_load %arg22[%swap3A_164] {strides = array<i32>} : memref<512xf32, #tpu.memory_space<vmem>>, vector<16xf32>,
          tpu.vector_store %arg22[%swap3A_164], %mul3A_163 {strides = array<i32>} : memref<512xf32, #tpu.memory_space<vmem>>, vector<16xf32>,
          %swap3A_166 = arith.index_cast %add3A_160 : i32 to index
          %swap3A_167 = tpu.vector_load %arg23[%swap3A_166] {strides = array<i32>} : memref<512xf32, #tpu.memory_space<vmem>>, vector<16xf32>,
          tpu.vector_store %arg23[%swap3A_166], %broadcast_in_dim3A_1 {strides = array<i32>} : memref<512xf32, #tpu.memory_space<vmem>>, vector<16xf32>,
          %scan3A_168 = arith.constant 0 : i32
          scf.yield %scan3A_168 : i32
        }
        %scan3A_153 = arith.constant 32 : i32
        %add3A_154 = arith.addi %while3A_117, %convert_element_type3A_140 : i32
        scf.yield %add3A_154 : i32
      }
      %scan3A_93 = arith.constant 0 : i32
      %scan3A_94 = arith.constant 32 : i32
      %scan3A_95 = arith.addi %scan3A_93, %scan3A_94 : i32
      %scan3A_96 = arith.constant 1 : i32
      %scan3A_97 = scf.for %scan3A_116 = %scan3A_93 to %scan3A_95 step %scan3A_96 iter_args(%scan3A_117 = %broadcast_in_dim3A_1) -> (vector<16xf32>)  : i32 {
        %mul3A_118 = arith.constant 16 : i32
        %mul3A_119 = arith.muli %scan3A_116, %mul3A_118 : i32
        %add3A_120 = arith.constant 0 : i32
        %add3A_121 = arith.addi %add3A_120, %mul3A_119 : i32
        %get3A_122 = arith.index_cast %add3A_121 : i32 to index
        %get3A_123 = tpu.vector_load %arg22[%get3A_122] {strides = array<i32>} : memref<512xf32, #tpu.memory_space<vmem>>, vector<16xf32>,
        %get3A_124 = arith.index_cast %add3A_121 : i32 to index
        %get3A_125 = tpu.vector_load %arg24[%get3A_124] {strides = array<i32>} : memref<512xf32, #tpu.memory_space<vmem>>, vector<16xf32>,
        %exp3A = math.exp %get3A_125 : vector<16xf32>
        %mul3A_126 = arith.mulf %get3A_123, %exp3A : vector<16xf32>
        %add3A_127 = arith.addf %scan3A_117, %mul3A_126 : vector<16xf32>
        scf.yield %add3A_127 : vector<16xf32>
      }
      %scan3A_98 = arith.constant 32 : i32
      %reduce_sum3A = arith.constant true
      %reduce_sum3A_99 = vector.broadcast %reduce_sum3A : i1 to vector<16xi1>
      %reduce_sum3A_100 = tpu.scan <sum>, %scan3A_97 masked %reduce_sum3A_99 : vector<16xf32>, vector<16xi1> -> vector<16xf32>
      %reduce_sum3A_101 = vector.extract %reduce_sum3A_100[15] : f32 from vector<16xf32>
      %eq3A_102 = arith.constant 0 : i32
      %eq3A_103 = vector.broadcast %eq3A_102 : i32 to vector<16xi32>
      %eq3A_104 = arith.cmpi eq, %iota3A, %eq3A_103 : vector<16xi32>
      %eq3A_105 = arith.constant 1 : i32
      %eq3A_106 = vector.broadcast %eq3A_105 : i32 to vector<16xi32>
      %eq3A_107 = arith.cmpi eq, %iota3A, %eq3A_106 : vector<16xi32>
      %convert_element_type3A_108 = arith.sitofp %while3A_92 : i32 to f32
      %jit3A_109 = arith.constant 0.000000e+00 : f32
      %broadcast_in_dim3A_110 = vector.broadcast %convert_element_type3A_108 : f32 to vector<16xf32>
      %broadcast_in_dim3A_111 = vector.broadcast %jit3A_109 : f32 to vector<16xf32>
      %select_n3A_112 = arith.select %eq3A_107, %broadcast_in_dim3A_110, %broadcast_in_dim3A_111 : vector<16xi1>, vector<16xf32>
      %broadcast_in_dim3A_113 = vector.broadcast %reduce_sum3A_101 : f32 to vector<16xf32>
      %select_n3A_114 = arith.select %eq3A_104, %broadcast_in_dim3A_113, %select_n3A_112 : vector<16xi1>, vector<16xf32>
      %swap3A = arith.constant 0 : index
      %swap3A_115 = tpu.vector_load %arg28[%swap3A] {strides = array<i32>} : memref<16xf32, #tpu.memory_space<vmem>>, vector<16xf32>,
      tpu.vector_store %arg28[%swap3A], %select_n3A_114 {strides = array<i32>} : memref<16xf32, #tpu.memory_space<vmem>>, vector<16xf32>,
      "tpu.region"() ({
        %run_scoped3A = tpu.sem_alloc : memref<!tpu.dma_semaphore, #tpu.memory_space<semaphore_mem>>
        %dma_start3A = arith.constant 0 : i32
        %dma_start3A_116 = tpu.memref_slice %arg16[%add3A, %dma_start3A] : memref<32x16xf32, #tpu.memory_space<hbm>> -> memref<1x16xf32, #tpu.memory_space<hbm>>
        %dma_start3A_117 = tpu.memref_squeeze %dma_start3A_116 : memref<1x16xf32, #tpu.memory_space<hbm>> -> memref<16xf32, #tpu.memory_space<hbm>>
        %dma_start3A_118 = arith.constant 0 : i32
        %dma_start3A_119 = tpu.memref_slice %arg16[%add3A, %dma_start3A_118] : memref<32x16xf32, #tpu.memory_space<hbm>> -> memref<1x16xf32, #tpu.memory_space<hbm>>
        %dma_start3A_120 = tpu.memref_squeeze %dma_start3A_119 : memref<1x16xf32, #tpu.memory_space<hbm>> -> memref<16xf32, #tpu.memory_space<hbm>>
        tpu.enqueue_dma source(%arg28 : memref<16xf32, #tpu.memory_space<vmem>>) target(%dma_start3A_120 : memref<16xf32, #tpu.memory_space<hbm>>) target_semaphore(%run_scoped3A : memref<!tpu.dma_semaphore, #tpu.memory_space<semaphore_mem>>)
        %dma_wait3A = arith.constant 0 : i32
        %dma_wait3A_121 = tpu.memref_slice %arg16[%add3A, %dma_wait3A] : memref<32x16xf32, #tpu.memory_space<hbm>> -> memref<1x16xf32, #tpu.memory_space<hbm>>
        %dma_wait3A_122 = tpu.memref_squeeze %dma_wait3A_121 : memref<1x16xf32, #tpu.memory_space<hbm>> -> memref<16xf32, #tpu.memory_space<hbm>>
        %dma_wait3A_123 = arith.constant 0 : i32
        %dma_wait3A_124 = tpu.memref_slice %arg16[%add3A, %dma_wait3A_123] : memref<32x16xf32, #tpu.memory_space<hbm>> -> memref<1x16xf32, #tpu.memory_space<hbm>>
        %dma_wait3A_125 = tpu.memref_squeeze %dma_wait3A_124 : memref<1x16xf32, #tpu.memory_space<hbm>> -> memref<16xf32, #tpu.memory_space<hbm>>
        tpu.wait_dma2 semaphore(%run_scoped3A : memref<!tpu.dma_semaphore, #tpu.memory_space<semaphore_mem>>) src(%arg28 : memref<16xf32, #tpu.memory_space<vmem>>) dst(%dma_wait3A_125 : memref<16xf32, #tpu.memory_space<hbm>>)
        tpu.yield
      }) : () -> ()
    } else {
    }
    %ge3A = arith.constant 16 : i32
    %ge3A_4 = arith.cmpi sge, %add3A, %ge3A : i32
    %convert_element_type3A_5 = arith.extui %ge3A_4 : i1 to i32
    %cond3A_6 = arith.constant 0 : i32
    %cond3A_7 = arith.cmpi ne, %convert_element_type3A_5, %cond3A_6 : i32
    scf.if %cond3A_7 {
      %sub3A = arith.constant 16 : i32
      %sub3A_8 = arith.subi %add3A, %sub3A : i32
      %jit3A = arith.constant 8 : i32
      %div3A = arith.divsi %sub3A_8, %jit3A : i32
      %sign3A = arith.constant 0 : i32
      %sign3A_9 = arith.cmpi sgt, %sub3A_8, %sign3A : i32
      %sign3A_10 = arith.extui %sign3A_9 : i1 to i32
      %sign3A_11 = arith.constant 0 : i32
      %sign3A_12 = arith.cmpi slt, %sub3A_8, %sign3A_11 : i32
      %sign3A_13 = arith.extui %sign3A_12 : i1 to i32
      %sign3A_14 = arith.subi %sign3A_10, %sign3A_13 : i32
      %sign3A_15 = arith.constant 0 : i32
      %sign3A_16 = arith.cmpi sgt, %jit3A, %sign3A_15 : i32
      %sign3A_17 = arith.extui %sign3A_16 : i1 to i32
      %sign3A_18 = arith.constant 0 : i32
      %sign3A_19 = arith.cmpi slt, %jit3A, %sign3A_18 : i32
      %sign3A_20 = arith.extui %sign3A_19 : i1 to i32
      %sign3A_21 = arith.subi %sign3A_17, %sign3A_20 : i32
      %ne3A = arith.cmpi ne, %sign3A_14, %sign3A_21 : i32
      %rem3A = arith.remsi %sub3A_8, %jit3A : i32
      %ne3A_22 = arith.constant 0 : i32
      %ne3A_23 = arith.cmpi ne, %rem3A, %ne3A_22 : i32
      %and3A = arith.andi %ne3A, %ne3A_23 : i1
      %sub3A_24 = arith.constant 1 : i32
      %sub3A_25 = arith.subi %div3A, %sub3A_24 : i32
      %select_n3A = arith.select %and3A, %sub3A_25, %div3A : i32
      %jit3A_26 = arith.constant 8 : i32
      %eq3A = arith.constant 0 : i32
      %eq3A_27 = arith.cmpi eq, %jit3A_26, %eq3A : i32
      %jit3A_28 = arith.constant 1 : i32
      %select_n3A_29 = arith.select %eq3A_27, %jit3A_28, %jit3A_26 : i32
      %rem3A_30 = arith.remsi %sub3A_8, %select_n3A_29 : i32
      %ne3A_31 = arith.constant 0 : i32
      %ne3A_32 = arith.cmpi ne, %rem3A_30, %ne3A_31 : i32
      %lt3A_33 = arith.constant 0 : i32
      %lt3A_34 = arith.cmpi slt, %rem3A_30, %lt3A_33 : i32
      %lt3A_35 = arith.constant 0 : i32
      %lt3A_36 = arith.cmpi slt, %select_n3A_29, %lt3A_35 : i32
      %ne3A_37 = arith.xori %lt3A_34, %lt3A_36 : i1
      %and3A_38 = arith.andi %ne3A_37, %ne3A_32 : i1
      %add3A_39 = arith.addi %rem3A_30, %select_n3A_29 : i32
      %select_n3A_40 = arith.select %and3A_38, %add3A_39, %rem3A_30 : i32
      %add3A_41 = arith.constant 0 : i32
      %add3A_42 = arith.addi %add3A_41, %select_n3A_40 : i32
      "tpu.region"() ({
        %run_scoped3A = tpu.sem_alloc : memref<!tpu.dma_semaphore, #tpu.memory_space<semaphore_mem>>
        %dma_start3A = arith.constant 0 : i32
        %dma_start3A_137 = tpu.memref_slice %arg17[%dma_start3A] : memref<8192xi32, #tpu.memory_space<vmem>> -> memref<512xi32, #tpu.memory_space<vmem>>
        %dma_start3A_138 = arith.constant 0 : i32
        %dma_start3A_139 = tpu.memref_slice %arg10[%add3A_42, %dma_start3A_138] : memref<16x512xi32, #tpu.memory_space<hbm>> -> memref<1x512xi32, #tpu.memory_space<hbm>>
        %dma_start3A_140 = tpu.memref_squeeze %dma_start3A_139 : memref<1x512xi32, #tpu.memory_space<hbm>> -> memref<512xi32, #tpu.memory_space<hbm>>
        %dma_start3A_141 = arith.constant 0 : i32
        %dma_start3A_142 = tpu.memref_slice %arg17[%dma_start3A_141] : memref<8192xi32, #tpu.memory_space<vmem>> -> memref<512xi32, #tpu.memory_space<vmem>>
        %dma_start3A_143 = arith.constant 0 : i32
        %dma_start3A_144 = tpu.memref_slice %arg10[%add3A_42, %dma_start3A_143] : memref<16x512xi32, #tpu.memory_space<hbm>> -> memref<1x512xi32, #tpu.memory_space<hbm>>
        %dma_start3A_145 = tpu.memref_squeeze %dma_start3A_144 : memref<1x512xi32, #tpu.memory_space<hbm>> -> memref<512xi32, #tpu.memory_space<hbm>>
        tpu.enqueue_dma source(%dma_start3A_145 : memref<512xi32, #tpu.memory_space<hbm>>) target(%dma_start3A_142 : memref<512xi32, #tpu.memory_space<vmem>>) target_semaphore(%run_scoped3A : memref<!tpu.dma_semaphore, #tpu.memory_space<semaphore_mem>>)
        %dma_wait3A = arith.constant 0 : i32
        %dma_wait3A_146 = tpu.memref_slice %arg17[%dma_wait3A] : memref<8192xi32, #tpu.memory_space<vmem>> -> memref<512xi32, #tpu.memory_space<vmem>>
        %dma_wait3A_147 = arith.constant 0 : i32
        %dma_wait3A_148 = tpu.memref_slice %arg10[%add3A_42, %dma_wait3A_147] : memref<16x512xi32, #tpu.memory_space<hbm>> -> memref<1x512xi32, #tpu.memory_space<hbm>>
        %dma_wait3A_149 = tpu.memref_squeeze %dma_wait3A_148 : memref<1x512xi32, #tpu.memory_space<hbm>> -> memref<512xi32, #tpu.memory_space<hbm>>
        %dma_wait3A_150 = arith.constant 0 : i32
        %dma_wait3A_151 = tpu.memref_slice %arg17[%dma_wait3A_150] : memref<8192xi32, #tpu.memory_space<vmem>> -> memref<512xi32, #tpu.memory_space<vmem>>
        %dma_wait3A_152 = arith.constant 0 : i32
        %dma_wait3A_153 = tpu.memref_slice %arg10[%add3A_42, %dma_wait3A_152] : memref<16x512xi32, #tpu.memory_space<hbm>> -> memref<1x512xi32, #tpu.memory_space<hbm>>
        %dma_wait3A_154 = tpu.memref_squeeze %dma_wait3A_153 : memref<1x512xi32, #tpu.memory_space<hbm>> -> memref<512xi32, #tpu.memory_space<hbm>>
        tpu.wait_dma2 semaphore(%run_scoped3A : memref<!tpu.dma_semaphore, #tpu.memory_space<semaphore_mem>>) src(%dma_wait3A_154 : memref<512xi32, #tpu.memory_space<hbm>>) dst(%dma_wait3A_151 : memref<512xi32, #tpu.memory_space<vmem>>)
        tpu.yield
      }) : () -> ()
      "tpu.region"() ({
        %run_scoped3A = tpu.sem_alloc : memref<!tpu.dma_semaphore, #tpu.memory_space<semaphore_mem>>
        %dma_start3A = arith.constant 0 : i32
        %dma_start3A_137 = tpu.memref_slice %arg18[%dma_start3A] : memref<8192xi32, #tpu.memory_space<vmem>> -> memref<512xi32, #tpu.memory_space<vmem>>
        %dma_start3A_138 = arith.constant 0 : i32
        %dma_start3A_139 = tpu.memref_slice %arg11[%add3A_42, %dma_start3A_138] : memref<16x512xi32, #tpu.memory_space<hbm>> -> memref<1x512xi32, #tpu.memory_space<hbm>>
        %dma_start3A_140 = tpu.memref_squeeze %dma_start3A_139 : memref<1x512xi32, #tpu.memory_space<hbm>> -> memref<512xi32, #tpu.memory_space<hbm>>
        %dma_start3A_141 = arith.constant 0 : i32
        %dma_start3A_142 = tpu.memref_slice %arg18[%dma_start3A_141] : memref<8192xi32, #tpu.memory_space<vmem>> -> memref<512xi32, #tpu.memory_space<vmem>>
        %dma_start3A_143 = arith.constant 0 : i32
        %dma_start3A_144 = tpu.memref_slice %arg11[%add3A_42, %dma_start3A_143] : memref<16x512xi32, #tpu.memory_space<hbm>> -> memref<1x512xi32, #tpu.memory_space<hbm>>
        %dma_start3A_145 = tpu.memref_squeeze %dma_start3A_144 : memref<1x512xi32, #tpu.memory_space<hbm>> -> memref<512xi32, #tpu.memory_space<hbm>>
        tpu.enqueue_dma source(%dma_start3A_145 : memref<512xi32, #tpu.memory_space<hbm>>) target(%dma_start3A_142 : memref<512xi32, #tpu.memory_space<vmem>>) target_semaphore(%run_scoped3A : memref<!tpu.dma_semaphore, #tpu.memory_space<semaphore_mem>>)
        %dma_wait3A = arith.constant 0 : i32
        %dma_wait3A_146 = tpu.memref_slice %arg18[%dma_wait3A] : memref<8192xi32, #tpu.memory_space<vmem>> -> memref<512xi32, #tpu.memory_space<vmem>>
        %dma_wait3A_147 = arith.constant 0 : i32
        %dma_wait3A_148 = tpu.memref_slice %arg11[%add3A_42, %dma_wait3A_147] : memref<16x512xi32, #tpu.memory_space<hbm>> -> memref<1x512xi32, #tpu.memory_space<hbm>>
        %dma_wait3A_149 = tpu.memref_squeeze %dma_wait3A_148 : memref<1x512xi32, #tpu.memory_space<hbm>> -> memref<512xi32, #tpu.memory_space<hbm>>
        %dma_wait3A_150 = arith.constant 0 : i32
        %dma_wait3A_151 = tpu.memref_slice %arg18[%dma_wait3A_150] : memref<8192xi32, #tpu.memory_space<vmem>> -> memref<512xi32, #tpu.memory_space<vmem>>
        %dma_wait3A_152 = arith.constant 0 : i32
        %dma_wait3A_153 = tpu.memref_slice %arg11[%add3A_42, %dma_wait3A_152] : memref<16x512xi32, #tpu.memory_space<hbm>> -> memref<1x512xi32, #tpu.memory_space<hbm>>
        %dma_wait3A_154 = tpu.memref_squeeze %dma_wait3A_153 : memref<1x512xi32, #tpu.memory_space<hbm>> -> memref<512xi32, #tpu.memory_space<hbm>>
        tpu.wait_dma2 semaphore(%run_scoped3A : memref<!tpu.dma_semaphore, #tpu.memory_space<semaphore_mem>>) src(%dma_wait3A_154 : memref<512xi32, #tpu.memory_space<hbm>>) dst(%dma_wait3A_151 : memref<512xi32, #tpu.memory_space<vmem>>)
        tpu.yield
      }) : () -> ()
      "tpu.region"() ({
        %run_scoped3A = tpu.sem_alloc : memref<!tpu.dma_semaphore, #tpu.memory_space<semaphore_mem>>
        %dma_start3A = arith.constant 0 : i32
        %dma_start3A_137 = tpu.memref_slice %arg19[%dma_start3A] : memref<8192xi32, #tpu.memory_space<vmem>> -> memref<512xi32, #tpu.memory_space<vmem>>
        %dma_start3A_138 = arith.constant 0 : i32
        %dma_start3A_139 = tpu.memref_slice %arg12[%add3A_42, %dma_start3A_138] : memref<16x512xi32, #tpu.memory_space<hbm>> -> memref<1x512xi32, #tpu.memory_space<hbm>>
        %dma_start3A_140 = tpu.memref_squeeze %dma_start3A_139 : memref<1x512xi32, #tpu.memory_space<hbm>> -> memref<512xi32, #tpu.memory_space<hbm>>
        %dma_start3A_141 = arith.constant 0 : i32
        %dma_start3A_142 = tpu.memref_slice %arg19[%dma_start3A_141] : memref<8192xi32, #tpu.memory_space<vmem>> -> memref<512xi32, #tpu.memory_space<vmem>>
        %dma_start3A_143 = arith.constant 0 : i32
        %dma_start3A_144 = tpu.memref_slice %arg12[%add3A_42, %dma_start3A_143] : memref<16x512xi32, #tpu.memory_space<hbm>> -> memref<1x512xi32, #tpu.memory_space<hbm>>
        %dma_start3A_145 = tpu.memref_squeeze %dma_start3A_144 : memref<1x512xi32, #tpu.memory_space<hbm>> -> memref<512xi32, #tpu.memory_space<hbm>>
        tpu.enqueue_dma source(%dma_start3A_145 : memref<512xi32, #tpu.memory_space<hbm>>) target(%dma_start3A_142 : memref<512xi32, #tpu.memory_space<vmem>>) target_semaphore(%run_scoped3A : memref<!tpu.dma_semaphore, #tpu.memory_space<semaphore_mem>>)
        %dma_wait3A = arith.constant 0 : i32
        %dma_wait3A_146 = tpu.memref_slice %arg19[%dma_wait3A] : memref<8192xi32, #tpu.memory_space<vmem>> -> memref<512xi32, #tpu.memory_space<vmem>>
        %dma_wait3A_147 = arith.constant 0 : i32
        %dma_wait3A_148 = tpu.memref_slice %arg12[%add3A_42, %dma_wait3A_147] : memref<16x512xi32, #tpu.memory_space<hbm>> -> memref<1x512xi32, #tpu.memory_space<hbm>>
        %dma_wait3A_149 = tpu.memref_squeeze %dma_wait3A_148 : memref<1x512xi32, #tpu.memory_space<hbm>> -> memref<512xi32, #tpu.memory_space<hbm>>
        %dma_wait3A_150 = arith.constant 0 : i32
        %dma_wait3A_151 = tpu.memref_slice %arg19[%dma_wait3A_150] : memref<8192xi32, #tpu.memory_space<vmem>> -> memref<512xi32, #tpu.memory_space<vmem>>
        %dma_wait3A_152 = arith.constant 0 : i32
        %dma_wait3A_153 = tpu.memref_slice %arg12[%add3A_42, %dma_wait3A_152] : memref<16x512xi32, #tpu.memory_space<hbm>> -> memref<1x512xi32, #tpu.memory_space<hbm>>
        %dma_wait3A_154 = tpu.memref_squeeze %dma_wait3A_153 : memref<1x512xi32, #tpu.memory_space<hbm>> -> memref<512xi32, #tpu.memory_space<hbm>>
        tpu.wait_dma2 semaphore(%run_scoped3A : memref<!tpu.dma_semaphore, #tpu.memory_space<semaphore_mem>>) src(%dma_wait3A_154 : memref<512xi32, #tpu.memory_space<hbm>>) dst(%dma_wait3A_151 : memref<512xi32, #tpu.memory_space<vmem>>)
        tpu.yield
      }) : () -> ()
      "tpu.region"() ({
        %run_scoped3A = tpu.sem_alloc : memref<!tpu.dma_semaphore, #tpu.memory_space<semaphore_mem>>
        %dma_start3A = arith.constant 0 : i32
        %dma_start3A_137 = tpu.memref_slice %arg21[%dma_start3A] : memref<8192xf32, #tpu.memory_space<vmem>> -> memref<512xf32, #tpu.memory_space<vmem>>
        %dma_start3A_138 = arith.constant 0 : i32
        %dma_start3A_139 = tpu.memref_slice %arg13[%add3A_42, %dma_start3A_138] : memref<16x512xf32, #tpu.memory_space<hbm>> -> memref<1x512xf32, #tpu.memory_space<hbm>>
        %dma_start3A_140 = tpu.memref_squeeze %dma_start3A_139 : memref<1x512xf32, #tpu.memory_space<hbm>> -> memref<512xf32, #tpu.memory_space<hbm>>
        %dma_start3A_141 = arith.constant 0 : i32
        %dma_start3A_142 = tpu.memref_slice %arg21[%dma_start3A_141] : memref<8192xf32, #tpu.memory_space<vmem>> -> memref<512xf32, #tpu.memory_space<vmem>>
        %dma_start3A_143 = arith.constant 0 : i32
        %dma_start3A_144 = tpu.memref_slice %arg13[%add3A_42, %dma_start3A_143] : memref<16x512xf32, #tpu.memory_space<hbm>> -> memref<1x512xf32, #tpu.memory_space<hbm>>
        %dma_start3A_145 = tpu.memref_squeeze %dma_start3A_144 : memref<1x512xf32, #tpu.memory_space<hbm>> -> memref<512xf32, #tpu.memory_space<hbm>>
        tpu.enqueue_dma source(%dma_start3A_145 : memref<512xf32, #tpu.memory_space<hbm>>) target(%dma_start3A_142 : memref<512xf32, #tpu.memory_space<vmem>>) target_semaphore(%run_scoped3A : memref<!tpu.dma_semaphore, #tpu.memory_space<semaphore_mem>>)
        %dma_wait3A = arith.constant 0 : i32
        %dma_wait3A_146 = tpu.memref_slice %arg21[%dma_wait3A] : memref<8192xf32, #tpu.memory_space<vmem>> -> memref<512xf32, #tpu.memory_space<vmem>>
        %dma_wait3A_147 = arith.constant 0 : i32
        %dma_wait3A_148 = tpu.memref_slice %arg13[%add3A_42, %dma_wait3A_147] : memref<16x512xf32, #tpu.memory_space<hbm>> -> memref<1x512xf32, #tpu.memory_space<hbm>>
        %dma_wait3A_149 = tpu.memref_squeeze %dma_wait3A_148 : memref<1x512xf32, #tpu.memory_space<hbm>> -> memref<512xf32, #tpu.memory_space<hbm>>
        %dma_wait3A_150 = arith.constant 0 : i32
        %dma_wait3A_151 = tpu.memref_slice %arg21[%dma_wait3A_150] : memref<8192xf32, #tpu.memory_space<vmem>> -> memref<512xf32, #tpu.memory_space<vmem>>
        %dma_wait3A_152 = arith.constant 0 : i32
        %dma_wait3A_153 = tpu.memref_slice %arg13[%add3A_42, %dma_wait3A_152] : memref<16x512xf32, #tpu.memory_space<hbm>> -> memref<1x512xf32, #tpu.memory_space<hbm>>
        %dma_wait3A_154 = tpu.memref_squeeze %dma_wait3A_153 : memref<1x512xf32, #tpu.memory_space<hbm>> -> memref<512xf32, #tpu.memory_space<hbm>>
        tpu.wait_dma2 semaphore(%run_scoped3A : memref<!tpu.dma_semaphore, #tpu.memory_space<semaphore_mem>>) src(%dma_wait3A_154 : memref<512xf32, #tpu.memory_space<hbm>>) dst(%dma_wait3A_151 : memref<512xf32, #tpu.memory_space<vmem>>)
        tpu.yield
      }) : () -> ()
      "tpu.region"() ({
        %run_scoped3A = tpu.sem_alloc : memref<!tpu.dma_semaphore, #tpu.memory_space<semaphore_mem>>
        %dma_start3A = arith.constant 0 : i32
        %dma_start3A_137 = tpu.memref_slice %arg23[%dma_start3A] : memref<512xf32, #tpu.memory_space<vmem>> -> memref<128xf32, #tpu.memory_space<vmem>>
        %dma_start3A_138 = arith.constant 0 : i32
        %dma_start3A_139 = tpu.memref_slice %arg14[%add3A_42, %dma_start3A_138] : memref<16x128xf32, #tpu.memory_space<hbm>> -> memref<1x128xf32, #tpu.memory_space<hbm>>
        %dma_start3A_140 = tpu.memref_squeeze %dma_start3A_139 : memref<1x128xf32, #tpu.memory_space<hbm>> -> memref<128xf32, #tpu.memory_space<hbm>>
        %dma_start3A_141 = arith.constant 0 : i32
        %dma_start3A_142 = tpu.memref_slice %arg23[%dma_start3A_141] : memref<512xf32, #tpu.memory_space<vmem>> -> memref<128xf32, #tpu.memory_space<vmem>>
        %dma_start3A_143 = arith.constant 0 : i32
        %dma_start3A_144 = tpu.memref_slice %arg14[%add3A_42, %dma_start3A_143] : memref<16x128xf32, #tpu.memory_space<hbm>> -> memref<1x128xf32, #tpu.memory_space<hbm>>
        %dma_start3A_145 = tpu.memref_squeeze %dma_start3A_144 : memref<1x128xf32, #tpu.memory_space<hbm>> -> memref<128xf32, #tpu.memory_space<hbm>>
        tpu.enqueue_dma source(%dma_start3A_145 : memref<128xf32, #tpu.memory_space<hbm>>) target(%dma_start3A_142 : memref<128xf32, #tpu.memory_space<vmem>>) target_semaphore(%run_scoped3A : memref<!tpu.dma_semaphore, #tpu.memory_space<semaphore_mem>>)
        %dma_wait3A = arith.constant 0 : i32
        %dma_wait3A_146 = tpu.memref_slice %arg23[%dma_wait3A] : memref<512xf32, #tpu.memory_space<vmem>> -> memref<128xf32, #tpu.memory_space<vmem>>
        %dma_wait3A_147 = arith.constant 0 : i32
        %dma_wait3A_148 = tpu.memref_slice %arg14[%add3A_42, %dma_wait3A_147] : memref<16x128xf32, #tpu.memory_space<hbm>> -> memref<1x128xf32, #tpu.memory_space<hbm>>
        %dma_wait3A_149 = tpu.memref_squeeze %dma_wait3A_148 : memref<1x128xf32, #tpu.memory_space<hbm>> -> memref<128xf32, #tpu.memory_space<hbm>>
        %dma_wait3A_150 = arith.constant 0 : i32
        %dma_wait3A_151 = tpu.memref_slice %arg23[%dma_wait3A_150] : memref<512xf32, #tpu.memory_space<vmem>> -> memref<128xf32, #tpu.memory_space<vmem>>
        %dma_wait3A_152 = arith.constant 0 : i32
        %dma_wait3A_153 = tpu.memref_slice %arg14[%add3A_42, %dma_wait3A_152] : memref<16x128xf32, #tpu.memory_space<hbm>> -> memref<1x128xf32, #tpu.memory_space<hbm>>
        %dma_wait3A_154 = tpu.memref_squeeze %dma_wait3A_153 : memref<1x128xf32, #tpu.memory_space<hbm>> -> memref<128xf32, #tpu.memory_space<hbm>>
        tpu.wait_dma2 semaphore(%run_scoped3A : memref<!tpu.dma_semaphore, #tpu.memory_space<semaphore_mem>>) src(%dma_wait3A_154 : memref<128xf32, #tpu.memory_space<hbm>>) dst(%dma_wait3A_151 : memref<128xf32, #tpu.memory_space<vmem>>)
        tpu.yield
      }) : () -> ()
      "tpu.region"() ({
        %run_scoped3A = tpu.sem_alloc : memref<!tpu.dma_semaphore, #tpu.memory_space<semaphore_mem>>
        %dma_start3A = arith.constant 0 : i32
        %dma_start3A_137 = tpu.memref_slice %arg24[%dma_start3A] : memref<512xf32, #tpu.memory_space<vmem>> -> memref<128xf32, #tpu.memory_space<vmem>>
        %dma_start3A_138 = arith.constant 0 : i32
        %dma_start3A_139 = tpu.memref_slice %arg15[%add3A_42, %dma_start3A_138] : memref<16x128xf32, #tpu.memory_space<hbm>> -> memref<1x128xf32, #tpu.memory_space<hbm>>
        %dma_start3A_140 = tpu.memref_squeeze %dma_start3A_139 : memref<1x128xf32, #tpu.memory_space<hbm>> -> memref<128xf32, #tpu.memory_space<hbm>>
        %dma_start3A_141 = arith.constant 0 : i32
        %dma_start3A_142 = tpu.memref_slice %arg24[%dma_start3A_141] : memref<512xf32, #tpu.memory_space<vmem>> -> memref<128xf32, #tpu.memory_space<vmem>>
        %dma_start3A_143 = arith.constant 0 : i32
        %dma_start3A_144 = tpu.memref_slice %arg15[%add3A_42, %dma_start3A_143] : memref<16x128xf32, #tpu.memory_space<hbm>> -> memref<1x128xf32, #tpu.memory_space<hbm>>
        %dma_start3A_145 = tpu.memref_squeeze %dma_start3A_144 : memref<1x128xf32, #tpu.memory_space<hbm>> -> memref<128xf32, #tpu.memory_space<hbm>>
        tpu.enqueue_dma source(%dma_start3A_145 : memref<128xf32, #tpu.memory_space<hbm>>) target(%dma_start3A_142 : memref<128xf32, #tpu.memory_space<vmem>>) target_semaphore(%run_scoped3A : memref<!tpu.dma_semaphore, #tpu.memory_space<semaphore_mem>>)
        %dma_wait3A = arith.constant 0 : i32
        %dma_wait3A_146 = tpu.memref_slice %arg24[%dma_wait3A] : memref<512xf32, #tpu.memory_space<vmem>> -> memref<128xf32, #tpu.memory_space<vmem>>
        %dma_wait3A_147 = arith.constant 0 : i32
        %dma_wait3A_148 = tpu.memref_slice %arg15[%add3A_42, %dma_wait3A_147] : memref<16x128xf32, #tpu.memory_space<hbm>> -> memref<1x128xf32, #tpu.memory_space<hbm>>
        %dma_wait3A_149 = tpu.memref_squeeze %dma_wait3A_148 : memref<1x128xf32, #tpu.memory_space<hbm>> -> memref<128xf32, #tpu.memory_space<hbm>>
        %dma_wait3A_150 = arith.constant 0 : i32
        %dma_wait3A_151 = tpu.memref_slice %arg24[%dma_wait3A_150] : memref<512xf32, #tpu.memory_space<vmem>> -> memref<128xf32, #tpu.memory_space<vmem>>
        %dma_wait3A_152 = arith.constant 0 : i32
        %dma_wait3A_153 = tpu.memref_slice %arg15[%add3A_42, %dma_wait3A_152] : memref<16x128xf32, #tpu.memory_space<hbm>> -> memref<1x128xf32, #tpu.memory_space<hbm>>
        %dma_wait3A_154 = tpu.memref_squeeze %dma_wait3A_153 : memref<1x128xf32, #tpu.memory_space<hbm>> -> memref<128xf32, #tpu.memory_space<hbm>>
        tpu.wait_dma2 semaphore(%run_scoped3A : memref<!tpu.dma_semaphore, #tpu.memory_space<semaphore_mem>>) src(%dma_wait3A_154 : memref<128xf32, #tpu.memory_space<hbm>>) dst(%dma_wait3A_151 : memref<128xf32, #tpu.memory_space<vmem>>)
        tpu.yield
      }) : () -> ()
      %add3A_43 = arith.constant 8 : i32
      %add3A_44 = arith.addi %add3A_43, %select_n3A_40 : i32
      "tpu.region"() ({
        %run_scoped3A = tpu.sem_alloc : memref<!tpu.dma_semaphore, #tpu.memory_space<semaphore_mem>>
        %dma_start3A = arith.constant 512 : i32
        %dma_start3A_137 = tpu.memref_slice %arg17[%dma_start3A] : memref<8192xi32, #tpu.memory_space<vmem>> -> memref<512xi32, #tpu.memory_space<vmem>>
        %dma_start3A_138 = arith.constant 0 : i32
        %dma_start3A_139 = tpu.memref_slice %arg10[%add3A_44, %dma_start3A_138] : memref<16x512xi32, #tpu.memory_space<hbm>> -> memref<1x512xi32, #tpu.memory_space<hbm>>
        %dma_start3A_140 = tpu.memref_squeeze %dma_start3A_139 : memref<1x512xi32, #tpu.memory_space<hbm>> -> memref<512xi32, #tpu.memory_space<hbm>>
        %dma_start3A_141 = arith.constant 512 : i32
        %dma_start3A_142 = tpu.memref_slice %arg17[%dma_start3A_141] : memref<8192xi32, #tpu.memory_space<vmem>> -> memref<512xi32, #tpu.memory_space<vmem>>
        %dma_start3A_143 = arith.constant 0 : i32
        %dma_start3A_144 = tpu.memref_slice %arg10[%add3A_44, %dma_start3A_143] : memref<16x512xi32, #tpu.memory_space<hbm>> -> memref<1x512xi32, #tpu.memory_space<hbm>>
        %dma_start3A_145 = tpu.memref_squeeze %dma_start3A_144 : memref<1x512xi32, #tpu.memory_space<hbm>> -> memref<512xi32, #tpu.memory_space<hbm>>
        tpu.enqueue_dma source(%dma_start3A_145 : memref<512xi32, #tpu.memory_space<hbm>>) target(%dma_start3A_142 : memref<512xi32, #tpu.memory_space<vmem>>) target_semaphore(%run_scoped3A : memref<!tpu.dma_semaphore, #tpu.memory_space<semaphore_mem>>)
        %dma_wait3A = arith.constant 512 : i32
        %dma_wait3A_146 = tpu.memref_slice %arg17[%dma_wait3A] : memref<8192xi32, #tpu.memory_space<vmem>> -> memref<512xi32, #tpu.memory_space<vmem>>
        %dma_wait3A_147 = arith.constant 0 : i32
        %dma_wait3A_148 = tpu.memref_slice %arg10[%add3A_44, %dma_wait3A_147] : memref<16x512xi32, #tpu.memory_space<hbm>> -> memref<1x512xi32, #tpu.memory_space<hbm>>
        %dma_wait3A_149 = tpu.memref_squeeze %dma_wait3A_148 : memref<1x512xi32, #tpu.memory_space<hbm>> -> memref<512xi32, #tpu.memory_space<hbm>>
        %dma_wait3A_150 = arith.constant 512 : i32
        %dma_wait3A_151 = tpu.memref_slice %arg17[%dma_wait3A_150] : memref<8192xi32, #tpu.memory_space<vmem>> -> memref<512xi32, #tpu.memory_space<vmem>>
        %dma_wait3A_152 = arith.constant 0 : i32
        %dma_wait3A_153 = tpu.memref_slice %arg10[%add3A_44, %dma_wait3A_152] : memref<16x512xi32, #tpu.memory_space<hbm>> -> memref<1x512xi32, #tpu.memory_space<hbm>>
        %dma_wait3A_154 = tpu.memref_squeeze %dma_wait3A_153 : memref<1x512xi32, #tpu.memory_space<hbm>> -> memref<512xi32, #tpu.memory_space<hbm>>
        tpu.wait_dma2 semaphore(%run_scoped3A : memref<!tpu.dma_semaphore, #tpu.memory_space<semaphore_mem>>) src(%dma_wait3A_154 : memref<512xi32, #tpu.memory_space<hbm>>) dst(%dma_wait3A_151 : memref<512xi32, #tpu.memory_space<vmem>>)
        tpu.yield
      }) : () -> ()
      "tpu.region"() ({
        %run_scoped3A = tpu.sem_alloc : memref<!tpu.dma_semaphore, #tpu.memory_space<semaphore_mem>>
        %dma_start3A = arith.constant 512 : i32
        %dma_start3A_137 = tpu.memref_slice %arg18[%dma_start3A] : memref<8192xi32, #tpu.memory_space<vmem>> -> memref<512xi32, #tpu.memory_space<vmem>>
        %dma_start3A_138 = arith.constant 0 : i32
        %dma_start3A_139 = tpu.memref_slice %arg11[%add3A_44, %dma_start3A_138] : memref<16x512xi32, #tpu.memory_space<hbm>> -> memref<1x512xi32, #tpu.memory_space<hbm>>
        %dma_start3A_140 = tpu.memref_squeeze %dma_start3A_139 : memref<1x512xi32, #tpu.memory_space<hbm>> -> memref<512xi32, #tpu.memory_space<hbm>>
        %dma_start3A_141 = arith.constant 512 : i32
        %dma_start3A_142 = tpu.memref_slice %arg18[%dma_start3A_141] : memref<8192xi32, #tpu.memory_space<vmem>> -> memref<512xi32, #tpu.memory_space<vmem>>
        %dma_start3A_143 = arith.constant 0 : i32
        %dma_start3A_144 = tpu.memref_slice %arg11[%add3A_44, %dma_start3A_143] : memref<16x512xi32, #tpu.memory_space<hbm>> -> memref<1x512xi32, #tpu.memory_space<hbm>>
        %dma_start3A_145 = tpu.memref_squeeze %dma_start3A_144 : memref<1x512xi32, #tpu.memory_space<hbm>> -> memref<512xi32, #tpu.memory_space<hbm>>
        tpu.enqueue_dma source(%dma_start3A_145 : memref<512xi32, #tpu.memory_space<hbm>>) target(%dma_start3A_142 : memref<512xi32, #tpu.memory_space<vmem>>) target_semaphore(%run_scoped3A : memref<!tpu.dma_semaphore, #tpu.memory_space<semaphore_mem>>)
        %dma_wait3A = arith.constant 512 : i32
        %dma_wait3A_146 = tpu.memref_slice %arg18[%dma_wait3A] : memref<8192xi32, #tpu.memory_space<vmem>> -> memref<512xi32, #tpu.memory_space<vmem>>
        %dma_wait3A_147 = arith.constant 0 : i32
        %dma_wait3A_148 = tpu.memref_slice %arg11[%add3A_44, %dma_wait3A_147] : memref<16x512xi32, #tpu.memory_space<hbm>> -> memref<1x512xi32, #tpu.memory_space<hbm>>
        %dma_wait3A_149 = tpu.memref_squeeze %dma_wait3A_148 : memref<1x512xi32, #tpu.memory_space<hbm>> -> memref<512xi32, #tpu.memory_space<hbm>>
        %dma_wait3A_150 = arith.constant 512 : i32
        %dma_wait3A_151 = tpu.memref_slice %arg18[%dma_wait3A_150] : memref<8192xi32, #tpu.memory_space<vmem>> -> memref<512xi32, #tpu.memory_space<vmem>>
        %dma_wait3A_152 = arith.constant 0 : i32
        %dma_wait3A_153 = tpu.memref_slice %arg11[%add3A_44, %dma_wait3A_152] : memref<16x512xi32, #tpu.memory_space<hbm>> -> memref<1x512xi32, #tpu.memory_space<hbm>>
        %dma_wait3A_154 = tpu.memref_squeeze %dma_wait3A_153 : memref<1x512xi32, #tpu.memory_space<hbm>> -> memref<512xi32, #tpu.memory_space<hbm>>
        tpu.wait_dma2 semaphore(%run_scoped3A : memref<!tpu.dma_semaphore, #tpu.memory_space<semaphore_mem>>) src(%dma_wait3A_154 : memref<512xi32, #tpu.memory_space<hbm>>) dst(%dma_wait3A_151 : memref<512xi32, #tpu.memory_space<vmem>>)
        tpu.yield
      }) : () -> ()
      "tpu.region"() ({
        %run_scoped3A = tpu.sem_alloc : memref<!tpu.dma_semaphore, #tpu.memory_space<semaphore_mem>>
        %dma_start3A = arith.constant 512 : i32
        %dma_start3A_137 = tpu.memref_slice %arg19[%dma_start3A] : memref<8192xi32, #tpu.memory_space<vmem>> -> memref<512xi32, #tpu.memory_space<vmem>>
        %dma_start3A_138 = arith.constant 0 : i32
        %dma_start3A_139 = tpu.memref_slice %arg12[%add3A_44, %dma_start3A_138] : memref<16x512xi32, #tpu.memory_space<hbm>> -> memref<1x512xi32, #tpu.memory_space<hbm>>
        %dma_start3A_140 = tpu.memref_squeeze %dma_start3A_139 : memref<1x512xi32, #tpu.memory_space<hbm>> -> memref<512xi32, #tpu.memory_space<hbm>>
        %dma_start3A_141 = arith.constant 512 : i32
        %dma_start3A_142 = tpu.memref_slice %arg19[%dma_start3A_141] : memref<8192xi32, #tpu.memory_space<vmem>> -> memref<512xi32, #tpu.memory_space<vmem>>
        %dma_start3A_143 = arith.constant 0 : i32
        %dma_start3A_144 = tpu.memref_slice %arg12[%add3A_44, %dma_start3A_143] : memref<16x512xi32, #tpu.memory_space<hbm>> -> memref<1x512xi32, #tpu.memory_space<hbm>>
        %dma_start3A_145 = tpu.memref_squeeze %dma_start3A_144 : memref<1x512xi32, #tpu.memory_space<hbm>> -> memref<512xi32, #tpu.memory_space<hbm>>
        tpu.enqueue_dma source(%dma_start3A_145 : memref<512xi32, #tpu.memory_space<hbm>>) target(%dma_start3A_142 : memref<512xi32, #tpu.memory_space<vmem>>) target_semaphore(%run_scoped3A : memref<!tpu.dma_semaphore, #tpu.memory_space<semaphore_mem>>)
        %dma_wait3A = arith.constant 512 : i32
        %dma_wait3A_146 = tpu.memref_slice %arg19[%dma_wait3A] : memref<8192xi32, #tpu.memory_space<vmem>> -> memref<512xi32, #tpu.memory_space<vmem>>
        %dma_wait3A_147 = arith.constant 0 : i32
        %dma_wait3A_148 = tpu.memref_slice %arg12[%add3A_44, %dma_wait3A_147] : memref<16x512xi32, #tpu.memory_space<hbm>> -> memref<1x512xi32, #tpu.memory_space<hbm>>
        %dma_wait3A_149 = tpu.memref_squeeze %dma_wait3A_148 : memref<1x512xi32, #tpu.memory_space<hbm>> -> memref<512xi32, #tpu.memory_space<hbm>>
        %dma_wait3A_150 = arith.constant 512 : i32
        %dma_wait3A_151 = tpu.memref_slice %arg19[%dma_wait3A_150] : memref<8192xi32, #tpu.memory_space<vmem>> -> memref<512xi32, #tpu.memory_space<vmem>>
        %dma_wait3A_152 = arith.constant 0 : i32
        %dma_wait3A_153 = tpu.memref_slice %arg12[%add3A_44, %dma_wait3A_152] : memref<16x512xi32, #tpu.memory_space<hbm>> -> memref<1x512xi32, #tpu.memory_space<hbm>>
        %dma_wait3A_154 = tpu.memref_squeeze %dma_wait3A_153 : memref<1x512xi32, #tpu.memory_space<hbm>> -> memref<512xi32, #tpu.memory_space<hbm>>
        tpu.wait_dma2 semaphore(%run_scoped3A : memref<!tpu.dma_semaphore, #tpu.memory_space<semaphore_mem>>) src(%dma_wait3A_154 : memref<512xi32, #tpu.memory_space<hbm>>) dst(%dma_wait3A_151 : memref<512xi32, #tpu.memory_space<vmem>>)
        tpu.yield
      }) : () -> ()
      "tpu.region"() ({
        %run_scoped3A = tpu.sem_alloc : memref<!tpu.dma_semaphore, #tpu.memory_space<semaphore_mem>>
        %dma_start3A = arith.constant 512 : i32
        %dma_start3A_137 = tpu.memref_slice %arg21[%dma_start3A] : memref<8192xf32, #tpu.memory_space<vmem>> -> memref<512xf32, #tpu.memory_space<vmem>>
        %dma_start3A_138 = arith.constant 0 : i32
        %dma_start3A_139 = tpu.memref_slice %arg13[%add3A_44, %dma_start3A_138] : memref<16x512xf32, #tpu.memory_space<hbm>> -> memref<1x512xf32, #tpu.memory_space<hbm>>
        %dma_start3A_140 = tpu.memref_squeeze %dma_start3A_139 : memref<1x512xf32, #tpu.memory_space<hbm>> -> memref<512xf32, #tpu.memory_space<hbm>>
        %dma_start3A_141 = arith.constant 512 : i32
        %dma_start3A_142 = tpu.memref_slice %arg21[%dma_start3A_141] : memref<8192xf32, #tpu.memory_space<vmem>> -> memref<512xf32, #tpu.memory_space<vmem>>
        %dma_start3A_143 = arith.constant 0 : i32
        %dma_start3A_144 = tpu.memref_slice %arg13[%add3A_44, %dma_start3A_143] : memref<16x512xf32, #tpu.memory_space<hbm>> -> memref<1x512xf32, #tpu.memory_space<hbm>>
        %dma_start3A_145 = tpu.memref_squeeze %dma_start3A_144 : memref<1x512xf32, #tpu.memory_space<hbm>> -> memref<512xf32, #tpu.memory_space<hbm>>
        tpu.enqueue_dma source(%dma_start3A_145 : memref<512xf32, #tpu.memory_space<hbm>>) target(%dma_start3A_142 : memref<512xf32, #tpu.memory_space<vmem>>) target_semaphore(%run_scoped3A : memref<!tpu.dma_semaphore, #tpu.memory_space<semaphore_mem>>)
        %dma_wait3A = arith.constant 512 : i32
        %dma_wait3A_146 = tpu.memref_slice %arg21[%dma_wait3A] : memref<8192xf32, #tpu.memory_space<vmem>> -> memref<512xf32, #tpu.memory_space<vmem>>
        %dma_wait3A_147 = arith.constant 0 : i32
        %dma_wait3A_148 = tpu.memref_slice %arg13[%add3A_44, %dma_wait3A_147] : memref<16x512xf32, #tpu.memory_space<hbm>> -> memref<1x512xf32, #tpu.memory_space<hbm>>
        %dma_wait3A_149 = tpu.memref_squeeze %dma_wait3A_148 : memref<1x512xf32, #tpu.memory_space<hbm>> -> memref<512xf32, #tpu.memory_space<hbm>>
        %dma_wait3A_150 = arith.constant 512 : i32
        %dma_wait3A_151 = tpu.memref_slice %arg21[%dma_wait3A_150] : memref<8192xf32, #tpu.memory_space<vmem>> -> memref<512xf32, #tpu.memory_space<vmem>>
        %dma_wait3A_152 = arith.constant 0 : i32
        %dma_wait3A_153 = tpu.memref_slice %arg13[%add3A_44, %dma_wait3A_152] : memref<16x512xf32, #tpu.memory_space<hbm>> -> memref<1x512xf32, #tpu.memory_space<hbm>>
        %dma_wait3A_154 = tpu.memref_squeeze %dma_wait3A_153 : memref<1x512xf32, #tpu.memory_space<hbm>> -> memref<512xf32, #tpu.memory_space<hbm>>
        tpu.wait_dma2 semaphore(%run_scoped3A : memref<!tpu.dma_semaphore, #tpu.memory_space<semaphore_mem>>) src(%dma_wait3A_154 : memref<512xf32, #tpu.memory_space<hbm>>) dst(%dma_wait3A_151 : memref<512xf32, #tpu.memory_space<vmem>>)
        tpu.yield
      }) : () -> ()
      "tpu.region"() ({
        %run_scoped3A = tpu.sem_alloc : memref<!tpu.dma_semaphore, #tpu.memory_space<semaphore_mem>>
        %dma_start3A = arith.constant 128 : i32
        %dma_start3A_137 = tpu.memref_slice %arg23[%dma_start3A] : memref<512xf32, #tpu.memory_space<vmem>> -> memref<128xf32, #tpu.memory_space<vmem>>
        %dma_start3A_138 = arith.constant 0 : i32
        %dma_start3A_139 = tpu.memref_slice %arg14[%add3A_44, %dma_start3A_138] : memref<16x128xf32, #tpu.memory_space<hbm>> -> memref<1x128xf32, #tpu.memory_space<hbm>>
        %dma_start3A_140 = tpu.memref_squeeze %dma_start3A_139 : memref<1x128xf32, #tpu.memory_space<hbm>> -> memref<128xf32, #tpu.memory_space<hbm>>
        %dma_start3A_141 = arith.constant 128 : i32
        %dma_start3A_142 = tpu.memref_slice %arg23[%dma_start3A_141] : memref<512xf32, #tpu.memory_space<vmem>> -> memref<128xf32, #tpu.memory_space<vmem>>
        %dma_start3A_143 = arith.constant 0 : i32
        %dma_start3A_144 = tpu.memref_slice %arg14[%add3A_44, %dma_start3A_143] : memref<16x128xf32, #tpu.memory_space<hbm>> -> memref<1x128xf32, #tpu.memory_space<hbm>>
        %dma_start3A_145 = tpu.memref_squeeze %dma_start3A_144 : memref<1x128xf32, #tpu.memory_space<hbm>> -> memref<128xf32, #tpu.memory_space<hbm>>
        tpu.enqueue_dma source(%dma_start3A_145 : memref<128xf32, #tpu.memory_space<hbm>>) target(%dma_start3A_142 : memref<128xf32, #tpu.memory_space<vmem>>) target_semaphore(%run_scoped3A : memref<!tpu.dma_semaphore, #tpu.memory_space<semaphore_mem>>)
        %dma_wait3A = arith.constant 128 : i32
        %dma_wait3A_146 = tpu.memref_slice %arg23[%dma_wait3A] : memref<512xf32, #tpu.memory_space<vmem>> -> memref<128xf32, #tpu.memory_space<vmem>>
        %dma_wait3A_147 = arith.constant 0 : i32
        %dma_wait3A_148 = tpu.memref_slice %arg14[%add3A_44, %dma_wait3A_147] : memref<16x128xf32, #tpu.memory_space<hbm>> -> memref<1x128xf32, #tpu.memory_space<hbm>>
        %dma_wait3A_149 = tpu.memref_squeeze %dma_wait3A_148 : memref<1x128xf32, #tpu.memory_space<hbm>> -> memref<128xf32, #tpu.memory_space<hbm>>
        %dma_wait3A_150 = arith.constant 128 : i32
        %dma_wait3A_151 = tpu.memref_slice %arg23[%dma_wait3A_150] : memref<512xf32, #tpu.memory_space<vmem>> -> memref<128xf32, #tpu.memory_space<vmem>>
        %dma_wait3A_152 = arith.constant 0 : i32
        %dma_wait3A_153 = tpu.memref_slice %arg14[%add3A_44, %dma_wait3A_152] : memref<16x128xf32, #tpu.memory_space<hbm>> -> memref<1x128xf32, #tpu.memory_space<hbm>>
        %dma_wait3A_154 = tpu.memref_squeeze %dma_wait3A_153 : memref<1x128xf32, #tpu.memory_space<hbm>> -> memref<128xf32, #tpu.memory_space<hbm>>
        tpu.wait_dma2 semaphore(%run_scoped3A : memref<!tpu.dma_semaphore, #tpu.memory_space<semaphore_mem>>) src(%dma_wait3A_154 : memref<128xf32, #tpu.memory_space<hbm>>) dst(%dma_wait3A_151 : memref<128xf32, #tpu.memory_space<vmem>>)
        tpu.yield
      }) : () -> ()
      "tpu.region"() ({
        %run_scoped3A = tpu.sem_alloc : memref<!tpu.dma_semaphore, #tpu.memory_space<semaphore_mem>>
        %dma_start3A = arith.constant 128 : i32
        %dma_start3A_137 = tpu.memref_slice %arg24[%dma_start3A] : memref<512xf32, #tpu.memory_space<vmem>> -> memref<128xf32, #tpu.memory_space<vmem>>
        %dma_start3A_138 = arith.constant 0 : i32
        %dma_start3A_139 = tpu.memref_slice %arg15[%add3A_44, %dma_start3A_138] : memref<16x128xf32, #tpu.memory_space<hbm>> -> memref<1x128xf32, #tpu.memory_space<hbm>>
        %dma_start3A_140 = tpu.memref_squeeze %dma_start3A_139 : memref<1x128xf32, #tpu.memory_space<hbm>> -> memref<128xf32, #tpu.memory_space<hbm>>
        %dma_start3A_141 = arith.constant 128 : i32
        %dma_start3A_142 = tpu.memref_slice %arg24[%dma_start3A_141] : memref<512xf32, #tpu.memory_space<vmem>> -> memref<128xf32, #tpu.memory_space<vmem>>
        %dma_start3A_143 = arith.constant 0 : i32
        %dma_start3A_144 = tpu.memref_slice %arg15[%add3A_44, %dma_start3A_143] : memref<16x128xf32, #tpu.memory_space<hbm>> -> memref<1x128xf32, #tpu.memory_space<hbm>>
        %dma_start3A_145 = tpu.memref_squeeze %dma_start3A_144 : memref<1x128xf32, #tpu.memory_space<hbm>> -> memref<128xf32, #tpu.memory_space<hbm>>
        tpu.enqueue_dma source(%dma_start3A_145 : memref<128xf32, #tpu.memory_space<hbm>>) target(%dma_start3A_142 : memref<128xf32, #tpu.memory_space<vmem>>) target_semaphore(%run_scoped3A : memref<!tpu.dma_semaphore, #tpu.memory_space<semaphore_mem>>)
        %dma_wait3A = arith.constant 128 : i32
        %dma_wait3A_146 = tpu.memref_slice %arg24[%dma_wait3A] : memref<512xf32, #tpu.memory_space<vmem>> -> memref<128xf32, #tpu.memory_space<vmem>>
        %dma_wait3A_147 = arith.constant 0 : i32
        %dma_wait3A_148 = tpu.memref_slice %arg15[%add3A_44, %dma_wait3A_147] : memref<16x128xf32, #tpu.memory_space<hbm>> -> memref<1x128xf32, #tpu.memory_space<hbm>>
        %dma_wait3A_149 = tpu.memref_squeeze %dma_wait3A_148 : memref<1x128xf32, #tpu.memory_space<hbm>> -> memref<128xf32, #tpu.memory_space<hbm>>
        %dma_wait3A_150 = arith.constant 128 : i32
        %dma_wait3A_151 = tpu.memref_slice %arg24[%dma_wait3A_150] : memref<512xf32, #tpu.memory_space<vmem>> -> memref<128xf32, #tpu.memory_space<vmem>>
        %dma_wait3A_152 = arith.constant 0 : i32
        %dma_wait3A_153 = tpu.memref_slice %arg15[%add3A_44, %dma_wait3A_152] : memref<16x128xf32, #tpu.memory_space<hbm>> -> memref<1x128xf32, #tpu.memory_space<hbm>>
        %dma_wait3A_154 = tpu.memref_squeeze %dma_wait3A_153 : memref<1x128xf32, #tpu.memory_space<hbm>> -> memref<128xf32, #tpu.memory_space<hbm>>
        tpu.wait_dma2 semaphore(%run_scoped3A : memref<!tpu.dma_semaphore, #tpu.memory_space<semaphore_mem>>) src(%dma_wait3A_154 : memref<128xf32, #tpu.memory_space<hbm>>) dst(%dma_wait3A_151 : memref<128xf32, #tpu.memory_space<vmem>>)
        tpu.yield
      }) : () -> ()
      %scan3A = arith.constant 0 : i32
      %scan3A_45 = arith.constant 0 : i32
      %scan3A_46 = arith.constant 64 : i32
      %scan3A_47 = arith.addi %scan3A_45, %scan3A_46 : i32
      %scan3A_48 = arith.constant 1 : i32
      %scan3A_49 = scf.for %scan3A_137 = %scan3A_45 to %scan3A_47 step %scan3A_48 iter_args(%scan3A_138 = %scan3A) -> (i32)  : i32 {
        %mul3A_139 = arith.constant 16 : i32
        %mul3A_140 = arith.muli %scan3A_137, %mul3A_139 : i32
        %get3A_141 = arith.index_cast %mul3A_140 : i32 to index
        %get3A_142 = tpu.vector_load %arg17[%get3A_141] {strides = array<i32>} : memref<8192xi32, #tpu.memory_space<vmem>>, vector<16xi32>,
        %get3A_143 = arith.index_cast %mul3A_140 : i32 to index
        %get3A_144 = tpu.vector_load %arg18[%get3A_143] {strides = array<i32>} : memref<8192xi32, #tpu.memory_space<vmem>>, vector<16xi32>,
        %shift_left3A = arith.constant 9 : i32
        %shift_left3A_145 = vector.broadcast %shift_left3A : i32 to vector<16xi32>
        %shift_left3A_146 = arith.shli %get3A_144, %shift_left3A_145 : vector<16xi32>
        %or3A = arith.ori %get3A_142, %shift_left3A_146 : vector<16xi32>
        %get3A_147 = arith.index_cast %mul3A_140 : i32 to index
        %get3A_148 = tpu.vector_load %arg19[%get3A_147] {strides = array<i32>} : memref<8192xi32, #tpu.memory_space<vmem>>, vector<16xi32>,
        %shift_left3A_149 = arith.constant 18 : i32
        %shift_left3A_150 = vector.broadcast %shift_left3A_149 : i32 to vector<16xi32>
        %shift_left3A_151 = arith.shli %get3A_148, %shift_left3A_150 : vector<16xi32>
        %or3A_152 = arith.ori %or3A, %shift_left3A_151 : vector<16xi32>
        %swap3A_153 = arith.index_cast %mul3A_140 : i32 to index
        %swap3A_154 = tpu.vector_load %arg20[%swap3A_153] {strides = array<i32>} : memref<8192xi32, #tpu.memory_space<vmem>>, vector<16xi32>,
        tpu.vector_store %arg20[%swap3A_153], %or3A_152 {strides = array<i32>} : memref<8192xi32, #tpu.memory_space<vmem>>, vector<16xi32>,
        %scan3A_155 = arith.constant 0 : i32
        scf.yield %scan3A_155 : i32
      }
      %scan3A_50 = arith.constant 64 : i32
      %scan3A_51 = arith.constant 0 : i32
      %scan3A_52 = arith.constant 0 : i32
      %scan3A_53 = arith.constant 16 : i32
      %scan3A_54 = arith.addi %scan3A_52, %scan3A_53 : i32
      %scan3A_55 = arith.constant 1 : i32
      %scan3A_56 = scf.for %scan3A_137 = %scan3A_52 to %scan3A_54 step %scan3A_55 iter_args(%scan3A_138 = %scan3A_51) -> (i32)  : i32 {
        %mul3A_139 = arith.constant 16 : i32
        %mul3A_140 = arith.muli %scan3A_137, %mul3A_139 : i32
        %get3A_141 = arith.index_cast %mul3A_140 : i32 to index
        %get3A_142 = tpu.vector_load %arg23[%get3A_141] {strides = array<i32>} : memref<512xf32, #tpu.memory_space<vmem>>, vector<16xf32>,
        %exp3A = math.exp %get3A_142 : vector<16xf32>
        %swap3A_143 = arith.index_cast %mul3A_140 : i32 to index
        %swap3A_144 = tpu.vector_load %arg22[%swap3A_143] {strides = array<i32>} : memref<512xf32, #tpu.memory_space<vmem>>, vector<16xf32>,
        tpu.vector_store %arg22[%swap3A_143], %exp3A {strides = array<i32>} : memref<512xf32, #tpu.memory_space<vmem>>, vector<16xf32>,
        %scan3A_145 = arith.constant 0 : i32
        scf.yield %scan3A_145 : i32
      }
      %scan3A_57 = arith.constant 16 : i32
      %scan3A_58 = arith.constant 0 : i32
      %scan3A_59 = arith.constant 0 : i32
      %scan3A_60 = arith.constant 16 : i32
      %scan3A_61 = arith.addi %scan3A_59, %scan3A_60 : i32
      %scan3A_62 = arith.constant 1 : i32
      %scan3A_63 = scf.for %scan3A_137 = %scan3A_59 to %scan3A_61 step %scan3A_62 iter_args(%scan3A_138 = %scan3A_58) -> (i32)  : i32 {
        %mul3A_139 = arith.constant 16 : i32
        %mul3A_140 = arith.muli %scan3A_137, %mul3A_139 : i32
        %swap3A_141 = arith.index_cast %mul3A_140 : i32 to index
        %swap3A_142 = tpu.vector_load %arg23[%swap3A_141] {strides = array<i32>} : memref<512xf32, #tpu.memory_space<vmem>>, vector<16xf32>,
        tpu.vector_store %arg23[%swap3A_141], %broadcast_in_dim3A_1 {strides = array<i32>} : memref<512xf32, #tpu.memory_space<vmem>>, vector<16xf32>,
        %scan3A_143 = arith.constant 0 : i32
        scf.yield %scan3A_143 : i32
      }
      %scan3A_64 = arith.constant 16 : i32
      %mul3A_65 = arith.constant 8 : i32
      %mul3A_66 = arith.muli %select_n3A, %mul3A_65 : i32
      %add3A_67 = arith.addi %mul3A_66, %select_n3A_40 : i32
      %mul3A_68 = arith.constant 500 : i32
      %mul3A_69 = arith.muli %add3A_67, %mul3A_68 : i32
      %get3A = arith.constant 0 : index
      %get3A_70 = tpu.vector_load %arg27[%get3A] {strides = array<i32>} : memref<16xi32, #tpu.memory_space<vmem>>, vector<16xi32>,
      %eq3A_71 = vector.broadcast %select_n3A_40 : i32 to vector<16xi32>
      %eq3A_72 = arith.cmpi eq, %iota3A, %eq3A_71 : vector<16xi32>
      %jit3A_73 = arith.constant 0 : i32
      %broadcast_in_dim3A_74 = vector.broadcast %jit3A_73 : i32 to vector<16xi32>
      %select_n3A_75 = arith.select %eq3A_72, %get3A_70, %broadcast_in_dim3A_74 : vector<16xi1>, vector<16xi32>
      %convert_element_type3A_76 = arith.sitofp %select_n3A_75 : vector<16xi32> to vector<16xf32>
      %reduce_max3A = arith.constant true
      %reduce_max3A_77 = vector.broadcast %reduce_max3A : i1 to vector<16xi1>
      %reduce_max3A_78 = tpu.scan <max>, %convert_element_type3A_76 masked %reduce_max3A_77 : vector<16xf32>, vector<16xi1> -> vector<16xf32>
      %reduce_max3A_79 = vector.extract %reduce_max3A_78[15] : f32 from vector<16xf32>
      %convert_element_type3A_80 = arith.fptosi %reduce_max3A_79 : f32 to i32
      %while3A = arith.constant 0 : i32
      %while3A_81 = arith.constant 0 : i32
      %while3A_82 = arith.constant 0 : i32
      %while3A_83 = arith.subi %convert_element_type3A_80, %while3A : i32
      %while3A_84 = arith.addi %while3A, %while3A_83 : i32
      %while3A_85 = arith.constant 1 : i32
      %while3A_86 = arith.divsi %while3A_83, %while3A_85 : i32
      %while3A_87 = arith.muli %while3A_86, %while3A_85 : i32
      %while3A_88 = arith.addi %while3A, %while3A_87 : i32
      %while3A_89 = arith.constant 1 : i32
      %while3A_90:2 = scf.for %while3A_137 = %while3A to %while3A_88 step %while3A_89 iter_args(%while3A_138 = %while3A_81, %while3A_139 = %while3A_82) -> (i32, i32)  : i32 {
        %add3A_140 = arith.addi %mul3A_69, %while3A_137 : i32
        "tpu.region"() ({
          %run_scoped3A = tpu.sem_alloc : memref<!tpu.dma_semaphore, #tpu.memory_space<semaphore_mem>>
          %dma_start3A = arith.constant 0 : i32
          %dma_start3A_220 = tpu.memref_slice %arg25[%dma_start3A] : memref<4096xf32, #tpu.memory_space<vmem>> -> memref<2048xf32, #tpu.memory_space<vmem>>
          %dma_start3A_221 = arith.constant 0 : i32
          %dma_start3A_222 = tpu.memref_slice %arg2[%add3A_140, %dma_start3A_221] : memref<8000x2048xf32, #tpu.memory_space<hbm>> -> memref<1x2048xf32, #tpu.memory_space<hbm>>
          %dma_start3A_223 = tpu.memref_squeeze %dma_start3A_222 : memref<1x2048xf32, #tpu.memory_space<hbm>> -> memref<2048xf32, #tpu.memory_space<hbm>>
          %dma_start3A_224 = arith.constant 0 : i32
          %dma_start3A_225 = tpu.memref_slice %arg25[%dma_start3A_224] : memref<4096xf32, #tpu.memory_space<vmem>> -> memref<2048xf32, #tpu.memory_space<vmem>>
          %dma_start3A_226 = arith.constant 0 : i32
          %dma_start3A_227 = tpu.memref_slice %arg2[%add3A_140, %dma_start3A_226] : memref<8000x2048xf32, #tpu.memory_space<hbm>> -> memref<1x2048xf32, #tpu.memory_space<hbm>>
          %dma_start3A_228 = tpu.memref_squeeze %dma_start3A_227 : memref<1x2048xf32, #tpu.memory_space<hbm>> -> memref<2048xf32, #tpu.memory_space<hbm>>
          tpu.enqueue_dma source(%dma_start3A_228 : memref<2048xf32, #tpu.memory_space<hbm>>) target(%dma_start3A_225 : memref<2048xf32, #tpu.memory_space<vmem>>) target_semaphore(%run_scoped3A : memref<!tpu.dma_semaphore, #tpu.memory_space<semaphore_mem>>)
          %dma_wait3A = arith.constant 0 : i32
          %dma_wait3A_229 = tpu.memref_slice %arg25[%dma_wait3A] : memref<4096xf32, #tpu.memory_space<vmem>> -> memref<2048xf32, #tpu.memory_space<vmem>>
          %dma_wait3A_230 = arith.constant 0 : i32
          %dma_wait3A_231 = tpu.memref_slice %arg2[%add3A_140, %dma_wait3A_230] : memref<8000x2048xf32, #tpu.memory_space<hbm>> -> memref<1x2048xf32, #tpu.memory_space<hbm>>
          %dma_wait3A_232 = tpu.memref_squeeze %dma_wait3A_231 : memref<1x2048xf32, #tpu.memory_space<hbm>> -> memref<2048xf32, #tpu.memory_space<hbm>>
          %dma_wait3A_233 = arith.constant 0 : i32
          %dma_wait3A_234 = tpu.memref_slice %arg25[%dma_wait3A_233] : memref<4096xf32, #tpu.memory_space<vmem>> -> memref<2048xf32, #tpu.memory_space<vmem>>
          %dma_wait3A_235 = arith.constant 0 : i32
          %dma_wait3A_236 = tpu.memref_slice %arg2[%add3A_140, %dma_wait3A_235] : memref<8000x2048xf32, #tpu.memory_space<hbm>> -> memref<1x2048xf32, #tpu.memory_space<hbm>>
          %dma_wait3A_237 = tpu.memref_squeeze %dma_wait3A_236 : memref<1x2048xf32, #tpu.memory_space<hbm>> -> memref<2048xf32, #tpu.memory_space<hbm>>
          tpu.wait_dma2 semaphore(%run_scoped3A : memref<!tpu.dma_semaphore, #tpu.memory_space<semaphore_mem>>) src(%dma_wait3A_237 : memref<2048xf32, #tpu.memory_space<hbm>>) dst(%dma_wait3A_234 : memref<2048xf32, #tpu.memory_space<vmem>>)
          tpu.yield
        }) : () -> ()
        %scan3A_141 = arith.constant 0 : i32
        %scan3A_142 = arith.constant 0 : i32
        %scan3A_143 = arith.constant 8 : i32
        %scan3A_144 = arith.addi %scan3A_142, %scan3A_143 : i32
        %scan3A_145 = arith.constant 1 : i32
        %scan3A_146 = scf.for %scan3A_220 = %scan3A_142 to %scan3A_144 step %scan3A_145 iter_args(%scan3A_221 = %scan3A_141) -> (i32)  : i32 {
          %mul3A_222 = arith.constant 4 : i32
          %mul3A_223 = arith.muli %scan3A_220, %mul3A_222 : i32
          %add3A_224 = arith.constant 0 : i32
          %add3A_225 = arith.addi %mul3A_223, %add3A_224 : i32
          %mul3A_226 = arith.constant 16 : i32
          %mul3A_227 = arith.muli %add3A_225, %mul3A_226 : i32
          %add3A_228 = arith.constant 0 : i32
          %add3A_229 = arith.addi %add3A_228, %mul3A_227 : i32
          %get3A_230 = arith.index_cast %add3A_229 : i32 to index
          %get3A_231 = tpu.vector_load %arg20[%get3A_230] {strides = array<i32>} : memref<8192xi32, #tpu.memory_space<vmem>>, vector<16xi32>,
          %and3A_232 = arith.constant 511 : i32
          %and3A_233 = vector.broadcast %and3A_232 : i32 to vector<16xi32>
          %and3A_234 = arith.andi %get3A_231, %and3A_233 : vector<16xi32>
          %add3A_235 = arith.constant 0 : i32
          %add3A_236 = vector.broadcast %add3A_235 : i32 to vector<16xi32>
          %add3A_237 = arith.addi %and3A_234, %add3A_236 : vector<16xi32>
          %gather3A = tpu.vector_load_idx %arg22[%add3A_237] : memref<512xf32, #tpu.memory_space<vmem>>[vector<16xi32>], vector<16xf32>,
          %shift_right_arithmetic3A_238 = arith.constant 18 : i32
          %shift_right_arithmetic3A_239 = vector.broadcast %shift_right_arithmetic3A_238 : i32 to vector<16xi32>
          %shift_right_arithmetic3A_240 = arith.shrsi %get3A_231, %shift_right_arithmetic3A_239 : vector<16xi32>
          %add3A_241 = arith.constant 0 : i32
          %add3A_242 = vector.broadcast %add3A_241 : i32 to vector<16xi32>
          %add3A_243 = arith.addi %shift_right_arithmetic3A_240, %add3A_242 : vector<16xi32>
          %gather3A_244 = tpu.vector_load_idx %arg25[%add3A_243] : memref<4096xf32, #tpu.memory_space<vmem>>[vector<16xi32>], vector<16xf32>,
          %get3A_245 = arith.index_cast %add3A_229 : i32 to index
          %get3A_246 = tpu.vector_load %arg21[%get3A_245] {strides = array<i32>} : memref<8192xf32, #tpu.memory_space<vmem>>, vector<16xf32>,
          %add3A_247 = arith.addf %get3A_246, %gather3A_244 : vector<16xf32>
          %exp3A = math.exp %add3A_247 : vector<16xf32>
          %mul3A_248 = arith.mulf %gather3A, %exp3A : vector<16xf32>
          %shift_right_arithmetic3A_249 = arith.constant 9 : i32
          %shift_right_arithmetic3A_250 = vector.broadcast %shift_right_arithmetic3A_249 : i32 to vector<16xi32>
          %shift_right_arithmetic3A_251 = arith.shrsi %get3A_231, %shift_right_arithmetic3A_250 : vector<16xi32>
          %and3A_252 = arith.constant 511 : i32
          %and3A_253 = vector.broadcast %and3A_252 : i32 to vector<16xi32>
          %and3A_254 = arith.andi %shift_right_arithmetic3A_251, %and3A_253 : vector<16xi32>
          %add3A_255 = arith.constant 0 : i32
          %add3A_256 = vector.broadcast %add3A_255 : i32 to vector<16xi32>
          %add3A_257 = arith.addi %and3A_254, %add3A_256 : vector<16xi32>
          tpu.vector_store_idx %arg23[%add3A_257], %mul3A_248 {add = true} : memref<512xf32, #tpu.memory_space<vmem>>[vector<16xi32>], vector<16xf32>,
          %mul3A_258 = arith.constant 4 : i32
          %mul3A_259 = arith.muli %scan3A_220, %mul3A_258 : i32
          %add3A_260 = arith.constant 1 : i32
          %add3A_261 = arith.addi %mul3A_259, %add3A_260 : i32
          %mul3A_262 = arith.constant 16 : i32
          %mul3A_263 = arith.muli %add3A_261, %mul3A_262 : i32
          %add3A_264 = arith.constant 0 : i32
          %add3A_265 = arith.addi %add3A_264, %mul3A_263 : i32
          %get3A_266 = arith.index_cast %add3A_265 : i32 to index
          %get3A_267 = tpu.vector_load %arg20[%get3A_266] {strides = array<i32>} : memref<8192xi32, #tpu.memory_space<vmem>>, vector<16xi32>,
          %and3A_268 = arith.constant 511 : i32
          %and3A_269 = vector.broadcast %and3A_268 : i32 to vector<16xi32>
          %and3A_270 = arith.andi %get3A_267, %and3A_269 : vector<16xi32>
          %add3A_271 = arith.constant 0 : i32
          %add3A_272 = vector.broadcast %add3A_271 : i32 to vector<16xi32>
          %add3A_273 = arith.addi %and3A_270, %add3A_272 : vector<16xi32>
          %gather3A_274 = tpu.vector_load_idx %arg22[%add3A_273] : memref<512xf32, #tpu.memory_space<vmem>>[vector<16xi32>], vector<16xf32>,
          %shift_right_arithmetic3A_275 = arith.constant 18 : i32
          %shift_right_arithmetic3A_276 = vector.broadcast %shift_right_arithmetic3A_275 : i32 to vector<16xi32>
          %shift_right_arithmetic3A_277 = arith.shrsi %get3A_267, %shift_right_arithmetic3A_276 : vector<16xi32>
          %add3A_278 = arith.constant 0 : i32
          %add3A_279 = vector.broadcast %add3A_278 : i32 to vector<16xi32>
          %add3A_280 = arith.addi %shift_right_arithmetic3A_277, %add3A_279 : vector<16xi32>
          %gather3A_281 = tpu.vector_load_idx %arg25[%add3A_280] : memref<4096xf32, #tpu.memory_space<vmem>>[vector<16xi32>], vector<16xf32>,
          %get3A_282 = arith.index_cast %add3A_265 : i32 to index
          %get3A_283 = tpu.vector_load %arg21[%get3A_282] {strides = array<i32>} : memref<8192xf32, #tpu.memory_space<vmem>>, vector<16xf32>,
          %add3A_284 = arith.addf %get3A_283, %gather3A_281 : vector<16xf32>
          %exp3A_285 = math.exp %add3A_284 : vector<16xf32>
          %mul3A_286 = arith.mulf %gather3A_274, %exp3A_285 : vector<16xf32>
          %shift_right_arithmetic3A_287 = arith.constant 9 : i32
          %shift_right_arithmetic3A_288 = vector.broadcast %shift_right_arithmetic3A_287 : i32 to vector<16xi32>
          %shift_right_arithmetic3A_289 = arith.shrsi %get3A_267, %shift_right_arithmetic3A_288 : vector<16xi32>
          %and3A_290 = arith.constant 511 : i32
          %and3A_291 = vector.broadcast %and3A_290 : i32 to vector<16xi32>
          %and3A_292 = arith.andi %shift_right_arithmetic3A_289, %and3A_291 : vector<16xi32>
          %add3A_293 = arith.constant 0 : i32
          %add3A_294 = vector.broadcast %add3A_293 : i32 to vector<16xi32>
          %add3A_295 = arith.addi %and3A_292, %add3A_294 : vector<16xi32>
          tpu.vector_store_idx %arg23[%add3A_295], %mul3A_286 {add = true} : memref<512xf32, #tpu.memory_space<vmem>>[vector<16xi32>], vector<16xf32>,
          %mul3A_296 = arith.constant 4 : i32
          %mul3A_297 = arith.muli %scan3A_220, %mul3A_296 : i32
          %add3A_298 = arith.constant 2 : i32
          %add3A_299 = arith.addi %mul3A_297, %add3A_298 : i32
          %mul3A_300 = arith.constant 16 : i32
          %mul3A_301 = arith.muli %add3A_299, %mul3A_300 : i32
          %add3A_302 = arith.constant 0 : i32
          %add3A_303 = arith.addi %add3A_302, %mul3A_301 : i32
          %get3A_304 = arith.index_cast %add3A_303 : i32 to index
          %get3A_305 = tpu.vector_load %arg20[%get3A_304] {strides = array<i32>} : memref<8192xi32, #tpu.memory_space<vmem>>, vector<16xi32>,
          %and3A_306 = arith.constant 511 : i32
          %and3A_307 = vector.broadcast %and3A_306 : i32 to vector<16xi32>
          %and3A_308 = arith.andi %get3A_305, %and3A_307 : vector<16xi32>
          %add3A_309 = arith.constant 0 : i32
          %add3A_310 = vector.broadcast %add3A_309 : i32 to vector<16xi32>
          %add3A_311 = arith.addi %and3A_308, %add3A_310 : vector<16xi32>
          %gather3A_312 = tpu.vector_load_idx %arg22[%add3A_311] : memref<512xf32, #tpu.memory_space<vmem>>[vector<16xi32>], vector<16xf32>,
          %shift_right_arithmetic3A_313 = arith.constant 18 : i32
          %shift_right_arithmetic3A_314 = vector.broadcast %shift_right_arithmetic3A_313 : i32 to vector<16xi32>
          %shift_right_arithmetic3A_315 = arith.shrsi %get3A_305, %shift_right_arithmetic3A_314 : vector<16xi32>
          %add3A_316 = arith.constant 0 : i32
          %add3A_317 = vector.broadcast %add3A_316 : i32 to vector<16xi32>
          %add3A_318 = arith.addi %shift_right_arithmetic3A_315, %add3A_317 : vector<16xi32>
          %gather3A_319 = tpu.vector_load_idx %arg25[%add3A_318] : memref<4096xf32, #tpu.memory_space<vmem>>[vector<16xi32>], vector<16xf32>,
          %get3A_320 = arith.index_cast %add3A_303 : i32 to index
          %get3A_321 = tpu.vector_load %arg21[%get3A_320] {strides = array<i32>} : memref<8192xf32, #tpu.memory_space<vmem>>, vector<16xf32>,
          %add3A_322 = arith.addf %get3A_321, %gather3A_319 : vector<16xf32>
          %exp3A_323 = math.exp %add3A_322 : vector<16xf32>
          %mul3A_324 = arith.mulf %gather3A_312, %exp3A_323 : vector<16xf32>
          %shift_right_arithmetic3A_325 = arith.constant 9 : i32
          %shift_right_arithmetic3A_326 = vector.broadcast %shift_right_arithmetic3A_325 : i32 to vector<16xi32>
          %shift_right_arithmetic3A_327 = arith.shrsi %get3A_305, %shift_right_arithmetic3A_326 : vector<16xi32>
          %and3A_328 = arith.constant 511 : i32
          %and3A_329 = vector.broadcast %and3A_328 : i32 to vector<16xi32>
          %and3A_330 = arith.andi %shift_right_arithmetic3A_327, %and3A_329 : vector<16xi32>
          %add3A_331 = arith.constant 0 : i32
          %add3A_332 = vector.broadcast %add3A_331 : i32 to vector<16xi32>
          %add3A_333 = arith.addi %and3A_330, %add3A_332 : vector<16xi32>
          tpu.vector_store_idx %arg23[%add3A_333], %mul3A_324 {add = true} : memref<512xf32, #tpu.memory_space<vmem>>[vector<16xi32>], vector<16xf32>,
          %mul3A_334 = arith.constant 4 : i32
          %mul3A_335 = arith.muli %scan3A_220, %mul3A_334 : i32
          %add3A_336 = arith.constant 3 : i32
          %add3A_337 = arith.addi %mul3A_335, %add3A_336 : i32
          %mul3A_338 = arith.constant 16 : i32
          %mul3A_339 = arith.muli %add3A_337, %mul3A_338 : i32
          %add3A_340 = arith.constant 0 : i32
          %add3A_341 = arith.addi %add3A_340, %mul3A_339 : i32
          %get3A_342 = arith.index_cast %add3A_341 : i32 to index
          %get3A_343 = tpu.vector_load %arg20[%get3A_342] {strides = array<i32>} : memref<8192xi32, #tpu.memory_space<vmem>>, vector<16xi32>,
          %and3A_344 = arith.constant 511 : i32
          %and3A_345 = vector.broadcast %and3A_344 : i32 to vector<16xi32>
          %and3A_346 = arith.andi %get3A_343, %and3A_345 : vector<16xi32>
          %add3A_347 = arith.constant 0 : i32
          %add3A_348 = vector.broadcast %add3A_347 : i32 to vector<16xi32>
          %add3A_349 = arith.addi %and3A_346, %add3A_348 : vector<16xi32>
          %gather3A_350 = tpu.vector_load_idx %arg22[%add3A_349] : memref<512xf32, #tpu.memory_space<vmem>>[vector<16xi32>], vector<16xf32>,
          %shift_right_arithmetic3A_351 = arith.constant 18 : i32
          %shift_right_arithmetic3A_352 = vector.broadcast %shift_right_arithmetic3A_351 : i32 to vector<16xi32>
          %shift_right_arithmetic3A_353 = arith.shrsi %get3A_343, %shift_right_arithmetic3A_352 : vector<16xi32>
          %add3A_354 = arith.constant 0 : i32
          %add3A_355 = vector.broadcast %add3A_354 : i32 to vector<16xi32>
          %add3A_356 = arith.addi %shift_right_arithmetic3A_353, %add3A_355 : vector<16xi32>
          %gather3A_357 = tpu.vector_load_idx %arg25[%add3A_356] : memref<4096xf32, #tpu.memory_space<vmem>>[vector<16xi32>], vector<16xf32>,
          %get3A_358 = arith.index_cast %add3A_341 : i32 to index
          %get3A_359 = tpu.vector_load %arg21[%get3A_358] {strides = array<i32>} : memref<8192xf32, #tpu.memory_space<vmem>>, vector<16xf32>,
          %add3A_360 = arith.addf %get3A_359, %gather3A_357 : vector<16xf32>
          %exp3A_361 = math.exp %add3A_360 : vector<16xf32>
          %mul3A_362 = arith.mulf %gather3A_350, %exp3A_361 : vector<16xf32>
          %shift_right_arithmetic3A_363 = arith.constant 9 : i32
          %shift_right_arithmetic3A_364 = vector.broadcast %shift_right_arithmetic3A_363 : i32 to vector<16xi32>
          %shift_right_arithmetic3A_365 = arith.shrsi %get3A_343, %shift_right_arithmetic3A_364 : vector<16xi32>
          %and3A_366 = arith.constant 511 : i32
          %and3A_367 = vector.broadcast %and3A_366 : i32 to vector<16xi32>
          %and3A_368 = arith.andi %shift_right_arithmetic3A_365, %and3A_367 : vector<16xi32>
          %add3A_369 = arith.constant 0 : i32
          %add3A_370 = vector.broadcast %add3A_369 : i32 to vector<16xi32>
          %add3A_371 = arith.addi %and3A_368, %add3A_370 : vector<16xi32>
          tpu.vector_store_idx %arg23[%add3A_371], %mul3A_362 {add = true} : memref<512xf32, #tpu.memory_space<vmem>>[vector<16xi32>], vector<16xf32>,
          %scan3A_372 = arith.constant 0 : i32
          scf.yield %scan3A_372 : i32
        }
        %scan3A_147 = arith.constant 8 : i32
        %scan3A_148 = arith.constant 0 : i32
        %scan3A_149 = arith.constant 8 : i32
        %scan3A_150 = arith.addi %scan3A_148, %scan3A_149 : i32
        %scan3A_151 = arith.constant 1 : i32
        %scan3A_152 = scf.for %scan3A_220 = %scan3A_148 to %scan3A_150 step %scan3A_151 iter_args(%scan3A_221 = %broadcast_in_dim3A_1) -> (vector<16xf32>)  : i32 {
          %mul3A_222 = arith.constant 16 : i32
          %mul3A_223 = arith.muli %scan3A_220, %mul3A_222 : i32
          %add3A_224 = arith.constant 0 : i32
          %add3A_225 = arith.addi %add3A_224, %mul3A_223 : i32
          %get3A_226 = arith.index_cast %add3A_225 : i32 to index
          %get3A_227 = tpu.vector_load %arg23[%get3A_226] {strides = array<i32>} : memref<512xf32, #tpu.memory_space<vmem>>, vector<16xf32>,
          %max3A = arith.maximumf %scan3A_221, %get3A_227 : vector<16xf32>
          scf.yield %max3A : vector<16xf32>
        }
        %scan3A_153 = arith.constant 8 : i32
        %bitcast3A = vector.bitcast %scan3A_152 : vector<16xf32> to vector<16xi32>
        %shift_right_arithmetic3A = arith.constant 23 : i32
        %shift_right_arithmetic3A_154 = vector.broadcast %shift_right_arithmetic3A : i32 to vector<16xi32>
        %shift_right_arithmetic3A_155 = arith.shrsi %bitcast3A, %shift_right_arithmetic3A_154 : vector<16xi32>
        %sub3A_156 = arith.constant 127 : i32
        %sub3A_157 = vector.broadcast %sub3A_156 : i32 to vector<16xi32>
        %sub3A_158 = arith.subi %shift_right_arithmetic3A_155, %sub3A_157 : vector<16xi32>
        %convert_element_type3A_159 = arith.sitofp %sub3A_158 : vector<16xi32> to vector<16xf32>
        %reduce_max3A_160 = arith.constant true
        %reduce_max3A_161 = vector.broadcast %reduce_max3A_160 : i1 to vector<16xi1>
        %reduce_max3A_162 = tpu.scan <max>, %convert_element_type3A_159 masked %reduce_max3A_161 : vector<16xf32>, vector<16xi1> -> vector<16xf32>
        %reduce_max3A_163 = vector.extract %reduce_max3A_162[15] : f32 from vector<16xf32>
        %convert_element_type3A_164 = arith.fptosi %reduce_max3A_163 : f32 to i32
        %sub3A_165 = arith.constant 127 : i32
        %sub3A_166 = arith.subi %sub3A_165, %convert_element_type3A_164 : i32
        %broadcast_in_dim3A_167 = vector.broadcast %sub3A_166 : i32 to vector<16xi32>
        %shift_left3A = arith.constant 23 : i32
        %shift_left3A_168 = vector.broadcast %shift_left3A : i32 to vector<16xi32>
        %shift_left3A_169 = arith.shli %broadcast_in_dim3A_167, %shift_left3A_168 : vector<16xi32>
        %bitcast3A_170 = vector.bitcast %shift_left3A_169 : vector<16xi32> to vector<16xf32>
        %scan3A_171 = arith.constant 0 : i32
        %scan3A_172 = arith.constant 0 : i32
        %scan3A_173 = arith.constant 8 : i32
        %scan3A_174 = arith.addi %scan3A_172, %scan3A_173 : i32
        %scan3A_175 = arith.constant 1 : i32
        %scan3A_176 = scf.for %scan3A_220 = %scan3A_172 to %scan3A_174 step %scan3A_175 iter_args(%scan3A_221 = %scan3A_171) -> (i32)  : i32 {
          %mul3A_222 = arith.constant 16 : i32
          %mul3A_223 = arith.muli %scan3A_220, %mul3A_222 : i32
          %add3A_224 = arith.constant 0 : i32
          %add3A_225 = arith.addi %add3A_224, %mul3A_223 : i32
          %get3A_226 = arith.index_cast %add3A_225 : i32 to index
          %get3A_227 = tpu.vector_load %arg23[%get3A_226] {strides = array<i32>} : memref<512xf32, #tpu.memory_space<vmem>>, vector<16xf32>,
          %mul3A_228 = arith.mulf %get3A_227, %bitcast3A_170 : vector<16xf32>
          %swap3A_229 = arith.index_cast %add3A_225 : i32 to index
          %swap3A_230 = tpu.vector_load %arg22[%swap3A_229] {strides = array<i32>} : memref<512xf32, #tpu.memory_space<vmem>>, vector<16xf32>,
          tpu.vector_store %arg22[%swap3A_229], %mul3A_228 {strides = array<i32>} : memref<512xf32, #tpu.memory_space<vmem>>, vector<16xf32>,
          %swap3A_231 = arith.index_cast %add3A_225 : i32 to index
          %swap3A_232 = tpu.vector_load %arg23[%swap3A_231] {strides = array<i32>} : memref<512xf32, #tpu.memory_space<vmem>>, vector<16xf32>,
          tpu.vector_store %arg23[%swap3A_231], %broadcast_in_dim3A_1 {strides = array<i32>} : memref<512xf32, #tpu.memory_space<vmem>>, vector<16xf32>,
          %scan3A_233 = arith.constant 0 : i32
          scf.yield %scan3A_233 : i32
        }
        %scan3A_177 = arith.constant 8 : i32
        %add3A_178 = arith.addi %while3A_138, %convert_element_type3A_164 : i32
        %scan3A_179 = arith.constant 0 : i32
        %scan3A_180 = arith.constant 0 : i32
        %scan3A_181 = arith.constant 8 : i32
        %scan3A_182 = arith.addi %scan3A_180, %scan3A_181 : i32
        %scan3A_183 = arith.constant 1 : i32
        %scan3A_184 = scf.for %scan3A_220 = %scan3A_180 to %scan3A_182 step %scan3A_183 iter_args(%scan3A_221 = %scan3A_179) -> (i32)  : i32 {
          %mul3A_222 = arith.constant 4 : i32
          %mul3A_223 = arith.muli %scan3A_220, %mul3A_222 : i32
          %add3A_224 = arith.constant 0 : i32
          %add3A_225 = arith.addi %mul3A_223, %add3A_224 : i32
          %mul3A_226 = arith.constant 16 : i32
          %mul3A_227 = arith.muli %add3A_225, %mul3A_226 : i32
          %add3A_228 = arith.constant 512 : i32
          %add3A_229 = arith.addi %add3A_228, %mul3A_227 : i32
          %get3A_230 = arith.index_cast %add3A_229 : i32 to index
          %get3A_231 = tpu.vector_load %arg20[%get3A_230] {strides = array<i32>} : memref<8192xi32, #tpu.memory_space<vmem>>, vector<16xi32>,
          %and3A_232 = arith.constant 511 : i32
          %and3A_233 = vector.broadcast %and3A_232 : i32 to vector<16xi32>
          %and3A_234 = arith.andi %get3A_231, %and3A_233 : vector<16xi32>
          %add3A_235 = arith.constant 128 : i32
          %add3A_236 = vector.broadcast %add3A_235 : i32 to vector<16xi32>
          %add3A_237 = arith.addi %and3A_234, %add3A_236 : vector<16xi32>
          %gather3A = tpu.vector_load_idx %arg22[%add3A_237] : memref<512xf32, #tpu.memory_space<vmem>>[vector<16xi32>], vector<16xf32>,
          %shift_right_arithmetic3A_238 = arith.constant 18 : i32
          %shift_right_arithmetic3A_239 = vector.broadcast %shift_right_arithmetic3A_238 : i32 to vector<16xi32>
          %shift_right_arithmetic3A_240 = arith.shrsi %get3A_231, %shift_right_arithmetic3A_239 : vector<16xi32>
          %add3A_241 = arith.constant 0 : i32
          %add3A_242 = vector.broadcast %add3A_241 : i32 to vector<16xi32>
          %add3A_243 = arith.addi %shift_right_arithmetic3A_240, %add3A_242 : vector<16xi32>
          %gather3A_244 = tpu.vector_load_idx %arg25[%add3A_243] : memref<4096xf32, #tpu.memory_space<vmem>>[vector<16xi32>], vector<16xf32>,
          %get3A_245 = arith.index_cast %add3A_229 : i32 to index
          %get3A_246 = tpu.vector_load %arg21[%get3A_245] {strides = array<i32>} : memref<8192xf32, #tpu.memory_space<vmem>>, vector<16xf32>,
          %add3A_247 = arith.addf %get3A_246, %gather3A_244 : vector<16xf32>
          %exp3A = math.exp %add3A_247 : vector<16xf32>
          %mul3A_248 = arith.mulf %gather3A, %exp3A : vector<16xf32>
          %shift_right_arithmetic3A_249 = arith.constant 9 : i32
          %shift_right_arithmetic3A_250 = vector.broadcast %shift_right_arithmetic3A_249 : i32 to vector<16xi32>
          %shift_right_arithmetic3A_251 = arith.shrsi %get3A_231, %shift_right_arithmetic3A_250 : vector<16xi32>
          %and3A_252 = arith.constant 511 : i32
          %and3A_253 = vector.broadcast %and3A_252 : i32 to vector<16xi32>
          %and3A_254 = arith.andi %shift_right_arithmetic3A_251, %and3A_253 : vector<16xi32>
          %add3A_255 = arith.constant 128 : i32
          %add3A_256 = vector.broadcast %add3A_255 : i32 to vector<16xi32>
          %add3A_257 = arith.addi %and3A_254, %add3A_256 : vector<16xi32>
          tpu.vector_store_idx %arg23[%add3A_257], %mul3A_248 {add = true} : memref<512xf32, #tpu.memory_space<vmem>>[vector<16xi32>], vector<16xf32>,
          %mul3A_258 = arith.constant 4 : i32
          %mul3A_259 = arith.muli %scan3A_220, %mul3A_258 : i32
          %add3A_260 = arith.constant 1 : i32
          %add3A_261 = arith.addi %mul3A_259, %add3A_260 : i32
          %mul3A_262 = arith.constant 16 : i32
          %mul3A_263 = arith.muli %add3A_261, %mul3A_262 : i32
          %add3A_264 = arith.constant 512 : i32
          %add3A_265 = arith.addi %add3A_264, %mul3A_263 : i32
          %get3A_266 = arith.index_cast %add3A_265 : i32 to index
          %get3A_267 = tpu.vector_load %arg20[%get3A_266] {strides = array<i32>} : memref<8192xi32, #tpu.memory_space<vmem>>, vector<16xi32>,
          %and3A_268 = arith.constant 511 : i32
          %and3A_269 = vector.broadcast %and3A_268 : i32 to vector<16xi32>
          %and3A_270 = arith.andi %get3A_267, %and3A_269 : vector<16xi32>
          %add3A_271 = arith.constant 128 : i32
          %add3A_272 = vector.broadcast %add3A_271 : i32 to vector<16xi32>
          %add3A_273 = arith.addi %and3A_270, %add3A_272 : vector<16xi32>
          %gather3A_274 = tpu.vector_load_idx %arg22[%add3A_273] : memref<512xf32, #tpu.memory_space<vmem>>[vector<16xi32>], vector<16xf32>,
          %shift_right_arithmetic3A_275 = arith.constant 18 : i32
          %shift_right_arithmetic3A_276 = vector.broadcast %shift_right_arithmetic3A_275 : i32 to vector<16xi32>
          %shift_right_arithmetic3A_277 = arith.shrsi %get3A_267, %shift_right_arithmetic3A_276 : vector<16xi32>
          %add3A_278 = arith.constant 0 : i32
          %add3A_279 = vector.broadcast %add3A_278 : i32 to vector<16xi32>
          %add3A_280 = arith.addi %shift_right_arithmetic3A_277, %add3A_279 : vector<16xi32>
          %gather3A_281 = tpu.vector_load_idx %arg25[%add3A_280] : memref<4096xf32, #tpu.memory_space<vmem>>[vector<16xi32>], vector<16xf32>,
          %get3A_282 = arith.index_cast %add3A_265 : i32 to index
          %get3A_283 = tpu.vector_load %arg21[%get3A_282] {strides = array<i32>} : memref<8192xf32, #tpu.memory_space<vmem>>, vector<16xf32>,
          %add3A_284 = arith.addf %get3A_283, %gather3A_281 : vector<16xf32>
          %exp3A_285 = math.exp %add3A_284 : vector<16xf32>
          %mul3A_286 = arith.mulf %gather3A_274, %exp3A_285 : vector<16xf32>
          %shift_right_arithmetic3A_287 = arith.constant 9 : i32
          %shift_right_arithmetic3A_288 = vector.broadcast %shift_right_arithmetic3A_287 : i32 to vector<16xi32>
          %shift_right_arithmetic3A_289 = arith.shrsi %get3A_267, %shift_right_arithmetic3A_288 : vector<16xi32>
          %and3A_290 = arith.constant 511 : i32
          %and3A_291 = vector.broadcast %and3A_290 : i32 to vector<16xi32>
          %and3A_292 = arith.andi %shift_right_arithmetic3A_289, %and3A_291 : vector<16xi32>
          %add3A_293 = arith.constant 128 : i32
          %add3A_294 = vector.broadcast %add3A_293 : i32 to vector<16xi32>
          %add3A_295 = arith.addi %and3A_292, %add3A_294 : vector<16xi32>
          tpu.vector_store_idx %arg23[%add3A_295], %mul3A_286 {add = true} : memref<512xf32, #tpu.memory_space<vmem>>[vector<16xi32>], vector<16xf32>,
          %mul3A_296 = arith.constant 4 : i32
          %mul3A_297 = arith.muli %scan3A_220, %mul3A_296 : i32
          %add3A_298 = arith.constant 2 : i32
          %add3A_299 = arith.addi %mul3A_297, %add3A_298 : i32
          %mul3A_300 = arith.constant 16 : i32
          %mul3A_301 = arith.muli %add3A_299, %mul3A_300 : i32
          %add3A_302 = arith.constant 512 : i32
          %add3A_303 = arith.addi %add3A_302, %mul3A_301 : i32
          %get3A_304 = arith.index_cast %add3A_303 : i32 to index
          %get3A_305 = tpu.vector_load %arg20[%get3A_304] {strides = array<i32>} : memref<8192xi32, #tpu.memory_space<vmem>>, vector<16xi32>,
          %and3A_306 = arith.constant 511 : i32
          %and3A_307 = vector.broadcast %and3A_306 : i32 to vector<16xi32>
          %and3A_308 = arith.andi %get3A_305, %and3A_307 : vector<16xi32>
          %add3A_309 = arith.constant 128 : i32
          %add3A_310 = vector.broadcast %add3A_309 : i32 to vector<16xi32>
          %add3A_311 = arith.addi %and3A_308, %add3A_310 : vector<16xi32>
          %gather3A_312 = tpu.vector_load_idx %arg22[%add3A_311] : memref<512xf32, #tpu.memory_space<vmem>>[vector<16xi32>], vector<16xf32>,
          %shift_right_arithmetic3A_313 = arith.constant 18 : i32
          %shift_right_arithmetic3A_314 = vector.broadcast %shift_right_arithmetic3A_313 : i32 to vector<16xi32>
          %shift_right_arithmetic3A_315 = arith.shrsi %get3A_305, %shift_right_arithmetic3A_314 : vector<16xi32>
          %add3A_316 = arith.constant 0 : i32
          %add3A_317 = vector.broadcast %add3A_316 : i32 to vector<16xi32>
          %add3A_318 = arith.addi %shift_right_arithmetic3A_315, %add3A_317 : vector<16xi32>
          %gather3A_319 = tpu.vector_load_idx %arg25[%add3A_318] : memref<4096xf32, #tpu.memory_space<vmem>>[vector<16xi32>], vector<16xf32>,
          %get3A_320 = arith.index_cast %add3A_303 : i32 to index
          %get3A_321 = tpu.vector_load %arg21[%get3A_320] {strides = array<i32>} : memref<8192xf32, #tpu.memory_space<vmem>>, vector<16xf32>,
          %add3A_322 = arith.addf %get3A_321, %gather3A_319 : vector<16xf32>
          %exp3A_323 = math.exp %add3A_322 : vector<16xf32>
          %mul3A_324 = arith.mulf %gather3A_312, %exp3A_323 : vector<16xf32>
          %shift_right_arithmetic3A_325 = arith.constant 9 : i32
          %shift_right_arithmetic3A_326 = vector.broadcast %shift_right_arithmetic3A_325 : i32 to vector<16xi32>
          %shift_right_arithmetic3A_327 = arith.shrsi %get3A_305, %shift_right_arithmetic3A_326 : vector<16xi32>
          %and3A_328 = arith.constant 511 : i32
          %and3A_329 = vector.broadcast %and3A_328 : i32 to vector<16xi32>
          %and3A_330 = arith.andi %shift_right_arithmetic3A_327, %and3A_329 : vector<16xi32>
          %add3A_331 = arith.constant 128 : i32
          %add3A_332 = vector.broadcast %add3A_331 : i32 to vector<16xi32>
          %add3A_333 = arith.addi %and3A_330, %add3A_332 : vector<16xi32>
          tpu.vector_store_idx %arg23[%add3A_333], %mul3A_324 {add = true} : memref<512xf32, #tpu.memory_space<vmem>>[vector<16xi32>], vector<16xf32>,
          %mul3A_334 = arith.constant 4 : i32
          %mul3A_335 = arith.muli %scan3A_220, %mul3A_334 : i32
          %add3A_336 = arith.constant 3 : i32
          %add3A_337 = arith.addi %mul3A_335, %add3A_336 : i32
          %mul3A_338 = arith.constant 16 : i32
          %mul3A_339 = arith.muli %add3A_337, %mul3A_338 : i32
          %add3A_340 = arith.constant 512 : i32
          %add3A_341 = arith.addi %add3A_340, %mul3A_339 : i32
          %get3A_342 = arith.index_cast %add3A_341 : i32 to index
          %get3A_343 = tpu.vector_load %arg20[%get3A_342] {strides = array<i32>} : memref<8192xi32, #tpu.memory_space<vmem>>, vector<16xi32>,
          %and3A_344 = arith.constant 511 : i32
          %and3A_345 = vector.broadcast %and3A_344 : i32 to vector<16xi32>
          %and3A_346 = arith.andi %get3A_343, %and3A_345 : vector<16xi32>
          %add3A_347 = arith.constant 128 : i32
          %add3A_348 = vector.broadcast %add3A_347 : i32 to vector<16xi32>
          %add3A_349 = arith.addi %and3A_346, %add3A_348 : vector<16xi32>
          %gather3A_350 = tpu.vector_load_idx %arg22[%add3A_349] : memref<512xf32, #tpu.memory_space<vmem>>[vector<16xi32>], vector<16xf32>,
          %shift_right_arithmetic3A_351 = arith.constant 18 : i32
          %shift_right_arithmetic3A_352 = vector.broadcast %shift_right_arithmetic3A_351 : i32 to vector<16xi32>
          %shift_right_arithmetic3A_353 = arith.shrsi %get3A_343, %shift_right_arithmetic3A_352 : vector<16xi32>
          %add3A_354 = arith.constant 0 : i32
          %add3A_355 = vector.broadcast %add3A_354 : i32 to vector<16xi32>
          %add3A_356 = arith.addi %shift_right_arithmetic3A_353, %add3A_355 : vector<16xi32>
          %gather3A_357 = tpu.vector_load_idx %arg25[%add3A_356] : memref<4096xf32, #tpu.memory_space<vmem>>[vector<16xi32>], vector<16xf32>,
          %get3A_358 = arith.index_cast %add3A_341 : i32 to index
          %get3A_359 = tpu.vector_load %arg21[%get3A_358] {strides = array<i32>} : memref<8192xf32, #tpu.memory_space<vmem>>, vector<16xf32>,
          %add3A_360 = arith.addf %get3A_359, %gather3A_357 : vector<16xf32>
          %exp3A_361 = math.exp %add3A_360 : vector<16xf32>
          %mul3A_362 = arith.mulf %gather3A_350, %exp3A_361 : vector<16xf32>
          %shift_right_arithmetic3A_363 = arith.constant 9 : i32
          %shift_right_arithmetic3A_364 = vector.broadcast %shift_right_arithmetic3A_363 : i32 to vector<16xi32>
          %shift_right_arithmetic3A_365 = arith.shrsi %get3A_343, %shift_right_arithmetic3A_364 : vector<16xi32>
          %and3A_366 = arith.constant 511 : i32
          %and3A_367 = vector.broadcast %and3A_366 : i32 to vector<16xi32>
          %and3A_368 = arith.andi %shift_right_arithmetic3A_365, %and3A_367 : vector<16xi32>
          %add3A_369 = arith.constant 128 : i32
          %add3A_370 = vector.broadcast %add3A_369 : i32 to vector<16xi32>
          %add3A_371 = arith.addi %and3A_368, %add3A_370 : vector<16xi32>
          tpu.vector_store_idx %arg23[%add3A_371], %mul3A_362 {add = true} : memref<512xf32, #tpu.memory_space<vmem>>[vector<16xi32>], vector<16xf32>,
          %scan3A_372 = arith.constant 0 : i32
          scf.yield %scan3A_372 : i32
        }
        %scan3A_185 = arith.constant 8 : i32
        %scan3A_186 = arith.constant 0 : i32
        %scan3A_187 = arith.constant 8 : i32
        %scan3A_188 = arith.addi %scan3A_186, %scan3A_187 : i32
        %scan3A_189 = arith.constant 1 : i32
        %scan3A_190 = scf.for %scan3A_220 = %scan3A_186 to %scan3A_188 step %scan3A_189 iter_args(%scan3A_221 = %broadcast_in_dim3A_1) -> (vector<16xf32>)  : i32 {
          %mul3A_222 = arith.constant 16 : i32
          %mul3A_223 = arith.muli %scan3A_220, %mul3A_222 : i32
          %add3A_224 = arith.constant 128 : i32
          %add3A_225 = arith.addi %add3A_224, %mul3A_223 : i32
          %get3A_226 = arith.index_cast %add3A_225 : i32 to index
          %get3A_227 = tpu.vector_load %arg23[%get3A_226] {strides = array<i32>} : memref<512xf32, #tpu.memory_space<vmem>>, vector<16xf32>,
          %max3A = arith.maximumf %scan3A_221, %get3A_227 : vector<16xf32>
          scf.yield %max3A : vector<16xf32>
        }
        %scan3A_191 = arith.constant 8 : i32
        %bitcast3A_192 = vector.bitcast %scan3A_190 : vector<16xf32> to vector<16xi32>
        %shift_right_arithmetic3A_193 = arith.constant 23 : i32
        %shift_right_arithmetic3A_194 = vector.broadcast %shift_right_arithmetic3A_193 : i32 to vector<16xi32>
        %shift_right_arithmetic3A_195 = arith.shrsi %bitcast3A_192, %shift_right_arithmetic3A_194 : vector<16xi32>
        %sub3A_196 = arith.constant 127 : i32
        %sub3A_197 = vector.broadcast %sub3A_196 : i32 to vector<16xi32>
        %sub3A_198 = arith.subi %shift_right_arithmetic3A_195, %sub3A_197 : vector<16xi32>
        %convert_element_type3A_199 = arith.sitofp %sub3A_198 : vector<16xi32> to vector<16xf32>
        %reduce_max3A_200 = arith.constant true
        %reduce_max3A_201 = vector.broadcast %reduce_max3A_200 : i1 to vector<16xi1>
        %reduce_max3A_202 = tpu.scan <max>, %convert_element_type3A_199 masked %reduce_max3A_201 : vector<16xf32>, vector<16xi1> -> vector<16xf32>
        %reduce_max3A_203 = vector.extract %reduce_max3A_202[15] : f32 from vector<16xf32>
        %convert_element_type3A_204 = arith.fptosi %reduce_max3A_203 : f32 to i32
        %sub3A_205 = arith.constant 127 : i32
        %sub3A_206 = arith.subi %sub3A_205, %convert_element_type3A_204 : i32
        %broadcast_in_dim3A_207 = vector.broadcast %sub3A_206 : i32 to vector<16xi32>
        %shift_left3A_208 = arith.constant 23 : i32
        %shift_left3A_209 = vector.broadcast %shift_left3A_208 : i32 to vector<16xi32>
        %shift_left3A_210 = arith.shli %broadcast_in_dim3A_207, %shift_left3A_209 : vector<16xi32>
        %bitcast3A_211 = vector.bitcast %shift_left3A_210 : vector<16xi32> to vector<16xf32>
        %scan3A_212 = arith.constant 0 : i32
        %scan3A_213 = arith.constant 0 : i32
        %scan3A_214 = arith.constant 8 : i32
        %scan3A_215 = arith.addi %scan3A_213, %scan3A_214 : i32
        %scan3A_216 = arith.constant 1 : i32
        %scan3A_217 = scf.for %scan3A_220 = %scan3A_213 to %scan3A_215 step %scan3A_216 iter_args(%scan3A_221 = %scan3A_212) -> (i32)  : i32 {
          %mul3A_222 = arith.constant 16 : i32
          %mul3A_223 = arith.muli %scan3A_220, %mul3A_222 : i32
          %add3A_224 = arith.constant 128 : i32
          %add3A_225 = arith.addi %add3A_224, %mul3A_223 : i32
          %get3A_226 = arith.index_cast %add3A_225 : i32 to index
          %get3A_227 = tpu.vector_load %arg23[%get3A_226] {strides = array<i32>} : memref<512xf32, #tpu.memory_space<vmem>>, vector<16xf32>,
          %mul3A_228 = arith.mulf %get3A_227, %bitcast3A_211 : vector<16xf32>
          %swap3A_229 = arith.index_cast %add3A_225 : i32 to index
          %swap3A_230 = tpu.vector_load %arg22[%swap3A_229] {strides = array<i32>} : memref<512xf32, #tpu.memory_space<vmem>>, vector<16xf32>,
          tpu.vector_store %arg22[%swap3A_229], %mul3A_228 {strides = array<i32>} : memref<512xf32, #tpu.memory_space<vmem>>, vector<16xf32>,
          %swap3A_231 = arith.index_cast %add3A_225 : i32 to index
          %swap3A_232 = tpu.vector_load %arg23[%swap3A_231] {strides = array<i32>} : memref<512xf32, #tpu.memory_space<vmem>>, vector<16xf32>,
          tpu.vector_store %arg23[%swap3A_231], %broadcast_in_dim3A_1 {strides = array<i32>} : memref<512xf32, #tpu.memory_space<vmem>>, vector<16xf32>,
          %scan3A_233 = arith.constant 0 : i32
          scf.yield %scan3A_233 : i32
        }
        %scan3A_218 = arith.constant 8 : i32
        %add3A_219 = arith.addi %while3A_139, %convert_element_type3A_204 : i32
        scf.yield %add3A_178, %add3A_219 : i32, i32
      }
      %while3A_91 = arith.constant 1 : i32
      %while3A_92:2 = scf.for %while3A_137 = %while3A_88 to %while3A_84 step %while3A_91 iter_args(%while3A_138 = %while3A_90#0, %while3A_139 = %while3A_90#1) -> (i32, i32)  : i32 {
        %add3A_140 = arith.addi %mul3A_69, %while3A_137 : i32
        "tpu.region"() ({
          %run_scoped3A = tpu.sem_alloc : memref<!tpu.dma_semaphore, #tpu.memory_space<semaphore_mem>>
          %dma_start3A = arith.constant 0 : i32
          %dma_start3A_220 = tpu.memref_slice %arg25[%dma_start3A] : memref<4096xf32, #tpu.memory_space<vmem>> -> memref<2048xf32, #tpu.memory_space<vmem>>
          %dma_start3A_221 = arith.constant 0 : i32
          %dma_start3A_222 = tpu.memref_slice %arg2[%add3A_140, %dma_start3A_221] : memref<8000x2048xf32, #tpu.memory_space<hbm>> -> memref<1x2048xf32, #tpu.memory_space<hbm>>
          %dma_start3A_223 = tpu.memref_squeeze %dma_start3A_222 : memref<1x2048xf32, #tpu.memory_space<hbm>> -> memref<2048xf32, #tpu.memory_space<hbm>>
          %dma_start3A_224 = arith.constant 0 : i32
          %dma_start3A_225 = tpu.memref_slice %arg25[%dma_start3A_224] : memref<4096xf32, #tpu.memory_space<vmem>> -> memref<2048xf32, #tpu.memory_space<vmem>>
          %dma_start3A_226 = arith.constant 0 : i32
          %dma_start3A_227 = tpu.memref_slice %arg2[%add3A_140, %dma_start3A_226] : memref<8000x2048xf32, #tpu.memory_space<hbm>> -> memref<1x2048xf32, #tpu.memory_space<hbm>>
          %dma_start3A_228 = tpu.memref_squeeze %dma_start3A_227 : memref<1x2048xf32, #tpu.memory_space<hbm>> -> memref<2048xf32, #tpu.memory_space<hbm>>
          tpu.enqueue_dma source(%dma_start3A_228 : memref<2048xf32, #tpu.memory_space<hbm>>) target(%dma_start3A_225 : memref<2048xf32, #tpu.memory_space<vmem>>) target_semaphore(%run_scoped3A : memref<!tpu.dma_semaphore, #tpu.memory_space<semaphore_mem>>)
          %dma_wait3A = arith.constant 0 : i32
          %dma_wait3A_229 = tpu.memref_slice %arg25[%dma_wait3A] : memref<4096xf32, #tpu.memory_space<vmem>> -> memref<2048xf32, #tpu.memory_space<vmem>>
          %dma_wait3A_230 = arith.constant 0 : i32
          %dma_wait3A_231 = tpu.memref_slice %arg2[%add3A_140, %dma_wait3A_230] : memref<8000x2048xf32, #tpu.memory_space<hbm>> -> memref<1x2048xf32, #tpu.memory_space<hbm>>
          %dma_wait3A_232 = tpu.memref_squeeze %dma_wait3A_231 : memref<1x2048xf32, #tpu.memory_space<hbm>> -> memref<2048xf32, #tpu.memory_space<hbm>>
          %dma_wait3A_233 = arith.constant 0 : i32
          %dma_wait3A_234 = tpu.memref_slice %arg25[%dma_wait3A_233] : memref<4096xf32, #tpu.memory_space<vmem>> -> memref<2048xf32, #tpu.memory_space<vmem>>
          %dma_wait3A_235 = arith.constant 0 : i32
          %dma_wait3A_236 = tpu.memref_slice %arg2[%add3A_140, %dma_wait3A_235] : memref<8000x2048xf32, #tpu.memory_space<hbm>> -> memref<1x2048xf32, #tpu.memory_space<hbm>>
          %dma_wait3A_237 = tpu.memref_squeeze %dma_wait3A_236 : memref<1x2048xf32, #tpu.memory_space<hbm>> -> memref<2048xf32, #tpu.memory_space<hbm>>
          tpu.wait_dma2 semaphore(%run_scoped3A : memref<!tpu.dma_semaphore, #tpu.memory_space<semaphore_mem>>) src(%dma_wait3A_237 : memref<2048xf32, #tpu.memory_space<hbm>>) dst(%dma_wait3A_234 : memref<2048xf32, #tpu.memory_space<vmem>>)
          tpu.yield
        }) : () -> ()
        %scan3A_141 = arith.constant 0 : i32
        %scan3A_142 = arith.constant 0 : i32
        %scan3A_143 = arith.constant 8 : i32
        %scan3A_144 = arith.addi %scan3A_142, %scan3A_143 : i32
        %scan3A_145 = arith.constant 1 : i32
        %scan3A_146 = scf.for %scan3A_220 = %scan3A_142 to %scan3A_144 step %scan3A_145 iter_args(%scan3A_221 = %scan3A_141) -> (i32)  : i32 {
          %mul3A_222 = arith.constant 4 : i32
          %mul3A_223 = arith.muli %scan3A_220, %mul3A_222 : i32
          %add3A_224 = arith.constant 0 : i32
          %add3A_225 = arith.addi %mul3A_223, %add3A_224 : i32
          %mul3A_226 = arith.constant 16 : i32
          %mul3A_227 = arith.muli %add3A_225, %mul3A_226 : i32
          %add3A_228 = arith.constant 0 : i32
          %add3A_229 = arith.addi %add3A_228, %mul3A_227 : i32
          %get3A_230 = arith.index_cast %add3A_229 : i32 to index
          %get3A_231 = tpu.vector_load %arg20[%get3A_230] {strides = array<i32>} : memref<8192xi32, #tpu.memory_space<vmem>>, vector<16xi32>,
          %and3A_232 = arith.constant 511 : i32
          %and3A_233 = vector.broadcast %and3A_232 : i32 to vector<16xi32>
          %and3A_234 = arith.andi %get3A_231, %and3A_233 : vector<16xi32>
          %add3A_235 = arith.constant 0 : i32
          %add3A_236 = vector.broadcast %add3A_235 : i32 to vector<16xi32>
          %add3A_237 = arith.addi %and3A_234, %add3A_236 : vector<16xi32>
          %gather3A = tpu.vector_load_idx %arg22[%add3A_237] : memref<512xf32, #tpu.memory_space<vmem>>[vector<16xi32>], vector<16xf32>,
          %shift_right_arithmetic3A_238 = arith.constant 18 : i32
          %shift_right_arithmetic3A_239 = vector.broadcast %shift_right_arithmetic3A_238 : i32 to vector<16xi32>
          %shift_right_arithmetic3A_240 = arith.shrsi %get3A_231, %shift_right_arithmetic3A_239 : vector<16xi32>
          %add3A_241 = arith.constant 0 : i32
          %add3A_242 = vector.broadcast %add3A_241 : i32 to vector<16xi32>
          %add3A_243 = arith.addi %shift_right_arithmetic3A_240, %add3A_242 : vector<16xi32>
          %gather3A_244 = tpu.vector_load_idx %arg25[%add3A_243] : memref<4096xf32, #tpu.memory_space<vmem>>[vector<16xi32>], vector<16xf32>,
          %get3A_245 = arith.index_cast %add3A_229 : i32 to index
          %get3A_246 = tpu.vector_load %arg21[%get3A_245] {strides = array<i32>} : memref<8192xf32, #tpu.memory_space<vmem>>, vector<16xf32>,
          %add3A_247 = arith.addf %get3A_246, %gather3A_244 : vector<16xf32>
          %exp3A = math.exp %add3A_247 : vector<16xf32>
          %mul3A_248 = arith.mulf %gather3A, %exp3A : vector<16xf32>
          %shift_right_arithmetic3A_249 = arith.constant 9 : i32
          %shift_right_arithmetic3A_250 = vector.broadcast %shift_right_arithmetic3A_249 : i32 to vector<16xi32>
          %shift_right_arithmetic3A_251 = arith.shrsi %get3A_231, %shift_right_arithmetic3A_250 : vector<16xi32>
          %and3A_252 = arith.constant 511 : i32
          %and3A_253 = vector.broadcast %and3A_252 : i32 to vector<16xi32>
          %and3A_254 = arith.andi %shift_right_arithmetic3A_251, %and3A_253 : vector<16xi32>
          %add3A_255 = arith.constant 0 : i32
          %add3A_256 = vector.broadcast %add3A_255 : i32 to vector<16xi32>
          %add3A_257 = arith.addi %and3A_254, %add3A_256 : vector<16xi32>
          tpu.vector_store_idx %arg23[%add3A_257], %mul3A_248 {add = true} : memref<512xf32, #tpu.memory_space<vmem>>[vector<16xi32>], vector<16xf32>,
          %mul3A_258 = arith.constant 4 : i32
          %mul3A_259 = arith.muli %scan3A_220, %mul3A_258 : i32
          %add3A_260 = arith.constant 1 : i32
          %add3A_261 = arith.addi %mul3A_259, %add3A_260 : i32
          %mul3A_262 = arith.constant 16 : i32
          %mul3A_263 = arith.muli %add3A_261, %mul3A_262 : i32
          %add3A_264 = arith.constant 0 : i32
          %add3A_265 = arith.addi %add3A_264, %mul3A_263 : i32
          %get3A_266 = arith.index_cast %add3A_265 : i32 to index
          %get3A_267 = tpu.vector_load %arg20[%get3A_266] {strides = array<i32>} : memref<8192xi32, #tpu.memory_space<vmem>>, vector<16xi32>,
          %and3A_268 = arith.constant 511 : i32
          %and3A_269 = vector.broadcast %and3A_268 : i32 to vector<16xi32>
          %and3A_270 = arith.andi %get3A_267, %and3A_269 : vector<16xi32>
          %add3A_271 = arith.constant 0 : i32
          %add3A_272 = vector.broadcast %add3A_271 : i32 to vector<16xi32>
          %add3A_273 = arith.addi %and3A_270, %add3A_272 : vector<16xi32>
          %gather3A_274 = tpu.vector_load_idx %arg22[%add3A_273] : memref<512xf32, #tpu.memory_space<vmem>>[vector<16xi32>], vector<16xf32>,
          %shift_right_arithmetic3A_275 = arith.constant 18 : i32
          %shift_right_arithmetic3A_276 = vector.broadcast %shift_right_arithmetic3A_275 : i32 to vector<16xi32>
          %shift_right_arithmetic3A_277 = arith.shrsi %get3A_267, %shift_right_arithmetic3A_276 : vector<16xi32>
          %add3A_278 = arith.constant 0 : i32
          %add3A_279 = vector.broadcast %add3A_278 : i32 to vector<16xi32>
          %add3A_280 = arith.addi %shift_right_arithmetic3A_277, %add3A_279 : vector<16xi32>
          %gather3A_281 = tpu.vector_load_idx %arg25[%add3A_280] : memref<4096xf32, #tpu.memory_space<vmem>>[vector<16xi32>], vector<16xf32>,
          %get3A_282 = arith.index_cast %add3A_265 : i32 to index
          %get3A_283 = tpu.vector_load %arg21[%get3A_282] {strides = array<i32>} : memref<8192xf32, #tpu.memory_space<vmem>>, vector<16xf32>,
          %add3A_284 = arith.addf %get3A_283, %gather3A_281 : vector<16xf32>
          %exp3A_285 = math.exp %add3A_284 : vector<16xf32>
          %mul3A_286 = arith.mulf %gather3A_274, %exp3A_285 : vector<16xf32>
          %shift_right_arithmetic3A_287 = arith.constant 9 : i32
          %shift_right_arithmetic3A_288 = vector.broadcast %shift_right_arithmetic3A_287 : i32 to vector<16xi32>
          %shift_right_arithmetic3A_289 = arith.shrsi %get3A_267, %shift_right_arithmetic3A_288 : vector<16xi32>
          %and3A_290 = arith.constant 511 : i32
          %and3A_291 = vector.broadcast %and3A_290 : i32 to vector<16xi32>
          %and3A_292 = arith.andi %shift_right_arithmetic3A_289, %and3A_291 : vector<16xi32>
          %add3A_293 = arith.constant 0 : i32
          %add3A_294 = vector.broadcast %add3A_293 : i32 to vector<16xi32>
          %add3A_295 = arith.addi %and3A_292, %add3A_294 : vector<16xi32>
          tpu.vector_store_idx %arg23[%add3A_295], %mul3A_286 {add = true} : memref<512xf32, #tpu.memory_space<vmem>>[vector<16xi32>], vector<16xf32>,
          %mul3A_296 = arith.constant 4 : i32
          %mul3A_297 = arith.muli %scan3A_220, %mul3A_296 : i32
          %add3A_298 = arith.constant 2 : i32
          %add3A_299 = arith.addi %mul3A_297, %add3A_298 : i32
          %mul3A_300 = arith.constant 16 : i32
          %mul3A_301 = arith.muli %add3A_299, %mul3A_300 : i32
          %add3A_302 = arith.constant 0 : i32
          %add3A_303 = arith.addi %add3A_302, %mul3A_301 : i32
          %get3A_304 = arith.index_cast %add3A_303 : i32 to index
          %get3A_305 = tpu.vector_load %arg20[%get3A_304] {strides = array<i32>} : memref<8192xi32, #tpu.memory_space<vmem>>, vector<16xi32>,
          %and3A_306 = arith.constant 511 : i32
          %and3A_307 = vector.broadcast %and3A_306 : i32 to vector<16xi32>
          %and3A_308 = arith.andi %get3A_305, %and3A_307 : vector<16xi32>
          %add3A_309 = arith.constant 0 : i32
          %add3A_310 = vector.broadcast %add3A_309 : i32 to vector<16xi32>
          %add3A_311 = arith.addi %and3A_308, %add3A_310 : vector<16xi32>
          %gather3A_312 = tpu.vector_load_idx %arg22[%add3A_311] : memref<512xf32, #tpu.memory_space<vmem>>[vector<16xi32>], vector<16xf32>,
          %shift_right_arithmetic3A_313 = arith.constant 18 : i32
          %shift_right_arithmetic3A_314 = vector.broadcast %shift_right_arithmetic3A_313 : i32 to vector<16xi32>
          %shift_right_arithmetic3A_315 = arith.shrsi %get3A_305, %shift_right_arithmetic3A_314 : vector<16xi32>
          %add3A_316 = arith.constant 0 : i32
          %add3A_317 = vector.broadcast %add3A_316 : i32 to vector<16xi32>
          %add3A_318 = arith.addi %shift_right_arithmetic3A_315, %add3A_317 : vector<16xi32>
          %gather3A_319 = tpu.vector_load_idx %arg25[%add3A_318] : memref<4096xf32, #tpu.memory_space<vmem>>[vector<16xi32>], vector<16xf32>,
          %get3A_320 = arith.index_cast %add3A_303 : i32 to index
          %get3A_321 = tpu.vector_load %arg21[%get3A_320] {strides = array<i32>} : memref<8192xf32, #tpu.memory_space<vmem>>, vector<16xf32>,
          %add3A_322 = arith.addf %get3A_321, %gather3A_319 : vector<16xf32>
          %exp3A_323 = math.exp %add3A_322 : vector<16xf32>
          %mul3A_324 = arith.mulf %gather3A_312, %exp3A_323 : vector<16xf32>
          %shift_right_arithmetic3A_325 = arith.constant 9 : i32
          %shift_right_arithmetic3A_326 = vector.broadcast %shift_right_arithmetic3A_325 : i32 to vector<16xi32>
          %shift_right_arithmetic3A_327 = arith.shrsi %get3A_305, %shift_right_arithmetic3A_326 : vector<16xi32>
          %and3A_328 = arith.constant 511 : i32
          %and3A_329 = vector.broadcast %and3A_328 : i32 to vector<16xi32>
          %and3A_330 = arith.andi %shift_right_arithmetic3A_327, %and3A_329 : vector<16xi32>
          %add3A_331 = arith.constant 0 : i32
          %add3A_332 = vector.broadcast %add3A_331 : i32 to vector<16xi32>
          %add3A_333 = arith.addi %and3A_330, %add3A_332 : vector<16xi32>
          tpu.vector_store_idx %arg23[%add3A_333], %mul3A_324 {add = true} : memref<512xf32, #tpu.memory_space<vmem>>[vector<16xi32>], vector<16xf32>,
          %mul3A_334 = arith.constant 4 : i32
          %mul3A_335 = arith.muli %scan3A_220, %mul3A_334 : i32
          %add3A_336 = arith.constant 3 : i32
          %add3A_337 = arith.addi %mul3A_335, %add3A_336 : i32
          %mul3A_338 = arith.constant 16 : i32
          %mul3A_339 = arith.muli %add3A_337, %mul3A_338 : i32
          %add3A_340 = arith.constant 0 : i32
          %add3A_341 = arith.addi %add3A_340, %mul3A_339 : i32
          %get3A_342 = arith.index_cast %add3A_341 : i32 to index
          %get3A_343 = tpu.vector_load %arg20[%get3A_342] {strides = array<i32>} : memref<8192xi32, #tpu.memory_space<vmem>>, vector<16xi32>,
          %and3A_344 = arith.constant 511 : i32
          %and3A_345 = vector.broadcast %and3A_344 : i32 to vector<16xi32>
          %and3A_346 = arith.andi %get3A_343, %and3A_345 : vector<16xi32>
          %add3A_347 = arith.constant 0 : i32
          %add3A_348 = vector.broadcast %add3A_347 : i32 to vector<16xi32>
          %add3A_349 = arith.addi %and3A_346, %add3A_348 : vector<16xi32>
          %gather3A_350 = tpu.vector_load_idx %arg22[%add3A_349] : memref<512xf32, #tpu.memory_space<vmem>>[vector<16xi32>], vector<16xf32>,
          %shift_right_arithmetic3A_351 = arith.constant 18 : i32
          %shift_right_arithmetic3A_352 = vector.broadcast %shift_right_arithmetic3A_351 : i32 to vector<16xi32>
          %shift_right_arithmetic3A_353 = arith.shrsi %get3A_343, %shift_right_arithmetic3A_352 : vector<16xi32>
          %add3A_354 = arith.constant 0 : i32
          %add3A_355 = vector.broadcast %add3A_354 : i32 to vector<16xi32>
          %add3A_356 = arith.addi %shift_right_arithmetic3A_353, %add3A_355 : vector<16xi32>
          %gather3A_357 = tpu.vector_load_idx %arg25[%add3A_356] : memref<4096xf32, #tpu.memory_space<vmem>>[vector<16xi32>], vector<16xf32>,
          %get3A_358 = arith.index_cast %add3A_341 : i32 to index
          %get3A_359 = tpu.vector_load %arg21[%get3A_358] {strides = array<i32>} : memref<8192xf32, #tpu.memory_space<vmem>>, vector<16xf32>,
          %add3A_360 = arith.addf %get3A_359, %gather3A_357 : vector<16xf32>
          %exp3A_361 = math.exp %add3A_360 : vector<16xf32>
          %mul3A_362 = arith.mulf %gather3A_350, %exp3A_361 : vector<16xf32>
          %shift_right_arithmetic3A_363 = arith.constant 9 : i32
          %shift_right_arithmetic3A_364 = vector.broadcast %shift_right_arithmetic3A_363 : i32 to vector<16xi32>
          %shift_right_arithmetic3A_365 = arith.shrsi %get3A_343, %shift_right_arithmetic3A_364 : vector<16xi32>
          %and3A_366 = arith.constant 511 : i32
          %and3A_367 = vector.broadcast %and3A_366 : i32 to vector<16xi32>
          %and3A_368 = arith.andi %shift_right_arithmetic3A_365, %and3A_367 : vector<16xi32>
          %add3A_369 = arith.constant 0 : i32
          %add3A_370 = vector.broadcast %add3A_369 : i32 to vector<16xi32>
          %add3A_371 = arith.addi %and3A_368, %add3A_370 : vector<16xi32>
          tpu.vector_store_idx %arg23[%add3A_371], %mul3A_362 {add = true} : memref<512xf32, #tpu.memory_space<vmem>>[vector<16xi32>], vector<16xf32>,
          %scan3A_372 = arith.constant 0 : i32
          scf.yield %scan3A_372 : i32
        }
        %scan3A_147 = arith.constant 8 : i32
        %scan3A_148 = arith.constant 0 : i32
        %scan3A_149 = arith.constant 8 : i32
        %scan3A_150 = arith.addi %scan3A_148, %scan3A_149 : i32
        %scan3A_151 = arith.constant 1 : i32
        %scan3A_152 = scf.for %scan3A_220 = %scan3A_148 to %scan3A_150 step %scan3A_151 iter_args(%scan3A_221 = %broadcast_in_dim3A_1) -> (vector<16xf32>)  : i32 {
          %mul3A_222 = arith.constant 16 : i32
          %mul3A_223 = arith.muli %scan3A_220, %mul3A_222 : i32
          %add3A_224 = arith.constant 0 : i32
          %add3A_225 = arith.addi %add3A_224, %mul3A_223 : i32
          %get3A_226 = arith.index_cast %add3A_225 : i32 to index
          %get3A_227 = tpu.vector_load %arg23[%get3A_226] {strides = array<i32>} : memref<512xf32, #tpu.memory_space<vmem>>, vector<16xf32>,
          %max3A = arith.maximumf %scan3A_221, %get3A_227 : vector<16xf32>
          scf.yield %max3A : vector<16xf32>
        }
        %scan3A_153 = arith.constant 8 : i32
        %bitcast3A = vector.bitcast %scan3A_152 : vector<16xf32> to vector<16xi32>
        %shift_right_arithmetic3A = arith.constant 23 : i32
        %shift_right_arithmetic3A_154 = vector.broadcast %shift_right_arithmetic3A : i32 to vector<16xi32>
        %shift_right_arithmetic3A_155 = arith.shrsi %bitcast3A, %shift_right_arithmetic3A_154 : vector<16xi32>
        %sub3A_156 = arith.constant 127 : i32
        %sub3A_157 = vector.broadcast %sub3A_156 : i32 to vector<16xi32>
        %sub3A_158 = arith.subi %shift_right_arithmetic3A_155, %sub3A_157 : vector<16xi32>
        %convert_element_type3A_159 = arith.sitofp %sub3A_158 : vector<16xi32> to vector<16xf32>
        %reduce_max3A_160 = arith.constant true
        %reduce_max3A_161 = vector.broadcast %reduce_max3A_160 : i1 to vector<16xi1>
        %reduce_max3A_162 = tpu.scan <max>, %convert_element_type3A_159 masked %reduce_max3A_161 : vector<16xf32>, vector<16xi1> -> vector<16xf32>
        %reduce_max3A_163 = vector.extract %reduce_max3A_162[15] : f32 from vector<16xf32>
        %convert_element_type3A_164 = arith.fptosi %reduce_max3A_163 : f32 to i32
        %sub3A_165 = arith.constant 127 : i32
        %sub3A_166 = arith.subi %sub3A_165, %convert_element_type3A_164 : i32
        %broadcast_in_dim3A_167 = vector.broadcast %sub3A_166 : i32 to vector<16xi32>
        %shift_left3A = arith.constant 23 : i32
        %shift_left3A_168 = vector.broadcast %shift_left3A : i32 to vector<16xi32>
        %shift_left3A_169 = arith.shli %broadcast_in_dim3A_167, %shift_left3A_168 : vector<16xi32>
        %bitcast3A_170 = vector.bitcast %shift_left3A_169 : vector<16xi32> to vector<16xf32>
        %scan3A_171 = arith.constant 0 : i32
        %scan3A_172 = arith.constant 0 : i32
        %scan3A_173 = arith.constant 8 : i32
        %scan3A_174 = arith.addi %scan3A_172, %scan3A_173 : i32
        %scan3A_175 = arith.constant 1 : i32
        %scan3A_176 = scf.for %scan3A_220 = %scan3A_172 to %scan3A_174 step %scan3A_175 iter_args(%scan3A_221 = %scan3A_171) -> (i32)  : i32 {
          %mul3A_222 = arith.constant 16 : i32
          %mul3A_223 = arith.muli %scan3A_220, %mul3A_222 : i32
          %add3A_224 = arith.constant 0 : i32
          %add3A_225 = arith.addi %add3A_224, %mul3A_223 : i32
          %get3A_226 = arith.index_cast %add3A_225 : i32 to index
          %get3A_227 = tpu.vector_load %arg23[%get3A_226] {strides = array<i32>} : memref<512xf32, #tpu.memory_space<vmem>>, vector<16xf32>,
          %mul3A_228 = arith.mulf %get3A_227, %bitcast3A_170 : vector<16xf32>
          %swap3A_229 = arith.index_cast %add3A_225 : i32 to index
          %swap3A_230 = tpu.vector_load %arg22[%swap3A_229] {strides = array<i32>} : memref<512xf32, #tpu.memory_space<vmem>>, vector<16xf32>,
          tpu.vector_store %arg22[%swap3A_229], %mul3A_228 {strides = array<i32>} : memref<512xf32, #tpu.memory_space<vmem>>, vector<16xf32>,
          %swap3A_231 = arith.index_cast %add3A_225 : i32 to index
          %swap3A_232 = tpu.vector_load %arg23[%swap3A_231] {strides = array<i32>} : memref<512xf32, #tpu.memory_space<vmem>>, vector<16xf32>,
          tpu.vector_store %arg23[%swap3A_231], %broadcast_in_dim3A_1 {strides = array<i32>} : memref<512xf32, #tpu.memory_space<vmem>>, vector<16xf32>,
          %scan3A_233 = arith.constant 0 : i32
          scf.yield %scan3A_233 : i32
        }
        %scan3A_177 = arith.constant 8 : i32
        %add3A_178 = arith.addi %while3A_138, %convert_element_type3A_164 : i32
        %scan3A_179 = arith.constant 0 : i32
        %scan3A_180 = arith.constant 0 : i32
        %scan3A_181 = arith.constant 8 : i32
        %scan3A_182 = arith.addi %scan3A_180, %scan3A_181 : i32
        %scan3A_183 = arith.constant 1 : i32
        %scan3A_184 = scf.for %scan3A_220 = %scan3A_180 to %scan3A_182 step %scan3A_183 iter_args(%scan3A_221 = %scan3A_179) -> (i32)  : i32 {
          %mul3A_222 = arith.constant 4 : i32
          %mul3A_223 = arith.muli %scan3A_220, %mul3A_222 : i32
          %add3A_224 = arith.constant 0 : i32
          %add3A_225 = arith.addi %mul3A_223, %add3A_224 : i32
          %mul3A_226 = arith.constant 16 : i32
          %mul3A_227 = arith.muli %add3A_225, %mul3A_226 : i32
          %add3A_228 = arith.constant 512 : i32
          %add3A_229 = arith.addi %add3A_228, %mul3A_227 : i32
          %get3A_230 = arith.index_cast %add3A_229 : i32 to index
          %get3A_231 = tpu.vector_load %arg20[%get3A_230] {strides = array<i32>} : memref<8192xi32, #tpu.memory_space<vmem>>, vector<16xi32>,
          %and3A_232 = arith.constant 511 : i32
          %and3A_233 = vector.broadcast %and3A_232 : i32 to vector<16xi32>
          %and3A_234 = arith.andi %get3A_231, %and3A_233 : vector<16xi32>
          %add3A_235 = arith.constant 128 : i32
          %add3A_236 = vector.broadcast %add3A_235 : i32 to vector<16xi32>
          %add3A_237 = arith.addi %and3A_234, %add3A_236 : vector<16xi32>
          %gather3A = tpu.vector_load_idx %arg22[%add3A_237] : memref<512xf32, #tpu.memory_space<vmem>>[vector<16xi32>], vector<16xf32>,
          %shift_right_arithmetic3A_238 = arith.constant 18 : i32
          %shift_right_arithmetic3A_239 = vector.broadcast %shift_right_arithmetic3A_238 : i32 to vector<16xi32>
          %shift_right_arithmetic3A_240 = arith.shrsi %get3A_231, %shift_right_arithmetic3A_239 : vector<16xi32>
          %add3A_241 = arith.constant 0 : i32
          %add3A_242 = vector.broadcast %add3A_241 : i32 to vector<16xi32>
          %add3A_243 = arith.addi %shift_right_arithmetic3A_240, %add3A_242 : vector<16xi32>
          %gather3A_244 = tpu.vector_load_idx %arg25[%add3A_243] : memref<4096xf32, #tpu.memory_space<vmem>>[vector<16xi32>], vector<16xf32>,
          %get3A_245 = arith.index_cast %add3A_229 : i32 to index
          %get3A_246 = tpu.vector_load %arg21[%get3A_245] {strides = array<i32>} : memref<8192xf32, #tpu.memory_space<vmem>>, vector<16xf32>,
          %add3A_247 = arith.addf %get3A_246, %gather3A_244 : vector<16xf32>
          %exp3A = math.exp %add3A_247 : vector<16xf32>
          %mul3A_248 = arith.mulf %gather3A, %exp3A : vector<16xf32>
          %shift_right_arithmetic3A_249 = arith.constant 9 : i32
          %shift_right_arithmetic3A_250 = vector.broadcast %shift_right_arithmetic3A_249 : i32 to vector<16xi32>
          %shift_right_arithmetic3A_251 = arith.shrsi %get3A_231, %shift_right_arithmetic3A_250 : vector<16xi32>
          %and3A_252 = arith.constant 511 : i32
          %and3A_253 = vector.broadcast %and3A_252 : i32 to vector<16xi32>
          %and3A_254 = arith.andi %shift_right_arithmetic3A_251, %and3A_253 : vector<16xi32>
          %add3A_255 = arith.constant 128 : i32
          %add3A_256 = vector.broadcast %add3A_255 : i32 to vector<16xi32>
          %add3A_257 = arith.addi %and3A_254, %add3A_256 : vector<16xi32>
          tpu.vector_store_idx %arg23[%add3A_257], %mul3A_248 {add = true} : memref<512xf32, #tpu.memory_space<vmem>>[vector<16xi32>], vector<16xf32>,
          %mul3A_258 = arith.constant 4 : i32
          %mul3A_259 = arith.muli %scan3A_220, %mul3A_258 : i32
          %add3A_260 = arith.constant 1 : i32
          %add3A_261 = arith.addi %mul3A_259, %add3A_260 : i32
          %mul3A_262 = arith.constant 16 : i32
          %mul3A_263 = arith.muli %add3A_261, %mul3A_262 : i32
          %add3A_264 = arith.constant 512 : i32
          %add3A_265 = arith.addi %add3A_264, %mul3A_263 : i32
          %get3A_266 = arith.index_cast %add3A_265 : i32 to index
          %get3A_267 = tpu.vector_load %arg20[%get3A_266] {strides = array<i32>} : memref<8192xi32, #tpu.memory_space<vmem>>, vector<16xi32>,
          %and3A_268 = arith.constant 511 : i32
          %and3A_269 = vector.broadcast %and3A_268 : i32 to vector<16xi32>
          %and3A_270 = arith.andi %get3A_267, %and3A_269 : vector<16xi32>
          %add3A_271 = arith.constant 128 : i32
          %add3A_272 = vector.broadcast %add3A_271 : i32 to vector<16xi32>
          %add3A_273 = arith.addi %and3A_270, %add3A_272 : vector<16xi32>
          %gather3A_274 = tpu.vector_load_idx %arg22[%add3A_273] : memref<512xf32, #tpu.memory_space<vmem>>[vector<16xi32>], vector<16xf32>,
          %shift_right_arithmetic3A_275 = arith.constant 18 : i32
          %shift_right_arithmetic3A_276 = vector.broadcast %shift_right_arithmetic3A_275 : i32 to vector<16xi32>
          %shift_right_arithmetic3A_277 = arith.shrsi %get3A_267, %shift_right_arithmetic3A_276 : vector<16xi32>
          %add3A_278 = arith.constant 0 : i32
          %add3A_279 = vector.broadcast %add3A_278 : i32 to vector<16xi32>
          %add3A_280 = arith.addi %shift_right_arithmetic3A_277, %add3A_279 : vector<16xi32>
          %gather3A_281 = tpu.vector_load_idx %arg25[%add3A_280] : memref<4096xf32, #tpu.memory_space<vmem>>[vector<16xi32>], vector<16xf32>,
          %get3A_282 = arith.index_cast %add3A_265 : i32 to index
          %get3A_283 = tpu.vector_load %arg21[%get3A_282] {strides = array<i32>} : memref<8192xf32, #tpu.memory_space<vmem>>, vector<16xf32>,
          %add3A_284 = arith.addf %get3A_283, %gather3A_281 : vector<16xf32>
          %exp3A_285 = math.exp %add3A_284 : vector<16xf32>
          %mul3A_286 = arith.mulf %gather3A_274, %exp3A_285 : vector<16xf32>
          %shift_right_arithmetic3A_287 = arith.constant 9 : i32
          %shift_right_arithmetic3A_288 = vector.broadcast %shift_right_arithmetic3A_287 : i32 to vector<16xi32>
          %shift_right_arithmetic3A_289 = arith.shrsi %get3A_267, %shift_right_arithmetic3A_288 : vector<16xi32>
          %and3A_290 = arith.constant 511 : i32
          %and3A_291 = vector.broadcast %and3A_290 : i32 to vector<16xi32>
          %and3A_292 = arith.andi %shift_right_arithmetic3A_289, %and3A_291 : vector<16xi32>
          %add3A_293 = arith.constant 128 : i32
          %add3A_294 = vector.broadcast %add3A_293 : i32 to vector<16xi32>
          %add3A_295 = arith.addi %and3A_292, %add3A_294 : vector<16xi32>
          tpu.vector_store_idx %arg23[%add3A_295], %mul3A_286 {add = true} : memref<512xf32, #tpu.memory_space<vmem>>[vector<16xi32>], vector<16xf32>,
          %mul3A_296 = arith.constant 4 : i32
          %mul3A_297 = arith.muli %scan3A_220, %mul3A_296 : i32
          %add3A_298 = arith.constant 2 : i32
          %add3A_299 = arith.addi %mul3A_297, %add3A_298 : i32
          %mul3A_300 = arith.constant 16 : i32
          %mul3A_301 = arith.muli %add3A_299, %mul3A_300 : i32
          %add3A_302 = arith.constant 512 : i32
          %add3A_303 = arith.addi %add3A_302, %mul3A_301 : i32
          %get3A_304 = arith.index_cast %add3A_303 : i32 to index
          %get3A_305 = tpu.vector_load %arg20[%get3A_304] {strides = array<i32>} : memref<8192xi32, #tpu.memory_space<vmem>>, vector<16xi32>,
          %and3A_306 = arith.constant 511 : i32
          %and3A_307 = vector.broadcast %and3A_306 : i32 to vector<16xi32>
          %and3A_308 = arith.andi %get3A_305, %and3A_307 : vector<16xi32>
          %add3A_309 = arith.constant 128 : i32
          %add3A_310 = vector.broadcast %add3A_309 : i32 to vector<16xi32>
          %add3A_311 = arith.addi %and3A_308, %add3A_310 : vector<16xi32>
          %gather3A_312 = tpu.vector_load_idx %arg22[%add3A_311] : memref<512xf32, #tpu.memory_space<vmem>>[vector<16xi32>], vector<16xf32>,
          %shift_right_arithmetic3A_313 = arith.constant 18 : i32
          %shift_right_arithmetic3A_314 = vector.broadcast %shift_right_arithmetic3A_313 : i32 to vector<16xi32>
          %shift_right_arithmetic3A_315 = arith.shrsi %get3A_305, %shift_right_arithmetic3A_314 : vector<16xi32>
          %add3A_316 = arith.constant 0 : i32
          %add3A_317 = vector.broadcast %add3A_316 : i32 to vector<16xi32>
          %add3A_318 = arith.addi %shift_right_arithmetic3A_315, %add3A_317 : vector<16xi32>
          %gather3A_319 = tpu.vector_load_idx %arg25[%add3A_318] : memref<4096xf32, #tpu.memory_space<vmem>>[vector<16xi32>], vector<16xf32>,
          %get3A_320 = arith.index_cast %add3A_303 : i32 to index
          %get3A_321 = tpu.vector_load %arg21[%get3A_320] {strides = array<i32>} : memref<8192xf32, #tpu.memory_space<vmem>>, vector<16xf32>,
          %add3A_322 = arith.addf %get3A_321, %gather3A_319 : vector<16xf32>
          %exp3A_323 = math.exp %add3A_322 : vector<16xf32>
          %mul3A_324 = arith.mulf %gather3A_312, %exp3A_323 : vector<16xf32>
          %shift_right_arithmetic3A_325 = arith.constant 9 : i32
          %shift_right_arithmetic3A_326 = vector.broadcast %shift_right_arithmetic3A_325 : i32 to vector<16xi32>
          %shift_right_arithmetic3A_327 = arith.shrsi %get3A_305, %shift_right_arithmetic3A_326 : vector<16xi32>
          %and3A_328 = arith.constant 511 : i32
          %and3A_329 = vector.broadcast %and3A_328 : i32 to vector<16xi32>
          %and3A_330 = arith.andi %shift_right_arithmetic3A_327, %and3A_329 : vector<16xi32>
          %add3A_331 = arith.constant 128 : i32
          %add3A_332 = vector.broadcast %add3A_331 : i32 to vector<16xi32>
          %add3A_333 = arith.addi %and3A_330, %add3A_332 : vector<16xi32>
          tpu.vector_store_idx %arg23[%add3A_333], %mul3A_324 {add = true} : memref<512xf32, #tpu.memory_space<vmem>>[vector<16xi32>], vector<16xf32>,
          %mul3A_334 = arith.constant 4 : i32
          %mul3A_335 = arith.muli %scan3A_220, %mul3A_334 : i32
          %add3A_336 = arith.constant 3 : i32
          %add3A_337 = arith.addi %mul3A_335, %add3A_336 : i32
          %mul3A_338 = arith.constant 16 : i32
          %mul3A_339 = arith.muli %add3A_337, %mul3A_338 : i32
          %add3A_340 = arith.constant 512 : i32
          %add3A_341 = arith.addi %add3A_340, %mul3A_339 : i32
          %get3A_342 = arith.index_cast %add3A_341 : i32 to index
          %get3A_343 = tpu.vector_load %arg20[%get3A_342] {strides = array<i32>} : memref<8192xi32, #tpu.memory_space<vmem>>, vector<16xi32>,
          %and3A_344 = arith.constant 511 : i32
          %and3A_345 = vector.broadcast %and3A_344 : i32 to vector<16xi32>
          %and3A_346 = arith.andi %get3A_343, %and3A_345 : vector<16xi32>
          %add3A_347 = arith.constant 128 : i32
          %add3A_348 = vector.broadcast %add3A_347 : i32 to vector<16xi32>
          %add3A_349 = arith.addi %and3A_346, %add3A_348 : vector<16xi32>
          %gather3A_350 = tpu.vector_load_idx %arg22[%add3A_349] : memref<512xf32, #tpu.memory_space<vmem>>[vector<16xi32>], vector<16xf32>,
          %shift_right_arithmetic3A_351 = arith.constant 18 : i32
          %shift_right_arithmetic3A_352 = vector.broadcast %shift_right_arithmetic3A_351 : i32 to vector<16xi32>
          %shift_right_arithmetic3A_353 = arith.shrsi %get3A_343, %shift_right_arithmetic3A_352 : vector<16xi32>
          %add3A_354 = arith.constant 0 : i32
          %add3A_355 = vector.broadcast %add3A_354 : i32 to vector<16xi32>
          %add3A_356 = arith.addi %shift_right_arithmetic3A_353, %add3A_355 : vector<16xi32>
          %gather3A_357 = tpu.vector_load_idx %arg25[%add3A_356] : memref<4096xf32, #tpu.memory_space<vmem>>[vector<16xi32>], vector<16xf32>,
          %get3A_358 = arith.index_cast %add3A_341 : i32 to index
          %get3A_359 = tpu.vector_load %arg21[%get3A_358] {strides = array<i32>} : memref<8192xf32, #tpu.memory_space<vmem>>, vector<16xf32>,
          %add3A_360 = arith.addf %get3A_359, %gather3A_357 : vector<16xf32>
          %exp3A_361 = math.exp %add3A_360 : vector<16xf32>
          %mul3A_362 = arith.mulf %gather3A_350, %exp3A_361 : vector<16xf32>
          %shift_right_arithmetic3A_363 = arith.constant 9 : i32
          %shift_right_arithmetic3A_364 = vector.broadcast %shift_right_arithmetic3A_363 : i32 to vector<16xi32>
          %shift_right_arithmetic3A_365 = arith.shrsi %get3A_343, %shift_right_arithmetic3A_364 : vector<16xi32>
          %and3A_366 = arith.constant 511 : i32
          %and3A_367 = vector.broadcast %and3A_366 : i32 to vector<16xi32>
          %and3A_368 = arith.andi %shift_right_arithmetic3A_365, %and3A_367 : vector<16xi32>
          %add3A_369 = arith.constant 128 : i32
          %add3A_370 = vector.broadcast %add3A_369 : i32 to vector<16xi32>
          %add3A_371 = arith.addi %and3A_368, %add3A_370 : vector<16xi32>
          tpu.vector_store_idx %arg23[%add3A_371], %mul3A_362 {add = true} : memref<512xf32, #tpu.memory_space<vmem>>[vector<16xi32>], vector<16xf32>,
          %scan3A_372 = arith.constant 0 : i32
          scf.yield %scan3A_372 : i32
        }
        %scan3A_185 = arith.constant 8 : i32
        %scan3A_186 = arith.constant 0 : i32
        %scan3A_187 = arith.constant 8 : i32
        %scan3A_188 = arith.addi %scan3A_186, %scan3A_187 : i32
        %scan3A_189 = arith.constant 1 : i32
        %scan3A_190 = scf.for %scan3A_220 = %scan3A_186 to %scan3A_188 step %scan3A_189 iter_args(%scan3A_221 = %broadcast_in_dim3A_1) -> (vector<16xf32>)  : i32 {
          %mul3A_222 = arith.constant 16 : i32
          %mul3A_223 = arith.muli %scan3A_220, %mul3A_222 : i32
          %add3A_224 = arith.constant 128 : i32
          %add3A_225 = arith.addi %add3A_224, %mul3A_223 : i32
          %get3A_226 = arith.index_cast %add3A_225 : i32 to index
          %get3A_227 = tpu.vector_load %arg23[%get3A_226] {strides = array<i32>} : memref<512xf32, #tpu.memory_space<vmem>>, vector<16xf32>,
          %max3A = arith.maximumf %scan3A_221, %get3A_227 : vector<16xf32>
          scf.yield %max3A : vector<16xf32>
        }
        %scan3A_191 = arith.constant 8 : i32
        %bitcast3A_192 = vector.bitcast %scan3A_190 : vector<16xf32> to vector<16xi32>
        %shift_right_arithmetic3A_193 = arith.constant 23 : i32
        %shift_right_arithmetic3A_194 = vector.broadcast %shift_right_arithmetic3A_193 : i32 to vector<16xi32>
        %shift_right_arithmetic3A_195 = arith.shrsi %bitcast3A_192, %shift_right_arithmetic3A_194 : vector<16xi32>
        %sub3A_196 = arith.constant 127 : i32
        %sub3A_197 = vector.broadcast %sub3A_196 : i32 to vector<16xi32>
        %sub3A_198 = arith.subi %shift_right_arithmetic3A_195, %sub3A_197 : vector<16xi32>
        %convert_element_type3A_199 = arith.sitofp %sub3A_198 : vector<16xi32> to vector<16xf32>
        %reduce_max3A_200 = arith.constant true
        %reduce_max3A_201 = vector.broadcast %reduce_max3A_200 : i1 to vector<16xi1>
        %reduce_max3A_202 = tpu.scan <max>, %convert_element_type3A_199 masked %reduce_max3A_201 : vector<16xf32>, vector<16xi1> -> vector<16xf32>
        %reduce_max3A_203 = vector.extract %reduce_max3A_202[15] : f32 from vector<16xf32>
        %convert_element_type3A_204 = arith.fptosi %reduce_max3A_203 : f32 to i32
        %sub3A_205 = arith.constant 127 : i32
        %sub3A_206 = arith.subi %sub3A_205, %convert_element_type3A_204 : i32
        %broadcast_in_dim3A_207 = vector.broadcast %sub3A_206 : i32 to vector<16xi32>
        %shift_left3A_208 = arith.constant 23 : i32
        %shift_left3A_209 = vector.broadcast %shift_left3A_208 : i32 to vector<16xi32>
        %shift_left3A_210 = arith.shli %broadcast_in_dim3A_207, %shift_left3A_209 : vector<16xi32>
        %bitcast3A_211 = vector.bitcast %shift_left3A_210 : vector<16xi32> to vector<16xf32>
        %scan3A_212 = arith.constant 0 : i32
        %scan3A_213 = arith.constant 0 : i32
        %scan3A_214 = arith.constant 8 : i32
        %scan3A_215 = arith.addi %scan3A_213, %scan3A_214 : i32
        %scan3A_216 = arith.constant 1 : i32
        %scan3A_217 = scf.for %scan3A_220 = %scan3A_213 to %scan3A_215 step %scan3A_216 iter_args(%scan3A_221 = %scan3A_212) -> (i32)  : i32 {
          %mul3A_222 = arith.constant 16 : i32
          %mul3A_223 = arith.muli %scan3A_220, %mul3A_222 : i32
          %add3A_224 = arith.constant 128 : i32
          %add3A_225 = arith.addi %add3A_224, %mul3A_223 : i32
          %get3A_226 = arith.index_cast %add3A_225 : i32 to index
          %get3A_227 = tpu.vector_load %arg23[%get3A_226] {strides = array<i32>} : memref<512xf32, #tpu.memory_space<vmem>>, vector<16xf32>,
          %mul3A_228 = arith.mulf %get3A_227, %bitcast3A_211 : vector<16xf32>
          %swap3A_229 = arith.index_cast %add3A_225 : i32 to index
          %swap3A_230 = tpu.vector_load %arg22[%swap3A_229] {strides = array<i32>} : memref<512xf32, #tpu.memory_space<vmem>>, vector<16xf32>,
          tpu.vector_store %arg22[%swap3A_229], %mul3A_228 {strides = array<i32>} : memref<512xf32, #tpu.memory_space<vmem>>, vector<16xf32>,
          %swap3A_231 = arith.index_cast %add3A_225 : i32 to index
          %swap3A_232 = tpu.vector_load %arg23[%swap3A_231] {strides = array<i32>} : memref<512xf32, #tpu.memory_space<vmem>>, vector<16xf32>,
          tpu.vector_store %arg23[%swap3A_231], %broadcast_in_dim3A_1 {strides = array<i32>} : memref<512xf32, #tpu.memory_space<vmem>>, vector<16xf32>,
          %scan3A_233 = arith.constant 0 : i32
          scf.yield %scan3A_233 : i32
        }
        %scan3A_218 = arith.constant 8 : i32
        %add3A_219 = arith.addi %while3A_139, %convert_element_type3A_204 : i32
        scf.yield %add3A_178, %add3A_219 : i32, i32
      }
      %scan3A_93 = arith.constant 0 : i32
      %scan3A_94 = arith.constant 8 : i32
      %scan3A_95 = arith.addi %scan3A_93, %scan3A_94 : i32
      %scan3A_96 = arith.constant 1 : i32
      %scan3A_97 = scf.for %scan3A_137 = %scan3A_93 to %scan3A_95 step %scan3A_96 iter_args(%scan3A_138 = %broadcast_in_dim3A_1) -> (vector<16xf32>)  : i32 {
        %mul3A_139 = arith.constant 16 : i32
        %mul3A_140 = arith.muli %scan3A_137, %mul3A_139 : i32
        %add3A_141 = arith.constant 0 : i32
        %add3A_142 = arith.addi %add3A_141, %mul3A_140 : i32
        %get3A_143 = arith.index_cast %add3A_142 : i32 to index
        %get3A_144 = tpu.vector_load %arg22[%get3A_143] {strides = array<i32>} : memref<512xf32, #tpu.memory_space<vmem>>, vector<16xf32>,
        %get3A_145 = arith.index_cast %add3A_142 : i32 to index
        %get3A_146 = tpu.vector_load %arg24[%get3A_145] {strides = array<i32>} : memref<512xf32, #tpu.memory_space<vmem>>, vector<16xf32>,
        %exp3A = math.exp %get3A_146 : vector<16xf32>
        %mul3A_147 = arith.mulf %get3A_144, %exp3A : vector<16xf32>
        %add3A_148 = arith.addf %scan3A_138, %mul3A_147 : vector<16xf32>
        scf.yield %add3A_148 : vector<16xf32>
      }
      %scan3A_98 = arith.constant 8 : i32
      %reduce_sum3A = arith.constant true
      %reduce_sum3A_99 = vector.broadcast %reduce_sum3A : i1 to vector<16xi1>
      %reduce_sum3A_100 = tpu.scan <sum>, %scan3A_97 masked %reduce_sum3A_99 : vector<16xf32>, vector<16xi1> -> vector<16xf32>
      %reduce_sum3A_101 = vector.extract %reduce_sum3A_100[15] : f32 from vector<16xf32>
      %scan3A_102 = arith.constant 0 : i32
      %scan3A_103 = arith.constant 8 : i32
      %scan3A_104 = arith.addi %scan3A_102, %scan3A_103 : i32
      %scan3A_105 = arith.constant 1 : i32
      %scan3A_106 = scf.for %scan3A_137 = %scan3A_102 to %scan3A_104 step %scan3A_105 iter_args(%scan3A_138 = %broadcast_in_dim3A_1) -> (vector<16xf32>)  : i32 {
        %mul3A_139 = arith.constant 16 : i32
        %mul3A_140 = arith.muli %scan3A_137, %mul3A_139 : i32
        %add3A_141 = arith.constant 128 : i32
        %add3A_142 = arith.addi %add3A_141, %mul3A_140 : i32
        %get3A_143 = arith.index_cast %add3A_142 : i32 to index
        %get3A_144 = tpu.vector_load %arg22[%get3A_143] {strides = array<i32>} : memref<512xf32, #tpu.memory_space<vmem>>, vector<16xf32>,
        %get3A_145 = arith.index_cast %add3A_142 : i32 to index
        %get3A_146 = tpu.vector_load %arg24[%get3A_145] {strides = array<i32>} : memref<512xf32, #tpu.memory_space<vmem>>, vector<16xf32>,
        %exp3A = math.exp %get3A_146 : vector<16xf32>
        %mul3A_147 = arith.mulf %get3A_144, %exp3A : vector<16xf32>
        %add3A_148 = arith.addf %scan3A_138, %mul3A_147 : vector<16xf32>
        scf.yield %add3A_148 : vector<16xf32>
      }
      %scan3A_107 = arith.constant 8 : i32
      %reduce_sum3A_108 = arith.constant true
      %reduce_sum3A_109 = vector.broadcast %reduce_sum3A_108 : i1 to vector<16xi1>
      %reduce_sum3A_110 = tpu.scan <sum>, %scan3A_106 masked %reduce_sum3A_109 : vector<16xf32>, vector<16xi1> -> vector<16xf32>
      %reduce_sum3A_111 = vector.extract %reduce_sum3A_110[15] : f32 from vector<16xf32>
      %eq3A_112 = arith.constant 0 : i32
      %eq3A_113 = vector.broadcast %eq3A_112 : i32 to vector<16xi32>
      %eq3A_114 = arith.cmpi eq, %iota3A, %eq3A_113 : vector<16xi32>
      %eq3A_115 = arith.constant 1 : i32
      %eq3A_116 = vector.broadcast %eq3A_115 : i32 to vector<16xi32>
      %eq3A_117 = arith.cmpi eq, %iota3A, %eq3A_116 : vector<16xi32>
      %convert_element_type3A_118 = arith.sitofp %while3A_92#0 : i32 to f32
      %eq3A_119 = arith.constant 2 : i32
      %eq3A_120 = vector.broadcast %eq3A_119 : i32 to vector<16xi32>
      %eq3A_121 = arith.cmpi eq, %iota3A, %eq3A_120 : vector<16xi32>
      %eq3A_122 = arith.constant 3 : i32
      %eq3A_123 = vector.broadcast %eq3A_122 : i32 to vector<16xi32>
      %eq3A_124 = arith.cmpi eq, %iota3A, %eq3A_123 : vector<16xi32>
      %convert_element_type3A_125 = arith.sitofp %while3A_92#1 : i32 to f32
      %jit3A_126 = arith.constant 0.000000e+00 : f32
      %broadcast_in_dim3A_127 = vector.broadcast %convert_element_type3A_125 : f32 to vector<16xf32>
      %broadcast_in_dim3A_128 = vector.broadcast %jit3A_126 : f32 to vector<16xf32>
      %select_n3A_129 = arith.select %eq3A_124, %broadcast_in_dim3A_127, %broadcast_in_dim3A_128 : vector<16xi1>, vector<16xf32>
      %broadcast_in_dim3A_130 = vector.broadcast %reduce_sum3A_111 : f32 to vector<16xf32>
      %select_n3A_131 = arith.select %eq3A_121, %broadcast_in_dim3A_130, %select_n3A_129 : vector<16xi1>, vector<16xf32>
      %broadcast_in_dim3A_132 = vector.broadcast %convert_element_type3A_118 : f32 to vector<16xf32>
      %select_n3A_133 = arith.select %eq3A_117, %broadcast_in_dim3A_132, %select_n3A_131 : vector<16xi1>, vector<16xf32>
      %broadcast_in_dim3A_134 = vector.broadcast %reduce_sum3A_101 : f32 to vector<16xf32>
      %select_n3A_135 = arith.select %eq3A_114, %broadcast_in_dim3A_134, %select_n3A_133 : vector<16xi1>, vector<16xf32>
      %swap3A = arith.constant 0 : index
      %swap3A_136 = tpu.vector_load %arg28[%swap3A] {strides = array<i32>} : memref<16xf32, #tpu.memory_space<vmem>>, vector<16xf32>,
      tpu.vector_store %arg28[%swap3A], %select_n3A_135 {strides = array<i32>} : memref<16xf32, #tpu.memory_space<vmem>>, vector<16xf32>,
      "tpu.region"() ({
        %run_scoped3A = tpu.sem_alloc : memref<!tpu.dma_semaphore, #tpu.memory_space<semaphore_mem>>
        %dma_start3A = arith.constant 0 : i32
        %dma_start3A_137 = tpu.memref_slice %arg16[%add3A, %dma_start3A] : memref<32x16xf32, #tpu.memory_space<hbm>> -> memref<1x16xf32, #tpu.memory_space<hbm>>
        %dma_start3A_138 = tpu.memref_squeeze %dma_start3A_137 : memref<1x16xf32, #tpu.memory_space<hbm>> -> memref<16xf32, #tpu.memory_space<hbm>>
        %dma_start3A_139 = arith.constant 0 : i32
        %dma_start3A_140 = tpu.memref_slice %arg16[%add3A, %dma_start3A_139] : memref<32x16xf32, #tpu.memory_space<hbm>> -> memref<1x16xf32, #tpu.memory_space<hbm>>
        %dma_start3A_141 = tpu.memref_squeeze %dma_start3A_140 : memref<1x16xf32, #tpu.memory_space<hbm>> -> memref<16xf32, #tpu.memory_space<hbm>>
        tpu.enqueue_dma source(%arg28 : memref<16xf32, #tpu.memory_space<vmem>>) target(%dma_start3A_141 : memref<16xf32, #tpu.memory_space<hbm>>) target_semaphore(%run_scoped3A : memref<!tpu.dma_semaphore, #tpu.memory_space<semaphore_mem>>)
        %dma_wait3A = arith.constant 0 : i32
        %dma_wait3A_142 = tpu.memref_slice %arg16[%add3A, %dma_wait3A] : memref<32x16xf32, #tpu.memory_space<hbm>> -> memref<1x16xf32, #tpu.memory_space<hbm>>
        %dma_wait3A_143 = tpu.memref_squeeze %dma_wait3A_142 : memref<1x16xf32, #tpu.memory_space<hbm>> -> memref<16xf32, #tpu.memory_space<hbm>>
        %dma_wait3A_144 = arith.constant 0 : i32
        %dma_wait3A_145 = tpu.memref_slice %arg16[%add3A, %dma_wait3A_144] : memref<32x16xf32, #tpu.memory_space<hbm>> -> memref<1x16xf32, #tpu.memory_space<hbm>>
        %dma_wait3A_146 = tpu.memref_squeeze %dma_wait3A_145 : memref<1x16xf32, #tpu.memory_space<hbm>> -> memref<16xf32, #tpu.memory_space<hbm>>
        tpu.wait_dma2 semaphore(%run_scoped3A : memref<!tpu.dma_semaphore, #tpu.memory_space<semaphore_mem>>) src(%arg28 : memref<16xf32, #tpu.memory_space<vmem>>) dst(%dma_wait3A_146 : memref<16xf32, #tpu.memory_space<hbm>>)
        tpu.yield
      }) : () -> ()
    } else {
    }
    return
  }
}

</mosaic_0001>

<sc_bundles>
// kernel: kernel.3.cloned.1.call-start
scs
__scs_entry_jumppad:
0x0: {  	(pc) =	sbr.rel $0x88, $3  }
0x1: {  	(tag) =	ssettag $0x0;
	lr =	simm.s32 $0x1  }
0x2: {  	[smem:$0x3F93] =	sst lr;
	_ =	strace $0xD0000000  }
0x3: {  	_ = 	snop  }
0x4: {  	_ = 	snop  }
0x5: {  	_ = 	snop  }
0x6: {  	_ = 	snop  }
0x7: {  	_ = 	snop  }
__scs_overlays_trampoline_lowered:
0x8: {  	[smem:$0x3FA2] =	sst s0  }
0x9: {  	[smem:$0x3FA3] =	sst s1  }
0xa: {  	[smem:$0x3FA4] =	sst s2  }
0xb: {  	[smem:$0x3FA5] =	sst s3  }
0xc: {  	[smem:$0x3FA6] =	sst s4  }
0xd: {  	[smem:$0x3FA7] =	sst s5  }
0xe: {  	[smem:$0x3FA8] =	sst s6  }
0xf: {  	[smem:$0x3FA9] =	sst s7  }
0x10: {  	[smem:$0x3FAA] =	sst s8  }
0x11: {  	[smem:$0x3FAB] =	sst s9;
	s0 =	simm.s32 @!p0 $0x0  }
0x12: {  	s1 =	sld [smem:$0x3F91];
	s0 =	simm.s32 @p0 $0x1  }
0x13: {  	[smem:$0x3FAC] =	sst s0;
	s0 =	simm.s32 @!p1 $0x0  }
0x14: {  	s2 =	sld [smem:$0x3F90];
	s0 =	simm.s32 @p1 $0x1  }
0x15: {  	[smem:$0x3FAD] =	sst s0;
	s0 =	simm.s32 @!p2 $0x0  }
0x16: {  	s3 =	sld [smem:$0x3FDB];
	s0 =	simm.s32 @p2 $0x1  }
0x17: {  	s4 =	simm.s32 $0x1BF5;
	[smem:$0x3FAF] =	sst s0  }
0x18: {  	s0 =	sld [smem:$0x3F92];
	_ =	swait.ge [sflag:s4], $0x0  }
0x19: {  	s7 =	sld [smem:$0x3F93]  }
0x1a: {  	s8 =	sadd.s32 $0xFFFFE003, lr  }
0x1b: {  	s9 =	sadd.s32 $0xFFFFFEF7, lr;
	s5 =	simm.s32 $0xFFFFFFFF;
	p2 =	slt.u32 s8, $0xFFFFF086  }
0x1c: {  	p1 =	slt.u32 s9, $0xF7A;
	s5 =	simm.s32 @!p2 $0x0  }
0x1d: {  	s5 =	simm.s32 @p1 $0x1;
	p0 =	seq.s32 s7, s2  }
0x1e: {  	s7 =	smul.u32 @!p0 $0xF7A, s2;
	p2 =	seq.s32 @!p0 s5, $0x0  }
0x1f: {  	s9 =	smul.u32 $0xF7A, s1;
	s8 =	simm.s32 @!p0 $0x1BF5;
	p2 =	por !p2, p0  }
0x20: {  	[sflag:s8] =	ssyncset.s32 @!p0 $0xFFFFF086;
	s6 =	sadd.s32 @!p0 s3, s7;
	s7 =	simm.s32 @!p0 $0x108  }
0x21: {  	s3 =	sadd.s32 s3, s9;
	s6 =	sadd.s32 @!p0 $0x88, s6;
	s7 =	simm.s32 @p2 $0x1082  }
0x22: {  	[simem:s7], [sflag:s8] =	dma.local @!p0 [hbm:s6], $0xF7A  }
0x23: {  	s9 =	sor.u32 $0xD0000000, s2;
	s6 =	simm.s32 $0x108;
	_ =	swait.ge @!p0 [sflag:s8], $0x0  }
0x24: {  	s3 =	sadd.s32 $0x88, s3;
	s6 =	simm.s32 @!p1 $0x1082;
	[sflag:s4] =	ssyncset.s32 $0xFFFFF086  }
0x25: {  	[simem:s6], [sflag:s4] =	dma.local [hbm:s3], $0xF7A  }
0x26: {  	[smem:$0x3F93] =	sst s1;
	(tag) =	ssettag s2;
	_ =	strace s9  }
0x27: {  	s1 =	sld [smem:$0x3FA3]  }
0x28: {  	s2 =	sld [smem:$0x3FA4]  }
0x29: {  	s4 =	sld [smem:$0x3FA6]  }
0x2a: {  	p0 =	seq.s32 s5, $0x0;
	s5 =	sld [smem:$0x3FA7]  }
0x2b: {  	s6 =	sld [smem:$0x3FA8]  }
0x2c: {  	s7 =	sld [smem:$0x3FA9]  }
0x2d: {  	s3 =	simm.s32 $0x108;
	s8 =	sld [smem:$0x3FAA]  }
0x2e: {  	s3 =	simm.s32 @!p0 $0x1082;
	s9 =	sld [smem:$0x3FAB]  }
0x2f: {  	lr =	sadd.s32 s0, s3;
	s0 =	sld [smem:$0x3FA2]  }
0x30: {  	s3 =	sld [smem:$0x3FA5]  }
0x31: {  	[smem:$0x3FAE] =	sst s10  }
0x32: {  	s10 =	sld [smem:$0x3FAC];
	_ =	sdelay $0x3  }
0x33: {  	p0 =	seq.s32 s10, $0x1;
	s10 =	sld [smem:$0x3FAE];
	_ =	sdelay $0x3  }
0x34: {  	[smem:$0x3FAE] =	sst s10  }
0x35: {  	s10 =	sld [smem:$0x3FAD];
	_ =	sdelay $0x3  }
0x36: {  	p1 =	seq.s32 s10, $0x1;
	s10 =	sld [smem:$0x3FAE];
	_ =	sdelay $0x3  }
0x37: {  	[smem:$0x3FAE] =	sst s10  }
0x38: {  	s10 =	sld [smem:$0x3FAF]  }
0x39: {  	_ = 	snop;
	(pc) =	sbr.ind lr, $3  }
0x3a: {  	_ = 	snop  }
0x3b: {  	_ = 	snop  }
0x3c: {  	p2 =	seq.s32 s10, $0x1;
	s10 =	sld [smem:$0x3FAE]  }
0x3d: {  	_ =	shalt  }
0x3e: {  	_ =	shalt  }
0x3f: {  	_ =	shalt  }
0x40: {  	_ =	shalt  }
0x41: {  	_ =	shalt  }
0x42: {  	_ =	shalt  }
0x43: {  	_ =	shalt  }
0x44: {  	_ =	shalt  }
0x45: {  	_ =	shalt  }
0x46: {  	_ =	shalt  }
0x47: {  	_ =	shalt  }
0x48: {  	_ =	shalt  }
0x49: {  	_ =	shalt  }
0x4a: {  	_ =	shalt  }
0x4b: {  	_ =	shalt  }
0x4c: {  	_ =	shalt  }
0x4d: {  	_ =	shalt  }
0x4e: {  	_ =	shalt  }
0x4f: {  	_ =	shalt  }
0x50: {  	_ =	shalt  }
0x51: {  	_ =	shalt  }
0x52: {  	_ =	shalt  }
0x53: {  	_ =	shalt  }
0x54: {  	_ =	shalt  }
0x55: {  	_ =	shalt  }
0x56: {  	_ =	shalt  }
0x57: {  	_ =	shalt  }
0x58: {  	_ =	shalt  }
0x59: {  	_ =	shalt  }
0x5a: {  	_ =	shalt  }
0x5b: {  	_ =	shalt  }
0x5c: {  	_ =	shalt  }
0x5d: {  	_ =	shalt  }
0x5e: {  	_ =	shalt  }
0x5f: {  	_ =	shalt  }
0x60: {  	_ =	shalt  }
0x61: {  	_ =	shalt  }
0x62: {  	_ =	shalt  }
0x63: {  	_ =	shalt  }
0x64: {  	_ =	shalt  }
0x65: {  	_ =	shalt  }
0x66: {  	_ =	shalt  }
0x67: {  	_ =	shalt  }
0x68: {  	_ =	shalt  }
0x69: {  	_ =	shalt  }
0x6a: {  	_ =	shalt  }
0x6b: {  	_ =	shalt  }
0x6c: {  	_ =	shalt  }
0x6d: {  	_ =	shalt  }
0x6e: {  	_ =	shalt  }
0x6f: {  	_ =	shalt  }
0x70: {  	_ =	shalt  }
0x71: {  	_ =	shalt  }
0x72: {  	_ =	shalt  }
0x73: {  	_ =	shalt  }
0x74: {  	_ =	shalt  }
0x75: {  	_ =	shalt  }
0x76: {  	_ =	shalt  }
0x77: {  	_ =	shalt  }
0x78: {  	_ =	shalt  }
0x79: {  	_ =	shalt  }
0x7a: {  	_ =	shalt  }
0x7b: {  	_ =	shalt  }
0x7c: {  	_ =	shalt  }
0x7d: {  	_ =	shalt  }
0x7e: {  	_ =	shalt  }
0x7f: {  	_ =	shalt  }
0x80: {  	_ =	shalt  }
0x81: {  	_ =	shalt  }
0x82: {  	_ =	shalt  }
0x83: {  	_ =	shalt  }
0x84: {  	_ =	shalt  }
0x85: {  	_ =	shalt  }
0x86: {  	_ =	shalt  }
0x87: {  	_ =	shalt  }
.Lfunc_end0:
.L_simem_size_0:
called_computation_lowered:
.L_overlay_start_0:
0x88: {  	s2 =	sld [smem:$0x3FD9]  }
0x89: {  	s3 =	sld [smem:$0x3FFE];
	_ =	sdelay $0x1  }
0x8a: {  	s1 =	srdreg.scid  }
0x8b: {  	s0 =	sand.u32 $0x1, s1  }
0x8c: {  	s25 =	sshll.u32 s0, $0xA;
	s2 =	sadd.s32 s3, s2  }
0x8d: {  	s2 =	sadd.s32 s2, s25  }
0x8e: {  	[smem:$0x3FBA] =	sst s2  }
0x8f: {  	_ = 	snop  }
0x90: {  	s2 =	sld [smem:$0x3FC7]  }
0x91: {  	s3 =	sld [smem:$0x3FC6]  }
0x92: {  	s4 =	sld [smem:$0x3FC5]  }
0x93: {  	s5 =	sld [smem:$0x3FC4]  }
0x94: {  	s6 =	sld [smem:$0x3FC3]  }
0x95: {  	s7 =	sld [smem:$0x3FC2]  }
0x96: {  	s8 =	sld [smem:$0x3FC1]  }
0x97: {  	s9 =	sld [smem:$0x3FC0]  }
0x98: {  	s10 =	sld [smem:$0x3FBF]  }
0x99: {  	s11 =	sld [smem:$0x3FBE]  }
0x9a: {  	s12 =	sld [smem:$0x3FBD]  }
0x9b: {  	s13 =	sld [smem:$0x3FBC]  }
0x9c: {  	s15 =	sld [smem:$0x3FD0];
	(tm) =	ssettm $0x1  }
0x9d: {  	s14 =	sld [smem:$0x3FFB];
	_ =	sdelay $0x3  }
0x9e: {  	_ =	strace s14  }
0x9f: {  	s14 =	sld [smem:$0x3FFC];
	_ =	sdelay $0x3  }
0xa0: {  	_ =	strace s14  }
0xa1: {  	s14 =	sld [smem:$0x3FFD];
	_ =	sdelay $0x3  }
0xa2: {  	_ =	strace s14  }
0xa3: {  	_ =	strace $0x8FFFFFFF  }
0xa4: {  	s26 =	sld [smem:$0x3FDB];
	_ =	sdelay $0x1  }
0xa5: {  	s16 =	simm.s32 $_scs_section_size  }
0xa6: {  	s17 =	simm.s32 $_size__tile_task_arg_handler_lowered;
	s18 =	simm.s32 $_tile_task_arg_handler_lowered  }
0xa7: {  	s30 =	simm.s32 $0x1BFF;
	s29 =	sshll.u32 s18, $0x1;
	s16 =	sadd.s32 s16, s26  }
0xa8: {  	s19 =	simm.s32 $0x60;
	s28 =	sshll.u32 s17, $0x1;
	s17 =	sadd.s32 s29, s16  }
0xa9: {  	[timem:s19], [sflag:s30] =	dma.local [hbm:s17], s28  }
0xaa: {  	_ =	swait.ge [sflag:s30], s28  }
0xab: {  	s31 =	simm.s32 $_tile_overlayer_lowered;
	s14 =	ssub.s32 $0x0, s28;
	[sflag:s30] =	ssyncset.done $0x0  }
0xac: {  	s19 =	simm.s32 $_size__tile_overlayer_lowered;
	s17 =	sshll.u32 s31, $0x1;
	[sflag:s30] =	ssyncadd.s32 s14  }
0xad: {  	s21 =	simm.s32 $0x0;
	s20 =	sshll.u32 s19, $0x1;
	s17 =	sadd.s32 s17, s16  }
0xae: {  	[timem:s21], [sflag:s30] =	dma.local [hbm:s17], s20  }
0xaf: {  	_ =	swait.ge [sflag:s30], s20  }
0xb0: {  	s22 =	ssub.s32 $0x0, s20;
	[sflag:s30] =	ssyncset.done $0x0  }
0xb1: {  	[sflag:s30] =	ssyncadd.s32 s22;
	_ =	sdelay $0x1  }
0xb2: {  	s23 =	simm.s32 $0x1B8B  }
0xb3: {  	_ =	swait.ge [sflag:s23], $0x1  }
0xb4: {  	[sflag:s23] =	ssyncset.done $0x0  }
0xb5: {  	s25 =	simm.s32 $0x1B8E;
	s24 =	sld [smem:$0x3FFE];
	[sflag:s23] =	ssyncadd.s32 $0xFFFFFFFF  }
0xb6: {  	s26 =	simm.s32 $execute0_lowered;
	[smem:$0x3FD2] =	sst s25  }
0xb7: {  	s18 =	sshll.u32 s26, $0x1;
	_ =	strace $0x80000046;
	[dreg:$0x1] =	wrdreg $0xFFFFFFFF  }
0xb8: {  	s16 =	sadd.s32 s16, s18;
	s28 =	simm.s32 $_size_execute0_lowered;
	[dreg:$0x0] =	wrdreg $0x0  }
0xb9: {  	s18 =	sshll.u32 s28, $0x1;
	[dreg:$0x2] =	wrdreg s16  }
0xba: {  	[dreg:$0x3] =	wrdreg s18  }
0xbb: {  	[dreg:$0x4] =	wrdreg $0xC0  }
0xbc: {  	_ =	task [dreg:s21], $0x5FFFF  }
0xbd: {  	[dreg:$0x1] =	wrdreg $0xFFFFFFFF  }
0xbe: {  	[dreg:$0x0] =	wrdreg $0x30  }
0xbf: {  	[dreg:$0x2] =	wrdreg $0x0  }
0xc0: {  	[dreg:$0x3] =	wrdreg $0x9  }
0xc1: {  	_ =	task [dreg:s21], $0x4FFFF  }
0xc2: {  	[dreg:$0x1] =	wrdreg $0xFFFFFFFF  }
0xc3: {  	[dreg:$0x0] =	wrdreg $0x60  }
0xc4: {  	[dreg:$0x2] =	wrdreg s24  }
0xc5: {  	[dreg:$0x3] =	wrdreg s15  }
0xc6: {  	[dreg:$0x4] =	wrdreg s2  }
0xc7: {  	[dreg:$0x5] =	wrdreg s3  }
0xc8: {  	[dreg:$0x6] =	wrdreg s4  }
0xc9: {  	[dreg:$0x7] =	wrdreg s5  }
0xca: {  	[dreg:$0x8] =	wrdreg s6  }
0xcb: {  	[dreg:$0x9] =	wrdreg s7  }
0xcc: {  	[dreg:$0xa] =	wrdreg s8  }
0xcd: {  	[dreg:$0xb] =	wrdreg s9  }
0xce: {  	[dreg:$0xc] =	wrdreg s10  }
0xcf: {  	[dreg:$0xd] =	wrdreg s11  }
0xd0: {  	[dreg:$0xe] =	wrdreg s12  }
0xd1: {  	[dreg:$0xf] =	wrdreg s13  }
0xd2: {  	_ =	task.clear_ibuf [dreg:s21], $0x10FFFF;
	_ =	strace $0x90000046  }
0xd3: {  	s29 =	simm.s32 $0x9;
	_ =	strace $0x80000048  }
0xd4: {  	_ =	swait.ge [sflag:s29], $0x1  }
0xd5: {  	[sflag:s29] =	ssyncadd.s32 $0xFFFFFFFF  }
0xd6: {  	_ =	strace $0x90000048  }
0xd7: {  	_ =	sfence  }
0xd8: {  	s30 =	sld [smem:$0x0];
	_ =	sdelay $0x2  }
0xd9: {  	s31 =	sshll.u32 s1, $0xD;
	s1 =	sshrl.u32 s1, $0x2  }
0xda: {  	s3 =	sand.u32 $0x4000, s31;
	s1 =	sadd.s32 s1, s30  }
0xdb: {  	s0 =	sor.u32 s3, s0;
	s1 =	sshll.u32 s1, $0x11  }
0xdc: {  	s0 =	sor.u32 s1, s0  }
0xdd: {  	s0 =	sadd.s32 $0x8F2B, s0  }
0xde: {  	[sflag:s0] =	ssyncadd.remote.s32 $0x1  }
0xdf: {  	_ =	sfence.sel $0xFFFF  }
0xe0: {  	[dreg:$0x0] =	wrdreg $0xFFFFFFFF;
	(pc) =	sbr.abs _section_cstart, $3  }
0xe1: {  	[dreg:$0x1] =	wrdreg $0xFFFFFFFF  }
0xe2: {  	_ =	task.clear_ibuf [dreg:s21], $0x2FFFF;
	_ =	strace $0x9FFFFFFF  }
0xe3: {  	(tm) =	ssettm $0x7FFFFFFF  }
tec
_tile_task_arg_handler_lowered:
.L_overlay_start_1:
0x0: {  	(tag) =	ssettag $0x1  }
0x1: {  	s0 =	rddreg [dreg:$0x0]  }
0x2: {  	s1 =	rddreg [dreg:$0x1]  }
0x3: {  	s2 =	rddreg [dreg:$0x2]  }
0x4: {  	s3 =	rddreg [dreg:$0x3]  }
0x5: {  	s4 =	rddreg [dreg:$0x4]  }
0x6: {  	s5 =	rddreg [dreg:$0x5]  }
0x7: {  	s6 =	rddreg [dreg:$0x6]  }
0x8: {  	s7 =	rddreg [dreg:$0x7]  }
0x9: {  	s8 =	rddreg [dreg:$0x8]  }
0xa: {  	s9 =	rddreg [dreg:$0x9]  }
0xb: {  	s10 =	rddreg [dreg:$0xa]  }
0xc: {  	s11 =	rddreg [dreg:$0xb]  }
0xd: {  	s12 =	rddreg [dreg:$0xc]  }
0xe: {  	s13 =	rddreg [dreg:$0xd]  }
0xf: {  	[smem:s0] =	sst s1  }
0x10: {  	[smem:s0+$0x1] =	sst s2  }
0x11: {  	[smem:s0+$0x2] =	sst s3  }
0x12: {  	[smem:s0+$0x3] =	sst s4  }
0x13: {  	[smem:s0+$0x4] =	sst s5  }
0x14: {  	[smem:s0+$0x5] =	sst s6  }
0x15: {  	[smem:s0+$0x6] =	sst s7  }
0x16: {  	[smem:s0+$0x7] =	sst s8  }
0x17: {  	[smem:s0+$0x8] =	sst s9  }
0x18: {  	[smem:s0+$0x9] =	sst s10  }
0x19: {  	[smem:s0+$0xA] =	sst s11  }
0x1a: {  	[smem:s0+$0xB] =	sst s12  }
0x1b: {  	[smem:s0+$0xC] =	sst s13;
	_ =	shalt  }
.Lfunc_end2:
execute0_lowered:
.L_overlay_start_2:
0x1c: {  	(tag) =	ssettag $0x2  }
0x1d: {  	s0 =	rddreg [dreg:$0x0]  }
0x1e: {  	s1 =	rddreg [dreg:$0x8]  }
0x1f: {  	s2 =	rddreg [dreg:$0x9]  }
0x20: {  	s4 =	rddreg [dreg:$0xa]  }
0x21: {  	s6 =	rddreg [dreg:$0xb]  }
0x22: {  	s3 =	srdreg.scid;
	s8 =	rddreg [dreg:$0xc]  }
0x23: {  	s18 =	stileid.u32;
	s11 =	rddreg [dreg:$0xd];
	s20 =	simm.s32 $0x0  }
0x24: {  	s29 =	simm.s32 $0x1;
	s28 =	simm.s32 $0x0;
	s3 =	sand.u32 $0x1, s3  }
0x25: {  	s5 =	sshll.u32 s18, $0x1;
	[smem:$0x7FF] =	sst s20;
	p0 =	sgt.u32 s18, $0x7  }
0x26: {  	s7 =	ssub.s32 $0x2, s3;
	s3 =	sor.u32 s3, s5;
	s30 =	sld [smem:$0x0]  }
0x27: {  	s5 =	sand.u32 $0x18, s5;
	s9 =	sshrl.u32 s7, $0x1;
	s10 =	sand.u32 $0x7, s3  }
0x28: {  	s31 =	sshll.u32 s3, $0x4;
	s7 =	ssub.s32 s7, s9;
	s21 =	sshll.u32 s10, $0x4  }
0x29: {  	s26 =	sor.u32 s10, s5;
	s12 =	sadd.s32 s1, s21;
	[dreg:$0x12] =	wrdreg s30  }
0x2a: {  	s5 =	simm.s32 $0xA000;
	s22 =	sadd.s32 s2, s21;
	[dreg:$0xe] =	wrdreg s12  }
0x2b: {  	v1 =	vmov s10;
	s10 =	simm.s32 $0xBE80;
	s23 =	sadd.s32 s4, s21;
	[dreg:$0xf] =	wrdreg s22  }
0x2c: {  	s24 =	sadd.s32 s6, s21;
	s16 =	sor.u32 $0x200, s21;
	[dreg:$0x10] =	wrdreg s23  }
0x2d: {  	s25 =	sor.u32 $0x80, s21;
	s17 =	sadd.s32 s11, s21;
	[dreg:$0x11] =	wrdreg s24  }
0x2e: {  	s12 =	sadd.s32 s8, s21;
	s13 =	sadd.s32 s1, s16;
	s14 =	sadd.s32 s2, s16  }
0x2f: {  	s15 =	sadd.s32 s4, s16;
	s16 =	sadd.s32 s6, s16;
	s1 =	smul.u32 $0x1F4, s26  }
.Ltmp0:
0x30: {  	s19 =	sadd.s32 s8, s25;
	s21 =	sadd.s32 s11, s25;
	(pc) =	sbr.rel .LBB3_1-.Ltmp0, $4  }
0x31: {  	s22 =	sadd.s32 s0, s31;
	s23 =	sadd.s32 $0x1F8000, s0;
	s25 =	smul.u32 $0x1F4, s3  }
0x32: {  	v0 =	vlaneseq.u32;
	s26 =	smax.u32 s7, $0x1;
	s11 =	simm.s32 $0xBE00;
	s2 =	simm.s32 $0x80  }
0x33: {  	vm1 =	vcmask $0x704;
	vm2 =	vmmov $0x1;
	vm3 =	vcmask $0xF0C;
	s3 =	simm.s32 $0x400;
	s4 =	simm.s32 $0xA600;
	s7 =	simm.s32 $0xB600  }
0x34: {  	vm4 =	vcmask $0xB08;
	vm0 =	veq.s32 v1, v0;
	v1 =	vimm.f32 $0.0e+00;
	_ =	strace $0x80000047;
	s24 =	sadd.s32 $0xFFFFE0C0, s1;
	s1 =	simm.s32 $0xA200  }
.LBB3_24:
0x35: {  	s6 =	simm.f32 $0.0e+00;
	s8 =	simm.f32 $0.0e+00  }
.LBB3_26:
0x36: {  	v2 =	vld [tilespmem:$0xA480]  }
0x37: {  	v3 =	vld [tilespmem:$0xA490]  }
0x38: {  	v4 =	vld [tilespmem:$0xA4A0]  }
0x39: {  	v5 =	vld [tilespmem:$0xA4B0]  }
0x3a: {  	v6 =	vld [tilespmem:$0xA4C0]  }
0x3b: {  	v7 =	vld [tilespmem:$0xA4D0];
	v2 =	vmul.f32 $1.442695020e+00, v2  }
0x3c: {  	v8 =	vld [tilespmem:$0xA4E0];
	v3 =	vmul.f32 $1.442695020e+00, v3  }
0x3d: {  	(erf) = vpow2.f32 v2;
	v2 =	vmul.f32 $1.442695020e+00, v4;
	v4 =	vld [tilespmem:$0xA4F0]  }
0x3e: {  	v9 =	vld [tilespmem:$0xA400];
	(erf) = vpow2.f32 v3;
	v3 =	vmul.f32 $1.442695020e+00, v5  }
0x3f: {  	(erf) = vpow2.f32 v2;
	v2 =	vmul.f32 $1.442695020e+00, v6  }
0x40: {  	v5 =	vld [tilespmem:$0xA410];
	(erf) = vpow2.f32 v3;
	v3 =	vmul.f32 $1.442695020e+00, v7  }
0x41: {  	(erf) = vpow2.f32 v2;
	v2 =	vmul.f32 $1.442695020e+00, v8  }
0x42: {  	(erf) = vpow2.f32 v3;
	v3 =	vmul.f32 $1.442695020e+00, v4  }
0x43: {  	v4 =	vld [tilespmem:$0xA420];
	(erf) = vpow2.f32 v2;
	v2 =	vmul.f32 $1.442695020e+00, v9  }
0x44: {  	(erf) = vpow2.f32 v3  }
0x45: {  	v3 =	vld [tilespmem:$0xA430];
	(erf) = vpow2.f32 v2;
	v2 =	vmul.f32 $1.442695020e+00, v5;
	_ =	sdelay $0x1  }
0x46: {  	v41 =	vld [tilespmem:$0xA440];
	v5 =	vpop (erf);
	(erf) = vpow2.f32 v2  }
0x47: {  	v42 =	vpop (erf);
	v4 =	vmul.f32 $1.442695020e+00, v4  }
0x48: {  	v10 =	vld [tilespmem:$0xA450];
	v2 =	vpop (erf)  }
0x49: {  	v43 =	vld [tilespmem:$0xA000];
	v3 =	vmul.f32 $1.442695020e+00, v3;
	v44 =	vpop (erf)  }
0x4a: {  	v13 =	vld [tilespmem:$0xA460];
	(erf) = vpow2.f32 v4;
	v12 =	vpop (erf)  }
0x4b: {  	v14 =	vld [tilespmem:$0xA080];
	(erf) = vpow2.f32 v3;
	v3 =	vmul.f32 $1.442695020e+00, v41;
	v4 =	vpop (erf)  }
0x4c: {  	v45 =	vld [tilespmem:$0xA470];
	v15 =	vpop (erf)  }
0x4d: {  	v11 =	vld [tilespmem:$0xA010];
	(erf) = vpow2.f32 v3;
	v3 =	vmul.f32 $1.442695020e+00, v10;
	v16 =	vpop (erf)  }
0x4e: {  	v17 =	vld [tilespmem:$0xA090];
	v18 =	vpop (erf)  }
0x4f: {  	v46 =	vld [tilespmem:$0xA020];
	v19 =	vpop (erf);
	(erf) = vpow2.f32 v3;
	v3 =	vmul.f32 $1.442695020e+00, v13  }
0x50: {  	v47 =	vld [tilespmem:$0xA0A0];
	v5 =	vmul.f32 v5, v14;
	v8 =	vmul.f32 v18, v43  }
0x51: {  	v48 =	vld [tilespmem:$0xA030];
	(erf) = vpow2.f32 v3;
	v3 =	vmul.f32 $1.442695020e+00, v45  }
0x52: {  	v49 =	vld [tilespmem:$0xA0B0];
	v11 =	vmul.f32 v19, v11;
	v8 =	vadd.f32 $0.0e+00, v8  }
0x53: {  	v50 =	vld [tilespmem:$0xA040];
	v7 =	vmul.f32 v42, v17;
	v5 =	vadd.f32 $0.0e+00, v5;
	v51 =	vpop (erf)  }
0x54: {  	v52 =	vld [tilespmem:$0xA0C0];
	v10 =	vmul.f32 v51, v46;
	v8 =	vadd.f32 v11, v8;
	(erf) = vpow2.f32 v3  }
0x55: {  	v53 =	vld [tilespmem:$0xA050];
	v2 =	vmul.f32 v2, v47;
	v5 =	vadd.f32 v7, v5;
	v3 =	vpop (erf)  }
0x56: {  	v54 =	vld [tilespmem:$0xA0D0];
	v8 =	vadd.f32 v10, v8;
	v3 =	vmul.f32 v3, v48  }
0x57: {  	v56 =	vld [tilespmem:$0xA060];
	v2 =	vadd.f32 v2, v5;
	v5 =	vmul.f32 v44, v49;
	v55 =	vpop (erf)  }
0x58: {  	v57 =	vld [tilespmem:$0xA0E0];
	v6 =	vmul.f32 v55, v50;
	v3 =	vadd.f32 v3, v8  }
0x59: {  	v59 =	vld [tilespmem:$0xA070];
	v2 =	vadd.f32 v5, v2;
	v5 =	vmul.f32 v12, v52;
	v58 =	vpop (erf)  }
0x5a: {  	v60 =	vld [tilespmem:$0xA0F0];
	v61 =	vmul.f32 v58, v53;
	v3 =	vadd.f32 v6, v3  }
0x5b: {  	v4 =	vmul.f32 v4, v54;
	v2 =	vadd.f32 v5, v2;
	v62 =	vpop (erf)  }
0x5c: {  	v5 =	vmul.f32 v62, v56;
	v3 =	vadd.f32 v61, v3  }
0x5d: {  	v2 =	vadd.f32 v4, v2;
	v4 =	vmul.f32 v15, v57;
	v63 =	vpop (erf)  }
0x5e: {  	v3 =	vadd.f32 v5, v3;
	v5 =	vmul.f32 v63, v59  }
0x5f: {  	v2 =	vadd.f32 v4, v2;
	v4 =	vmul.f32 v16, v60  }
0x60: {  	v3 =	vadd.f32 v5, v3  }
0x61: {  	v2 =	vadd.f32 v4, v2  }
0x62: {  	(xrf2) =	vadd.scan.msk.f32 $0xffff, v3  }
0x63: {  	(xrf2) =	vadd.scan.msk.f32 $0xffff, v2;
	_ =	sdelay $0x8  }
0x64: {  	v2, _, _ =	vpop (xrf2)  }
0x65: {  	v3, _, _ =	vpop (xrf2)  }
0x66: {  	v4 =	vmov s8;
	v3 =	vbroadcast v3, $0xF  }
0x67: {  	v4 =	vnsel vm3, $0x0, v4  }
0x68: {  	vm5 =	veq.s32 v0, $0x1;
	v3 =	vsel vm4, v3, v4  }
0x69: {  	v3 =	vsel vm5, s6, v3  }
.LBB3_27:
0x6a: {  	v2 =	vbroadcast v2, $0xF  }
0x6b: {  	s28 =	sadd.s32 $0x1, s28  }
0x6c: {  	p1 =	sne.s32 s28, s26;
	v2 =	vsel vm2, v2, v3  }
.Ltmp1:
0x6d: {  	[tilespmem:$0xBE80] =	vst v2;
	(pc) =	sbr.rel @!p1 .LBB3_28-.Ltmp1, $4  }
0x6e: {  	[hbm4b:s22+s20] =	stream.linear.scatter [tilespmem:s10], [sflag:$0x1], $0x80, $0x38;
	[tilespmem:$0xBF00] =	vst v63  }
0x6f: {  	_ =	swait.ge [sflag:s29], $0x80  }
0x70: {  	[sflag:s29] =	ssyncset.done $0x0  }
0x71: {  	[sflag:s29] =	ssyncadd.s32 $0xFFFFFF80  }
.LBB3_1:
.Ltmp2:
0x72: {  	s0 =	rddreg [dreg:$0x1];
	(pc) =	sbr.rel @p0 .LBB3_21-.Ltmp2, $4  }
0x73: {  	[tilespmem:s11], [sflag:$0x1] =	stream.linear.gather [hbm4b:s0+s20], $0x80, $0x38;
	[tilespmem:$0xBF00] =	vst v63  }
0x74: {  	_ =	swait.ge [sflag:s29], $0x80  }
0x75: {  	[sflag:s29] =	ssyncset.done $0x0  }
0x76: {  	s0 =	simm.s32 $0x0;
	[sflag:s29] =	ssyncadd.s32 $0xFFFFFF80  }
0x77: {  	s6 =	rddreg [dreg:$0x2]  }
0x78: {  	[tilespmem:s0], [sflag:$0x1] =	stream.linear.gather [hbm4b:s6+s0], $0x2000, $0x38;
	[tilespmem:$0xBF00] =	vst v63  }
0x79: {  	_ =	swait.ge [sflag:s29], $0x2000  }
0x7a: {  	[sflag:s29] =	ssyncset.done $0x0  }
0x7b: {  	[sflag:s29] =	ssyncadd.s32 $0xFFFFE000  }
0x7c: {  	s8 =	simm.s32 $0x2000;
	s31 =	rddreg [dreg:$0x3]  }
0x7d: {  	[tilespmem:s8], [sflag:$0x1] =	stream.linear.gather [hbm4b:s31+s0], $0x2000, $0x38;
	[tilespmem:$0xBF00] =	vst v63  }
0x7e: {  	_ =	swait.ge [sflag:s29], $0x2000  }
0x7f: {  	[sflag:s29] =	ssyncset.done $0x0  }
0x80: {  	[sflag:s29] =	ssyncadd.s32 $0xFFFFE000  }
0x81: {  	s9 =	simm.s32 $0x4000;
	s8 =	rddreg [dreg:$0x4]  }
0x82: {  	[tilespmem:s9], [sflag:$0x1] =	stream.linear.gather [hbm4b:s8+s0], $0x2000, $0x38;
	[tilespmem:$0xBF00] =	vst v63  }
0x83: {  	_ =	swait.ge [sflag:s29], $0x2000  }
0x84: {  	[sflag:s29] =	ssyncset.done $0x0  }
0x85: {  	[sflag:s29] =	ssyncadd.s32 $0xFFFFE000  }
0x86: {  	s11 =	simm.s32 $0x8000;
	s10 =	rddreg [dreg:$0x5]  }
0x87: {  	[tilespmem:s11], [sflag:$0x1] =	stream.linear.gather [hbm4b:s10+s0], $0x2000, $0x38;
	[tilespmem:$0xBF00] =	vst v63  }
0x88: {  	_ =	swait.ge [sflag:s29], $0x2000  }
0x89: {  	[sflag:s29] =	ssyncset.done $0x0  }
0x8a: {  	[sflag:s29] =	ssyncadd.s32 $0xFFFFE000  }
0x8b: {  	s30 =	simm.s32 $0xA400;
	s18 =	rddreg [dreg:$0x7]  }
0x8c: {  	[tilespmem:s30], [sflag:$0x1] =	stream.linear.gather [hbm4b:s18+s0], $0x200, $0x38;
	[tilespmem:$0xBF00] =	vst v63  }
0x8d: {  	_ =	swait.ge [sflag:s29], $0x200  }
0x8e: {  	[sflag:s29] =	ssyncset.done $0x0  }
0x8f: {  	[sflag:s29] =	ssyncadd.s32 $0xFFFFFE00  }
0x90: {  	s31 =	rddreg [dreg:$0x6]  }
0x91: {  	[tilespmem:s1], [sflag:$0x1] =	stream.linear.gather [hbm4b:s31+s0], $0x200, $0x38;
	[tilespmem:$0xBF00] =	vst v63  }
0x92: {  	_ =	swait.ge [sflag:s29], $0x200  }
0x93: {  	[sflag:s29] =	ssyncset.done $0x0  }
0x94: {  	s6 =	simm.s32 $0x0;
	[sflag:s29] =	ssyncadd.s32 $0xFFFFFE00  }
0x95: {  	v2 =	vld [tilespmem:s6+$0x0]  }
0x96: {  	v3 =	vld [tilespmem:s6+$0x2000]  }
0x97: {  	v4 =	vld [tilespmem:s6+$0x4000]  }
0x98: {  	s8 =	simm.s32 $0x40;
	s0 =	simm.s32 $0x0  }
.LBB3_3:
0x99: {  	p1 =	sne.s32 s8, $0x7FC0  }
.Ltmp3:
0x9a: {  	s9 =	sshra.s32 s8, $0x2;
	v5 =	vmov v2;
	(pc) =	sbr.rel @p1 .LBB3_3-.Ltmp3, $4  }
0x9b: {  	s8 =	sadd.s32 $0x40, s8;
	v2 =	vld [tilespmem:s9+$0x0];
	v6 =	vshll.u32 v3, $0x9  }
0x9c: {  	v3 =	vld [tilespmem:s9+$0x2000];
	v5 =	vor.u32 v5, v6;
	v6 =	vshll.u32 v4, $0x12  }
0x9d: {  	v4 =	vld [tilespmem:s9+$0x4000];
	v5 =	vor.u32 v6, v5  }
0x9e: {  	[tilespmem:s0+$0x6000] =	vst v5;
	s0 =	smov.u32 s9  }
0x9f: {  	_ =	sdelay $0x1  }
0xa0: {  	v3 =	vshll.u32 v3, $0x9  }
0xa1: {  	v2 =	vor.u32 v2, v3;
	v3 =	vshll.u32 v4, $0x12  }
0xa2: {  	v2 =	vor.u32 v3, v2  }
0xa3: {  	[tilespmem:s0+$0x6000] =	vst v2;
	s0 =	simm.s32 $0x40  }
.LBB3_5:
0xa4: {  	p1 =	sne.s32 s0, $0x7FC0;
	v2 =	vld [tilespmem:s6+$0x8000];
	_ =	sdelay $0x4  }
0xa5: {  	v2 =	vmul.f32 $1.442695020e+00, v2;
	_ =	sdelay $0x1  }
0xa6: {  	(erf) = vpow2.f32 v2;
	_ =	sdelay $0x5  }
.Ltmp4:
0xa7: {  	(pc) =	sbr.rel @p1 .LBB3_5-.Ltmp4, $3  }
0xa8: {  	_ =	sdelay $0x1  }
0xa9: {  	v2 =	vpop (erf)  }
0xaa: {  	[tilespmem:s6+$0x8000] =	vst v2;
	s6 =	sshra.s32 s0, $0x2;
	s0 =	sadd.s32 $0x40, s0  }
0xab: {  	v2 =	vld [tilespmem:s6+$0x8000];
	_ =	sdelay $0x4  }
0xac: {  	v2 =	vmul.f32 $1.442695020e+00, v2;
	_ =	sdelay $0x1  }
0xad: {  	(erf) = vpow2.f32 v2;
	_ =	sdelay $0x8  }
0xae: {  	v2 =	vpop (erf)  }
0xaf: {  	s0 =	simm.s32 $0x0;
	[tilespmem:s6+$0x8000] =	vst v2  }
0xb0: {  	v2 =	vld [tilespmem:s0+$0xA200];
	_ =	sdelay $0x4  }
0xb1: {  	v2 =	vmul.f32 $1.442695020e+00, v2  }
0xb2: {  	s6 =	simm.s32 $0x10  }
0xb3: {  	(erf) = vpow2.f32 v2;
	v2 =	vld [tilespmem:s6+$0xA200];
	_ =	sdelay $0x4  }
0xb4: {  	s8 =	simm.s32 $0x20;
	v3 =	vmul.f32 $1.442695020e+00, v2  }
0xb5: {  	v2 =	vld [tilespmem:s8+$0xA200]  }
0xb6: {  	(erf) = vpow2.f32 v3;
	_ =	sdelay $0x2  }
0xb7: {  	s9 =	simm.s32 $0xC0;
	v3 =	vpop (erf)  }
.LBB3_7:
0xb8: {  	s10 =	sshra.s32 s9, $0x2;
	p1 =	sne.s32 s9, $0x7C0;
	s9 =	sadd.s32 $0x40, s9;
	v4 =	vmul.f32 $1.442695020e+00, v2;
	[tilespmem:s0+$0xA000] =	vst v3  }
.Ltmp5:
0xb9: {  	s0 =	smov.u32 s6;
	s6 =	smov.u32 s8;
	v2 =	vld [tilespmem:s10+$0xA200];
	(pc) =	sbr.rel @p1 .LBB3_7-.Ltmp5, $2  }
0xba: {  	s8 =	smov.u32 s10;
	(erf) = vpow2.f32 v4;
	_ =	sdelay $0x2  }
0xbb: {  	v3 =	vpop (erf)  }
0xbc: {  	v2 =	vmul.f32 $1.442695020e+00, v2;
	_ =	sdelay $0x1  }
0xbd: {  	(erf) = vpow2.f32 v2;
	_ =	sdelay $0x7  }
0xbe: {  	[tilespmem:s0+$0xA000] =	vst v3;
	v2 =	vpop (erf)  }
0xbf: {  	[tilespmem:s6+$0xA000] =	vst v2;
	v2 =	vpop (erf)  }
0xc0: {  	[tilespmem:s8+$0xA000] =	vst v2  }
0xc1: {  	v2 =	vld [tilespmem:$0xBE00];
	_ =	sdelay $0x4  }
0xc2: {  	v2 =	vnsel vm0, $0x0, v2  }
0xc3: {  	v2 =	vcvt.s32.f32 v2  }
0xc4: {  	[tilespmem:$0xA200] =	vst v1  }
0xc5: {  	[tilespmem:$0xA210] =	vst v1;
	(xrf0) =	vmax.scan.msk.f32 $0xffff, v2  }
0xc6: {  	[tilespmem:$0xA220] =	vst v1  }
0xc7: {  	[tilespmem:$0xA230] =	vst v1  }
0xc8: {  	[tilespmem:$0xA240] =	vst v1  }
0xc9: {  	[tilespmem:$0xA250] =	vst v1  }
0xca: {  	[tilespmem:$0xA260] =	vst v1  }
0xcb: {  	[tilespmem:$0xA270] =	vst v1;
	v2, _, _ =	vpop (xrf0)  }
0xcc: {  	[tilespmem:$0xA280] =	vst v1;
	(v2sf) =	vpush v2, $0xF  }
0xcd: {  	[tilespmem:$0xA290] =	vst v1  }
0xce: {  	[tilespmem:$0xA2A0] =	vst v1  }
0xcf: {  	[tilespmem:$0xA2B0] =	vst v1  }
0xd0: {  	[tilespmem:$0xA2C0] =	vst v1  }
0xd1: {  	[tilespmem:$0xA2D0] =	vst v1  }
0xd2: {  	[tilespmem:$0xA2E0] =	vst v1  }
0xd3: {  	[tilespmem:$0xA2F0] =	vst v1  }
0xd4: {  	[tilespmem:$0xA300] =	vst v1  }
0xd5: {  	[tilespmem:$0xA310] =	vst v1  }
0xd6: {  	[tilespmem:$0xA320] =	vst v1  }
0xd7: {  	[tilespmem:$0xA330] =	vst v1  }
0xd8: {  	[tilespmem:$0xA340] =	vst v1  }
0xd9: {  	[tilespmem:$0xA350] =	vst v1  }
0xda: {  	[tilespmem:$0xA360] =	vst v1  }
0xdb: {  	[tilespmem:$0xA370] =	vst v1;
	s18 =	spop (v2sf)  }
0xdc: {  	[tilespmem:$0xA380] =	vst v1;
	s30 =	scvt.f32.s32 s18  }
0xdd: {  	[tilespmem:$0xA390] =	vst v1  }
0xde: {  	[tilespmem:$0xA3A0] =	vst v1;
	p1 =	sgt.s32 s30, $0x0  }
.Ltmp6:
0xdf: {  	[tilespmem:$0xA3B0] =	vst v1;
	(pc) =	sbr.rel @!p1 .LBB3_9-.Ltmp6, $4  }
0xe0: {  	[tilespmem:$0xA3C0] =	vst v1  }
0xe1: {  	[tilespmem:$0xA3D0] =	vst v1  }
0xe2: {  	[tilespmem:$0xA3E0] =	vst v1  }
0xe3: {  	s31 =	simm.s32 $0x0;
	s6 =	simm.s32 $0x0;
	[tilespmem:$0xA3F0] =	vst v1  }
.LBB3_14:
0xe4: {  	s0 =	sadd.s32 s25, s6  }
0xe5: {  	s8 =	sshll.u32 s0, $0xB;
	s0 =	sshll.u32 s0, $0x7  }
0xe6: {  	s8 =	sand.u32 $0xFFFFC000, s8;
	s0 =	sand.u32 $0x380, s0  }
0xe7: {  	s0 =	sor.u32 s0, s8  }
0xe8: {  	s0 =	sshrl.u32 s0, $0x3  }
0xe9: {  	s0 =	sadd.s32 s23, s0  }
0xea: {  	[tilespmem:s4], [sflag:$0x1] =	stream.strided.gather [hbm4b:s0+s2], $0x800, s3, s2, $0x38;
	[tilespmem:$0xBF00] =	vst v63  }
0xeb: {  	_ =	swait.ge [sflag:s29], $0x800  }
0xec: {  	[sflag:s29] =	ssyncset.done $0x0  }
0xed: {  	s9 =	simm.s32 $0xA620;
	[sflag:s29] =	ssyncadd.s32 $0xFFFFF800  }
0xee: {  	v2 =	vld [tilespmem:s9+$0x0]  }
0xef: {  	v3 =	vld [tilespmem:s9+$0xFFFFFFE0];
	_ =	sdelay $0x2  }
0xf0: {  	v4 =	vld [tilespmem:s9+$0xFFFFFFF0]  }
0xf1: {  	s10 =	simm.s32 $0xA660;
	v5 =	vld [tilespmem:s9+$0x10];
	v2 =	vmul.f32 $1.442695020e+00, v2  }
0xf2: {  	v6 =	vld [tilespmem:s10+$0x0];
	v3 =	vmul.f32 $1.442695020e+00, v3  }
0xf3: {  	(erf) = vpow2.f32 v2;
	v2 =	vld [tilespmem:s10+$0xFFFFFFE0]  }
0xf4: {  	(erf) = vpow2.f32 v3;
	v3 =	vld [tilespmem:s10+$0xFFFFFFF0]  }
0xf5: {  	v4 =	vmul.f32 $1.442695020e+00, v4  }
0xf6: {  	v7 =	vld [tilespmem:s10+$0x10];
	v5 =	vmul.f32 $1.442695020e+00, v5  }
0xf7: {  	(erf) = vpow2.f32 v4  }
0xf8: {  	v4 =	vmul.f32 $1.442695020e+00, v6;
	(erf) = vpow2.f32 v5  }
0xf9: {  	s11 =	simm.s32 $0xA6A0;
	v5 =	vmul.f32 $1.442695020e+00, v2;
	v8 =	vmul.f32 $1.442695020e+00, v3  }
0xfa: {  	v6 =	vld [tilespmem:s11+$0x0];
	(erf) = vpow2.f32 v4  }
0xfb: {  	v7 =	vmul.f32 $1.442695020e+00, v7;
	(erf) = vpow2.f32 v5  }
0xfc: {  	v2 =	vld [tilespmem:s11+$0xFFFFFFE0];
	(erf) = vpow2.f32 v8  }
0xfd: {  	v3 =	vld [tilespmem:s11+$0xFFFFFFF0];
	v8 =	vpop (erf);
	(erf) = vpow2.f32 v7  }
0xfe: {  	s18 =	simm.s32 $0x4;
	s9 =	simm.s32 $0xB620;
	v4 =	vld [tilespmem:s11+$0x10]  }
0xff: {  	s0 =	simm.s32 $0xB620;
	s10 =	simm.s32 $0x8;
	s11 =	simm.s32 $0xA6E0;
	v5 =	vmul.f32 $1.442695020e+00, v6;
	[tilespmem:s9+$0x0] =	vst v8;
	v6 =	vpop (erf)  }
.LBB3_15:
0x100: {  	s10 =	sadd.s32 $0x4, s10  }
0x101: {  	v7 =	vld [tilespmem:s11+$0x0];
	v8 =	vmul.f32 $1.442695020e+00, v2;
	[tilespmem:s9+$0xFFFFFFE0] =	vst v6;
	s0 =	sadd.s32 $0x40, s0;
	s8 =	simm.s32 $0x8020;
	v6 =	vpop (erf);
	p1 =	slt.u32 s10, $0x7C  }
.Ltmp7:
0x102: {  	v2 =	vld [tilespmem:s11+$0xFFFFFFE0];
	v9 =	vmul.f32 $1.442695020e+00, v3;
	(erf) = vpow2.f32 v5;
	[tilespmem:s9+$0xFFFFFFF0] =	vst v6;
	v5 =	vpop (erf);
	(pc) =	sbr.rel @p1 .LBB3_15-.Ltmp7, $4  }
0x103: {  	v3 =	vld [tilespmem:s11+$0xFFFFFFF0];
	v10 =	vmul.f32 $1.442695020e+00, v4;
	(erf) = vpow2.f32 v8;
	[tilespmem:s9+$0x10] =	vst v5;
	s9 =	smov.u32 s0  }
0x104: {  	v4 =	vld [tilespmem:s11+$0x10];
	(erf) = vpow2.f32 v9  }
0x105: {  	(erf) = vpow2.f32 v10;
	v6 =	vpop (erf)  }
0x106: {  	s11 =	sadd.s32 $0x40, s11;
	v5 =	vmul.f32 $1.442695020e+00, v7;
	[tilespmem:s0+$0x0] =	vst v6;
	v6 =	vpop (erf)  }
0x107: {  	v2 =	vmul.f32 $1.442695020e+00, v2  }
0x108: {  	v3 =	vmul.f32 $1.442695020e+00, v3;
	(erf) = vpow2.f32 v5  }
0x109: {  	v4 =	vmul.f32 $1.442695020e+00, v4;
	(erf) = vpow2.f32 v2  }
0x10a: {  	(erf) = vpow2.f32 v3  }
0x10b: {  	[tilespmem:s9+$0xFFFFFFE0] =	vst v6;
	v2 =	vpop (erf);
	(erf) = vpow2.f32 v4  }
0x10c: {  	v3 =	vpop (erf);
	[tilespmem:s9+$0xFFFFFFF0] =	vst v2  }
0x10d: {  	s0 =	sadd.s32 $0x40, s0;
	[tilespmem:s9+$0x10] =	vst v3;
	v2 =	vpop (erf)  }
0x10e: {  	[tilespmem:s0+$0x0] =	vst v2;
	v2 =	vpop (erf)  }
0x10f: {  	[tilespmem:s0+$0xFFFFFFE0] =	vst v2;
	v2 =	vpop (erf)  }
0x110: {  	[tilespmem:s0+$0xFFFFFFF0] =	vst v2;
	v2 =	vpop (erf)  }
0x111: {  	s11 =	sadd.s32 $0x40, s0;
	[tilespmem:s0+$0x10] =	vst v2;
	v2 =	vpop (erf)  }
0x112: {  	[tilespmem:s11+$0x0] =	vst v2;
	v2 =	vpop (erf)  }
0x113: {  	[tilespmem:s11+$0xFFFFFFE0] =	vst v2;
	v2 =	vpop (erf)  }
0x114: {  	[tilespmem:s11+$0xFFFFFFF0] =	vst v2;
	v2 =	vpop (erf)  }
0x115: {  	s10 =	simm.s32 $0x6020;
	[tilespmem:s11+$0x10] =	vst v2  }
0x116: {  	v2 =	vld [tilespmem:s10+$0x10];
	_ =	sdelay $0x1  }
0x117: {  	v3 =	vld [tilespmem:s10+$0xFFFFFFE0]  }
0x118: {  	v4 =	vld [tilespmem:s10+$0xFFFFFFF0]  }
0x119: {  	v5 =	vld [tilespmem:s10+$0x0]  }
0x11a: {  	v11 =	vld [tilespmem:s8+$0x10];
	v6 =	vand.u32 $0x1FF, v2  }
0x11b: {  	s11 =	simm.s32 $0x6060;
	v12 =	vld [tilespmem:s8+$0xFFFFFFE0]  }
0x11c: {  	v18 =	vld [tilespmem:s11+$0x10];
	v7 =	vshra.s32 v2, $0x12  }
0x11d: {  	v13 =	vld [tilespmem:s8+$0xFFFFFFF0]  }
0x11e: {  	v16 =	vld [tilespmem:s11+$0xFFFFFFE0];
	v8 =	vand.u32 $0x1FF, v3  }
0x11f: {  	v9 =	vand.u32 $0x1FF, v4;
	v6 =	vld.idx.msk [tilespmem:v6+s5+$0x0], $0xffff  }
0x120: {  	v19 =	vld [tilespmem:s11+$0xFFFFFFF0];
	v10 =	vand.u32 $0x1FF, v5  }
0x121: {  	v17 =	vshra.s32 v5, $0x12;
	v7 =	vld.idx.msk [tilespmem:v7+s7+$0x0], $0xffff  }
0x122: {  	v20 =	vld [tilespmem:s11+$0x0];
	v2 =	vshrl.u32 v2, $0x9  }
0x123: {  	v2 =	vand.u32 $0x1FF, v2;
	v8 =	vld.idx.msk [tilespmem:v8+s5+$0x0], $0xffff  }
0x124: {  	v14 =	vshra.s32 v3, $0x12;
	v9 =	vld.idx.msk [tilespmem:v9+s5+$0x0], $0xffff;
	v6 =	vmul.f32 v11, v6  }
0x125: {  	v15 =	vshra.s32 v4, $0x12;
	v10 =	vld.idx.msk [tilespmem:v10+s5+$0x0], $0xffff  }
0x126: {  	v23 =	vld.idx.msk [tilespmem:v17+s7+$0x0], $0xffff;
	v6 =	vmul.f32 v6, v7  }
0x127: {  	v11 =	vld [tilespmem:s8+$0x0];
	v7 =	vand.u32 $0x1FF, v18  }
0x128: {  	v17 =	vand.u32 $0x1FF, v20;
	[tilespmem:v2+s1+$0x0] =	vst.idx.add.f32.msk $0xffff, v6  }
0x129: {  	v22 =	vand.u32 $0x1FF, v19;
	v3 =	vshrl.u32 v3, $0x9;
	v6 =	vld.idx.msk [tilespmem:v14+s7+$0x0], $0xffff;
	v14 =	vshra.s32 v18, $0x12  }
0x12a: {  	v5 =	vshrl.u32 v5, $0x9;
	v21 =	vld.idx.msk [tilespmem:v15+s7+$0x0], $0xffff;
	v15 =	vand.u32 $0x1FF, v16;
	s8 =	simm.s32 $0x8060;
	v8 =	vmul.f32 v12, v8  }
0x12b: {  	v26 =	vmul.f32 v13, v9;
	v13 =	vshra.s32 v16, $0x12;
	v12 =	vld [tilespmem:s8+$0x10];
	v2 =	vshrl.u32 v4, $0x9  }
0x12c: {  	v4 =	vand.u32 $0x1FF, v3;
	v3 =	vand.u32 $0x1FF, v2;
	v2 =	vand.u32 $0x1FF, v5;
	v24 =	vld.idx.msk [tilespmem:v7+s5+$0x0], $0xffff  }
0x12d: {  	v5 =	vshrl.u32 v19, $0x9;
	v7 =	vshra.s32 v19, $0x12;
	v19 =	vshrl.u32 v16, $0x9;
	v16 =	vld.idx.msk [tilespmem:v17+s5+$0x0], $0xffff  }
0x12e: {  	v11 =	vmul.f32 v11, v10;
	v25 =	vld.idx.msk [tilespmem:v14+s7+$0x0], $0xffff  }
0x12f: {  	v17 =	vld [tilespmem:s8+$0xFFFFFFE0];
	v10 =	vmul.f32 v8, v6;
	v8 =	vand.u32 $0x1FF, v19;
	v19 =	vshrl.u32 v18, $0x9  }
0x130: {  	v9 =	vshra.s32 v20, $0x12;
	v14 =	vld.idx.msk [tilespmem:v15+s5+$0x0], $0xffff;
	v6 =	vshrl.u32 v20, $0x9;
	v20 =	vand.u32 $0x1FF, v19  }
0x131: {  	v15 =	vld.idx.msk [tilespmem:v22+s5+$0x0], $0xffff;
	v22 =	vmul.f32 v12, v24  }
0x132: {  	v5 =	vand.u32 $0x1FF, v5;
	v11 =	vmul.f32 v11, v23;
	v18 =	vld [tilespmem:s8+$0xFFFFFFF0]  }
0x133: {  	s9 =	simm.s32 $0x60A0;
	v6 =	vand.u32 $0x1FF, v6;
	v19 =	vld [tilespmem:s8+$0x0];
	v12 =	vmul.f32 v26, v21;
	v21 =	vmul.f32 v22, v25  }
.LBB3_17:
0x134: {  	v22 =	vld [tilespmem:s9+$0x10]  }
0x135: {  	s18 =	sadd.s32 $0x4, s18;
	[tilespmem:v20+s1+$0x0] =	vst.idx.add.f32.msk $0xffff, v21  }
0x136: {  	p1 =	slt.u32 s18, $0x1FC;
	v20 =	vld [tilespmem:s9+$0xFFFFFFF0];
	v14 =	vmul.f32 v17, v14  }
0x137: {  	v17 =	vld [tilespmem:s9+$0x0];
	v15 =	vmul.f32 v18, v15  }
0x138: {  	v18 =	vld [tilespmem:s9+$0xFFFFFFE0];
	v16 =	vmul.f32 v19, v16  }
0x139: {  	v19 =	vld.idx.msk [tilespmem:v13+s7+$0x0], $0xffff  }
0x13a: {  	v21 =	vand.u32 $0x1FF, v22;
	v23 =	vld.idx.msk [tilespmem:v7+s7+$0x0], $0xffff  }
0x13b: {  	v24 =	vand.u32 $0x1FF, v20;
	v7 =	vshra.s32 v20, $0x12;
	v20 =	vshrl.u32 v20, $0x9;
	v25 =	vld.idx.msk [tilespmem:v9+s7+$0x0], $0xffff  }
0x13c: {  	v27 =	vshra.s32 v22, $0x12;
	v26 =	vand.u32 $0x1FF, v17;
	v9 =	vshra.s32 v17, $0x12;
	[tilespmem:v4+s1+$0x0] =	vst.idx.add.f32.msk $0xffff, v10;
	v4 =	vmovc v8  }
0x13d: {  	v28 =	vand.u32 $0x1FF, v18;
	v13 =	vshra.s32 v18, $0x12;
	v8 =	vshrl.u32 v18, $0x9;
	[tilespmem:v3+s1+$0x0] =	vst.idx.add.f32.msk $0xffff, v12;
	v3 =	vmovc v5  }
0x13e: {  	v10 =	vshrl.u32 v17, $0x9;
	v5 =	vand.u32 $0x1FF, v20;
	v8 =	vand.u32 $0x1FF, v8;
	[tilespmem:v2+s1+$0x0] =	vst.idx.add.f32.msk $0xffff, v11;
	v2 =	vmovc v6  }
0x13f: {  	s8 =	sadd.s32 $0x40, s8;
	v6 =	vand.u32 $0x1FF, v10;
	v10 =	vmul.f32 v14, v19;
	v18 =	vld.idx.msk [tilespmem:v21+s5+$0x0], $0xffff  }
0x140: {  	v12 =	vmul.f32 v15, v23;
	v19 =	vld [tilespmem:s8+$0x10]  }
0x141: {  	v11 =	vmul.f32 v16, v25;
	v21 =	vld.idx.msk [tilespmem:v27+s7+$0x0], $0xffff  }
0x142: {  	v14 =	vld.idx.msk [tilespmem:v28+s5+$0x0], $0xffff  }
.Ltmp8:
0x143: {  	v17 =	vshrl.u32 v22, $0x9;
	v15 =	vld.idx.msk [tilespmem:v24+s5+$0x0], $0xffff;
	(pc) =	sbr.rel @p1 .LBB3_17-.Ltmp8, $4  }
0x144: {  	v20 =	vand.u32 $0x1FF, v17;
	v16 =	vld.idx.msk [tilespmem:v26+s5+$0x0], $0xffff  }
0x145: {  	v17 =	vld [tilespmem:s8+$0xFFFFFFE0];
	v22 =	vmul.f32 v19, v18  }
0x146: {  	v18 =	vld [tilespmem:s8+$0xFFFFFFF0]  }
0x147: {  	s9 =	sadd.s32 $0x40, s9;
	v19 =	vld [tilespmem:s8+$0x0];
	v21 =	vmul.f32 v22, v21  }
0x148: {  	_ =	sdelay $0x3  }
0x149: {  	v13 =	vld.idx.msk [tilespmem:v13+s7+$0x0], $0xffff  }
0x14a: {  	v7 =	vld.idx.msk [tilespmem:v7+s7+$0x0], $0xffff  }
0x14b: {  	v9 =	vld.idx.msk [tilespmem:v9+s7+$0x0], $0xffff  }
0x14c: {  	[tilespmem:v4+s1+$0x0] =	vst.idx.add.f32.msk $0xffff, v10;
	v14 =	vmul.f32 v17, v14  }
0x14d: {  	[tilespmem:v3+s1+$0x0] =	vst.idx.add.f32.msk $0xffff, v12;
	v15 =	vmul.f32 v18, v15  }
0x14e: {  	[tilespmem:v2+s1+$0x0] =	vst.idx.add.f32.msk $0xffff, v11;
	v4 =	vmul.f32 v19, v16;
	v3 =	vmul.f32 v14, v13  }
0x14f: {  	[tilespmem:v20+s1+$0x0] =	vst.idx.add.f32.msk $0xffff, v21;
	v2 =	vmul.f32 v15, v7  }
0x150: {  	v4 =	vmul.f32 v4, v9;
	[tilespmem:v8+s1+$0x0] =	vst.idx.add.f32.msk $0xffff, v3  }
0x151: {  	[tilespmem:v5+s1+$0x0] =	vst.idx.add.f32.msk $0xffff, v2  }
0x152: {  	[tilespmem:v6+s1+$0x0] =	vst.idx.add.f32.msk $0xffff, v4  }
0x153: {  	v2 =	vld [tilespmem:$0xA200]  }
0x154: {  	v3 =	vld [tilespmem:$0xA210]  }
0x155: {  	v4 =	vld [tilespmem:$0xA220]  }
0x156: {  	v5 =	vld [tilespmem:$0xA230]  }
0x157: {  	v6 =	vld [tilespmem:$0xA240]  }
0x158: {  	v53 =	vld [tilespmem:$0xA250];
	v2 =	vmax.f32 v2, $0.0e+00  }
0x159: {  	v2 =	vmax.f32 v2, v3;
	v3 =	vld [tilespmem:$0xA260]  }
0x15a: {  	v2 =	vmax.f32 v2, v4;
	v4 =	vld [tilespmem:$0xA270]  }
0x15b: {  	v2 =	vmax.f32 v2, v5;
	v5 =	vld [tilespmem:$0xA280]  }
0x15c: {  	v54 =	vld [tilespmem:$0xA290];
	v2 =	vmax.f32 v2, v6  }
0x15d: {  	v55 =	vld [tilespmem:$0xA2A0];
	v2 =	vmax.f32 v2, v53  }
0x15e: {  	v2 =	vmax.f32 v2, v3;
	v3 =	vld [tilespmem:$0xA2B0]  }
0x15f: {  	v2 =	vmax.f32 v2, v4;
	v4 =	vld [tilespmem:$0xA2C0]  }
0x160: {  	v2 =	vmax.f32 v2, v5;
	v5 =	vld [tilespmem:$0xA2D0]  }
0x161: {  	v56 =	vld [tilespmem:$0xA2E0];
	v2 =	vmax.f32 v2, v54  }
0x162: {  	v57 =	vld [tilespmem:$0xA2F0];
	v2 =	vmax.f32 v2, v55  }
0x163: {  	v2 =	vmax.f32 v2, v3;
	v3 =	vld [tilespmem:$0xA300]  }
0x164: {  	v2 =	vmax.f32 v2, v4;
	v4 =	vld [tilespmem:$0xA310]  }
0x165: {  	v2 =	vmax.f32 v2, v5;
	v5 =	vld [tilespmem:$0xA320]  }
0x166: {  	v58 =	vld [tilespmem:$0xA330];
	v2 =	vmax.f32 v2, v56  }
0x167: {  	v59 =	vld [tilespmem:$0xA340];
	v2 =	vmax.f32 v2, v57  }
0x168: {  	v2 =	vmax.f32 v2, v3;
	v3 =	vld [tilespmem:$0xA350]  }
0x169: {  	v2 =	vmax.f32 v2, v4;
	v4 =	vld [tilespmem:$0xA360]  }
0x16a: {  	v2 =	vmax.f32 v2, v5;
	v5 =	vld [tilespmem:$0xA370]  }
0x16b: {  	v60 =	vld [tilespmem:$0xA380];
	v2 =	vmax.f32 v2, v58  }
0x16c: {  	v61 =	vld [tilespmem:$0xA390];
	v2 =	vmax.f32 v2, v59  }
0x16d: {  	v2 =	vmax.f32 v2, v3;
	v3 =	vld [tilespmem:$0xA3A0]  }
0x16e: {  	v2 =	vmax.f32 v2, v4;
	v4 =	vld [tilespmem:$0xA3B0]  }
0x16f: {  	v2 =	vmax.f32 v2, v5;
	v5 =	vld [tilespmem:$0xA3C0]  }
0x170: {  	v62 =	vld [tilespmem:$0xA3D0];
	v2 =	vmax.f32 v2, v60  }
0x171: {  	v63 =	vld [tilespmem:$0xA3E0];
	v2 =	vmax.f32 v2, v61  }
0x172: {  	v2 =	vmax.f32 v2, v3;
	v3 =	vld [tilespmem:$0xA3F0]  }
0x173: {  	v2 =	vmax.f32 v2, v4  }
0x174: {  	v2 =	vmax.f32 v2, v5  }
0x175: {  	v2 =	vmax.f32 v2, v62  }
0x176: {  	v2 =	vmax.f32 v2, v63  }
0x177: {  	v2 =	vmax.f32 v2, v3  }
0x178: {  	v2 =	vshra.s32 v2, $0x17  }
0x179: {  	v2 =	vadd.s32 $0xFFFFFF81, v2  }
0x17a: {  	v2 =	vcvt.s32.f32 v2;
	_ =	sdelay $0x1  }
0x17b: {  	(xrf0) =	vmax.scan.msk.f32 $0xffff, v2;
	_ =	sdelay $0x5  }
0x17c: {  	v2, _, _ =	vpop (xrf0)  }
0x17d: {  	(v2sf) =	vpush v2, $0xF;
	_ =	sdelay $0xe  }
0x17e: {  	s0 =	spop (v2sf)  }
0x17f: {  	s0 =	scvt.f32.s32 s0;
	_ =	sdelay $0x1  }
0x180: {  	s8 =	ssub.s32 $0x7F, s0  }
0x181: {  	v2 =	vmov s8;
	s8 =	simm.s32 $0x0  }
0x182: {  	v2 =	vshll.u32 v2, $0x17;
	v3 =	vld [tilespmem:s8+$0xA200]  }
0x183: {  	s9 =	simm.s32 $0x40;
	s10 =	simm.s32 $0x80;
	[tilespmem:s8+$0xA200] =	vst v1;
	v2 =	vbroadcast v2, $0x0  }
.LBB3_19:
0x184: {  	p1 =	sne.s32 s10, $0x7C0  }
.Ltmp9:
0x185: {  	_ = 	snop;
	(pc) =	sbr.rel @p1 .LBB3_19-.Ltmp9, $4  }
0x186: {  	_ = 	snop  }
0x187: {  	s18 =	sshra.s32 s9, $0x2;
	v4 =	vmul.f32 v3, v2  }
0x188: {  	s11 =	smov.u32 s10;
	v3 =	vld [tilespmem:s18+$0xA200];
	[tilespmem:s18+$0xA200] =	vst v1  }
0x189: {  	s10 =	sadd.s32 $0x40, s10;
	s9 =	smov.u32 s11;
	[tilespmem:s8+$0xA000] =	vst v4;
	s8 =	smov.u32 s18  }
0x18a: {  	s9 =	sshra.s32 s9, $0x2  }
0x18b: {  	v4 =	vld [tilespmem:s9+$0xA200]  }
0x18c: {  	s6 =	sadd.s32 $0x1, s6  }
0x18d: {  	p1 =	seq.s32 s6, s30  }
.Ltmp10:
0x18e: {  	_ = 	snop;
	(pc) =	sbr.rel @!p1 .LBB3_14-.Ltmp10, $4  }
0x18f: {  	v3 =	vmul.f32 v3, v2  }
0x190: {  	[tilespmem:s9+$0xA200] =	vst v1;
	v2 =	vmul.f32 v4, v2  }
0x191: {  	[tilespmem:s8+$0xA000] =	vst v3  }
0x192: {  	s31 =	sadd.s32 s0, s31;
	[tilespmem:s9+$0xA000] =	vst v2  }
.Ltmp11:
0x193: {  	(pc) =	sbr.rel .LBB3_11-.Ltmp11, $2  }
0x194: {  	_ =	sdelay $0x2  }
0x195: {  	s6 =	scvt.s32.f32 s31  }
.LBB3_21:
0x196: {  	s6 =	rddreg [dreg:$0xe]  }
0x197: {  	[tilespmem:s0], [sflag:$0x1] =	stream.strided.gather [hbm4b:s6+s2], $0x200, s3, s2, $0x38;
	[tilespmem:$0xBF00] =	vst v63  }
0x198: {  	_ =	swait.ge [sflag:s29], $0x200  }
0x199: {  	[sflag:s29] =	ssyncset.done $0x0  }
0x19a: {  	s8 =	simm.s32 $0x2000;
	s18 =	rddreg [dreg:$0xf];
	[sflag:s29] =	ssyncadd.s32 $0xFFFFFE00  }
0x19b: {  	[tilespmem:s8], [sflag:$0x1] =	stream.strided.gather [hbm4b:s18+s2], $0x200, s3, s2, $0x38;
	[tilespmem:$0xBF00] =	vst v63  }
0x19c: {  	_ =	swait.ge [sflag:s29], $0x200  }
0x19d: {  	[sflag:s29] =	ssyncset.done $0x0  }
0x19e: {  	s31 =	simm.s32 $0x4000;
	s30 =	rddreg [dreg:$0x10];
	[sflag:s29] =	ssyncadd.s32 $0xFFFFFE00  }
0x19f: {  	[tilespmem:s31], [sflag:$0x1] =	stream.strided.gather [hbm4b:s30+s2], $0x200, s3, s2, $0x38;
	[tilespmem:$0xBF00] =	vst v63  }
0x1a0: {  	_ =	swait.ge [sflag:s29], $0x200  }
0x1a1: {  	[sflag:s29] =	ssyncset.done $0x0  }
0x1a2: {  	s18 =	simm.s32 $0x8000;
	s9 =	rddreg [dreg:$0x11];
	[sflag:s29] =	ssyncadd.s32 $0xFFFFFE00  }
0x1a3: {  	[tilespmem:s18], [sflag:$0x1] =	stream.strided.gather [hbm4b:s9+s2], $0x200, s3, s2, $0x38;
	[tilespmem:$0xBF00] =	vst v63  }
0x1a4: {  	_ =	swait.ge [sflag:s29], $0x200  }
0x1a5: {  	[sflag:s29] =	ssyncset.done $0x0  }
0x1a6: {  	[sflag:s29] =	ssyncadd.s32 $0xFFFFFE00  }
0x1a7: {  	[tilespmem:s1], [sflag:$0x1] =	stream.linear.gather [hbm4b:s12+s0], $0x80, $0x38;
	[tilespmem:$0xBF00] =	vst v63  }
0x1a8: {  	_ =	swait.ge [sflag:s29], $0x80  }
0x1a9: {  	[sflag:s29] =	ssyncset.done $0x0  }
0x1aa: {  	s30 =	simm.s32 $0xA400;
	[sflag:s29] =	ssyncadd.s32 $0xFFFFFF80  }
0x1ab: {  	[tilespmem:s30], [sflag:$0x1] =	stream.linear.gather [hbm4b:s17+s0], $0x80, $0x38;
	[tilespmem:$0xBF00] =	vst v63  }
0x1ac: {  	_ =	swait.ge [sflag:s29], $0x80  }
0x1ad: {  	[sflag:s29] =	ssyncset.done $0x0  }
0x1ae: {  	s31 =	simm.s32 $0x200;
	[sflag:s29] =	ssyncadd.s32 $0xFFFFFF80  }
0x1af: {  	[tilespmem:s31], [sflag:$0x1] =	stream.strided.gather [hbm4b:s13+s2], $0x200, s3, s2, $0x38;
	[tilespmem:$0xBF00] =	vst v63  }
0x1b0: {  	_ =	swait.ge [sflag:s29], $0x200  }
0x1b1: {  	[sflag:s29] =	ssyncset.done $0x0  }
0x1b2: {  	s8 =	simm.s32 $0x2200;
	[sflag:s29] =	ssyncadd.s32 $0xFFFFFE00  }
0x1b3: {  	[tilespmem:s8], [sflag:$0x1] =	stream.strided.gather [hbm4b:s14+s2], $0x200, s3, s2, $0x38;
	[tilespmem:$0xBF00] =	vst v63  }
0x1b4: {  	_ =	swait.ge [sflag:s29], $0x200  }
0x1b5: {  	[sflag:s29] =	ssyncset.done $0x0  }
0x1b6: {  	s9 =	simm.s32 $0x4200;
	[sflag:s29] =	ssyncadd.s32 $0xFFFFFE00  }
0x1b7: {  	[tilespmem:s9], [sflag:$0x1] =	stream.strided.gather [hbm4b:s15+s2], $0x200, s3, s2, $0x38;
	[tilespmem:$0xBF00] =	vst v63  }
0x1b8: {  	_ =	swait.ge [sflag:s29], $0x200  }
0x1b9: {  	[sflag:s29] =	ssyncset.done $0x0  }
0x1ba: {  	s18 =	simm.s32 $0x8200;
	[sflag:s29] =	ssyncadd.s32 $0xFFFFFE00  }
0x1bb: {  	[tilespmem:s18], [sflag:$0x1] =	stream.strided.gather [hbm4b:s16+s2], $0x200, s3, s2, $0x38;
	[tilespmem:$0xBF00] =	vst v63  }
0x1bc: {  	_ =	swait.ge [sflag:s29], $0x200  }
0x1bd: {  	[sflag:s29] =	ssyncset.done $0x0  }
0x1be: {  	s30 =	simm.s32 $0xA280;
	[sflag:s29] =	ssyncadd.s32 $0xFFFFFE00  }
0x1bf: {  	[tilespmem:s30], [sflag:$0x1] =	stream.linear.gather [hbm4b:s19+s0], $0x80, $0x38;
	[tilespmem:$0xBF00] =	vst v63  }
0x1c0: {  	_ =	swait.ge [sflag:s29], $0x80  }
0x1c1: {  	[sflag:s29] =	ssyncset.done $0x0  }
0x1c2: {  	s31 =	simm.s32 $0xA480;
	[sflag:s29] =	ssyncadd.s32 $0xFFFFFF80  }
0x1c3: {  	[tilespmem:s31], [sflag:$0x1] =	stream.linear.gather [hbm4b:s21+s0], $0x80, $0x38;
	[tilespmem:$0xBF00] =	vst v63  }
0x1c4: {  	_ =	swait.ge [sflag:s29], $0x80  }
0x1c5: {  	[sflag:s29] =	ssyncset.done $0x0  }
0x1c6: {  	s0 =	simm.s32 $0x0;
	[sflag:s29] =	ssyncadd.s32 $0xFFFFFF80  }
0x1c7: {  	v2 =	vld [tilespmem:s0+$0x0]  }
0x1c8: {  	v3 =	vld [tilespmem:s0+$0x2000]  }
0x1c9: {  	v4 =	vld [tilespmem:s0+$0x4000]  }
0x1ca: {  	s6 =	simm.s32 $0x40  }
.LBB3_22:
0x1cb: {  	p1 =	sne.s32 s6, $0xFC0  }
.Ltmp12:
0x1cc: {  	s8 =	sshra.s32 s6, $0x2;
	v5 =	vmov v2;
	(pc) =	sbr.rel @p1 .LBB3_22-.Ltmp12, $4  }
0x1cd: {  	s6 =	sadd.s32 $0x40, s6;
	v2 =	vld [tilespmem:s8+$0x0];
	v6 =	vshll.u32 v3, $0x9  }
0x1ce: {  	v3 =	vld [tilespmem:s8+$0x2000];
	v5 =	vor.u32 v5, v6;
	v6 =	vshll.u32 v4, $0x12  }
0x1cf: {  	v4 =	vld [tilespmem:s8+$0x4000];
	v5 =	vor.u32 v6, v5  }
0x1d0: {  	[tilespmem:s0+$0x6000] =	vst v5;
	s0 =	smov.u32 s8  }
0x1d1: {  	_ =	sdelay $0x1  }
0x1d2: {  	v3 =	vshll.u32 v3, $0x9  }
0x1d3: {  	v2 =	vor.u32 v2, v3;
	v3 =	vshll.u32 v4, $0x12  }
0x1d4: {  	v2 =	vor.u32 v3, v2  }
0x1d5: {  	[tilespmem:s0+$0x6000] =	vst v2  }
0x1d6: {  	v2 =	vld [tilespmem:$0xA200]  }
0x1d7: {  	v3 =	vld [tilespmem:$0xA210]  }
0x1d8: {  	v45 =	vld [tilespmem:$0xA220]  }
0x1d9: {  	v5 =	vld [tilespmem:$0xA230]  }
0x1da: {  	v6 =	vld [tilespmem:$0xA240]  }
0x1db: {  	v7 =	vld [tilespmem:$0xA250];
	v2 =	vmul.f32 $1.442695020e+00, v2  }
0x1dc: {  	v8 =	vld [tilespmem:$0xA260];
	v3 =	vmul.f32 $1.442695020e+00, v3  }
0x1dd: {  	v46 =	vld [tilespmem:$0xA270];
	(erf) = vpow2.f32 v2;
	v2 =	vmul.f32 $1.442695020e+00, v45  }
0x1de: {  	v47 =	vld [tilespmem:$0xA280];
	(erf) = vpow2.f32 v3;
	v3 =	vmul.f32 $1.442695020e+00, v5  }
0x1df: {  	v48 =	vld [tilespmem:$0xA290];
	(erf) = vpow2.f32 v2;
	v2 =	vmul.f32 $1.442695020e+00, v6  }
0x1e0: {  	v49 =	vld [tilespmem:$0xA2A0];
	(erf) = vpow2.f32 v3;
	v3 =	vmul.f32 $1.442695020e+00, v7  }
0x1e1: {  	v50 =	vld [tilespmem:$0xA2B0];
	(erf) = vpow2.f32 v2;
	v2 =	vmul.f32 $1.442695020e+00, v8  }
0x1e2: {  	v51 =	vld [tilespmem:$0xA2C0];
	(erf) = vpow2.f32 v3;
	v3 =	vmul.f32 $1.442695020e+00, v46  }
0x1e3: {  	v52 =	vld [tilespmem:$0xA2D0];
	(erf) = vpow2.f32 v2;
	v2 =	vmul.f32 $1.442695020e+00, v47  }
0x1e4: {  	v54 =	vld [tilespmem:$0xBE00];
	(erf) = vpow2.f32 v3;
	v3 =	vmul.f32 $1.442695020e+00, v48  }
0x1e5: {  	(erf) = vpow2.f32 v2;
	v2 =	vmul.f32 $1.442695020e+00, v49  }
0x1e6: {  	v53 =	vld [tilespmem:$0xA2E0];
	v9 =	vpop (erf);
	(erf) = vpow2.f32 v3;
	v3 =	vmul.f32 $1.442695020e+00, v50  }
0x1e7: {  	v10 =	vpop (erf);
	(erf) = vpow2.f32 v2;
	v2 =	vmul.f32 $1.442695020e+00, v51;
	_ =	sdelay $0x1  }
0x1e8: {  	v58 =	vnsel vm0, $0x0, v54;
	v56 =	vpop (erf);
	(erf) = vpow2.f32 v3;
	v3 =	vmul.f32 $1.442695020e+00, v52  }
0x1e9: {  	v4 =	vcvt.s32.f32 v58;
	v57 =	vpop (erf);
	(erf) = vpow2.f32 v2  }
0x1ea: {  	v2 =	vpop (erf);
	(erf) = vpow2.f32 v3;
	v3 =	vmul.f32 $1.442695020e+00, v53  }
0x1eb: {  	[tilespmem:$0xA200] =	vst v1  }
0x1ec: {  	[tilespmem:$0xA210] =	vst v1;
	(xrf0) =	vmax.scan.msk.f32 $0xffff, v4;
	v59 =	vpop (erf)  }
0x1ed: {  	[tilespmem:$0xA040] =	vst v2;
	v2 =	vpop (erf)  }
0x1ee: {  	[tilespmem:$0xA220] =	vst v1;
	(erf) = vpow2.f32 v3;
	v3 =	vpop (erf)  }
0x1ef: {  	[tilespmem:$0xA230] =	vst v1;
	v61 =	vpop (erf)  }
0x1f0: {  	[tilespmem:$0xA060] =	vst v2;
	v2 =	vpop (erf)  }
0x1f1: {  	[tilespmem:$0xA070] =	vst v3;
	v3 =	vpop (erf)  }
0x1f2: {  	[tilespmem:$0xA0A0] =	vst v3;
	v3, _, _ =	vpop (xrf0)  }
0x1f3: {  	[tilespmem:$0xA240] =	vst v1;
	(v2sf) =	vpush v3, $0xF  }
0x1f4: {  	[tilespmem:$0xA250] =	vst v1  }
0x1f5: {  	[tilespmem:$0xA260] =	vst v1  }
0x1f6: {  	[tilespmem:$0xA270] =	vst v1  }
0x1f7: {  	[tilespmem:$0xA280] =	vst v1  }
0x1f8: {  	[tilespmem:$0xA290] =	vst v1  }
0x1f9: {  	v55 =	vld [tilespmem:$0xA2F0];
	[tilespmem:$0xA2A0] =	vst v1  }
0x1fa: {  	[tilespmem:$0xA2B0] =	vst v1  }
0x1fb: {  	[tilespmem:$0xA2C0] =	vst v1  }
0x1fc: {  	[tilespmem:$0xA2D0] =	vst v1  }
0x1fd: {  	[tilespmem:$0xA2E0] =	vst v1  }
0x1fe: {  	[tilespmem:$0xA2F0] =	vst v1;
	v60 =	vmul.f32 $1.442695020e+00, v55  }
0x1ff: {  	[tilespmem:$0xA000] =	vst v9  }
0x200: {  	[tilespmem:$0xA010] =	vst v10;
	(erf) = vpow2.f32 v60  }
0x201: {  	[tilespmem:$0xA020] =	vst v56  }
0x202: {  	[tilespmem:$0xA030] =	vst v57;
	s18 =	spop (v2sf)  }
0x203: {  	[tilespmem:$0xA050] =	vst v59;
	s6 =	scvt.f32.s32 s18  }
0x204: {  	[tilespmem:$0xA080] =	vst v61  }
0x205: {  	[tilespmem:$0xA090] =	vst v2;
	v62 =	vpop (erf);
	p1 =	sgt.s32 s6, $0x0  }
.Ltmp13:
0x206: {  	v2 =	vpop (erf);
	[tilespmem:$0xA0B0] =	vst v62;
	(pc) =	sbr.rel @!p1 .LBB3_24-.Ltmp13, $4  }
0x207: {  	v63 =	vpop (erf);
	[tilespmem:$0xA0C0] =	vst v2  }
0x208: {  	v2 =	vpop (erf);
	[tilespmem:$0xA0D0] =	vst v63  }
0x209: {  	[tilespmem:$0xA0E0] =	vst v2;
	v2 =	vpop (erf)  }
0x20a: {  	s30 =	simm.s32 $0x0;
	s31 =	simm.s32 $0x0;
	[tilespmem:$0xA0F0] =	vst v2;
	s18 =	simm.s32 $0x0  }
.LBB3_29:
0x20b: {  	s0 =	sadd.s32 s24, s18  }
0x20c: {  	s8 =	sshll.u32 s0, $0xB;
	s0 =	sshll.u32 s0, $0x7  }
0x20d: {  	s8 =	sand.u32 $0xFFFFC000, s8;
	s0 =	sand.u32 $0x380, s0  }
0x20e: {  	s0 =	sor.u32 s0, s8  }
0x20f: {  	s0 =	sshrl.u32 s0, $0x3  }
0x210: {  	s0 =	sadd.s32 s23, s0  }
0x211: {  	[tilespmem:s4], [sflag:$0x1] =	stream.strided.gather [hbm4b:s0+s2], $0x800, s3, s2, $0x38;
	[tilespmem:$0xBF00] =	vst v63  }
0x212: {  	_ =	swait.ge [sflag:s29], $0x800  }
0x213: {  	[sflag:s29] =	ssyncset.done $0x0  }
0x214: {  	s8 =	simm.s32 $0x0;
	[sflag:s29] =	ssyncadd.s32 $0xFFFFF800  }
.LBB3_30:
0x215: {  	s0 =	sshra.s32 s8, $0x2  }
0x216: {  	v2 =	vld [tilespmem:s0+$0x6000];
	_ =	sdelay $0x4  }
0x217: {  	v3 =	vshra.s32 v2, $0x12;
	_ =	sdelay $0x3  }
0x218: {  	v4 =	vld [tilespmem:s0+$0x8000]  }
0x219: {  	v3 =	vld.idx.msk [tilespmem:v3+s4+$0x0], $0xffff;
	_ =	sdelay $0x4  }
0x21a: {  	v3 =	vadd.f32 v4, v3;
	_ =	sdelay $0x1  }
0x21b: {  	v3 =	vmul.f32 $1.442695020e+00, v3;
	_ =	sdelay $0x1  }
0x21c: {  	v53 =	vand.u32 $0x1FF, v2;
	(erf) = vpow2.f32 v3;
	_ =	sdelay $0x4  }
0x21d: {  	v3 =	vld.idx.msk [tilespmem:v53+s5+$0x0], $0xffff  }
0x21e: {  	v2 =	vshrl.u32 v2, $0x9  }
0x21f: {  	v2 =	vand.u32 $0x1FF, v2;
	_ =	sdelay $0x1  }
0x220: {  	v54 =	vpop (erf)  }
0x221: {  	v3 =	vmul.f32 v54, v3;
	_ =	sdelay $0x1  }
0x222: {  	[tilespmem:v2+s1+$0x0] =	vst.idx.add.f32.msk $0xffff, v3  }
0x223: {  	v2 =	vld [tilespmem:s0+$0x6010];
	_ =	sdelay $0x4  }
0x224: {  	v3 =	vshra.s32 v2, $0x12;
	_ =	sdelay $0x3  }
0x225: {  	v55 =	vld [tilespmem:s0+$0x8010]  }
0x226: {  	v3 =	vld.idx.msk [tilespmem:v3+s4+$0x0], $0xffff;
	_ =	sdelay $0x4  }
0x227: {  	v3 =	vadd.f32 v55, v3;
	_ =	sdelay $0x1  }
0x228: {  	v3 =	vmul.f32 $1.442695020e+00, v3;
	_ =	sdelay $0x1  }
0x229: {  	v56 =	vand.u32 $0x1FF, v2;
	(erf) = vpow2.f32 v3;
	_ =	sdelay $0x4  }
0x22a: {  	v3 =	vld.idx.msk [tilespmem:v56+s5+$0x0], $0xffff  }
0x22b: {  	v2 =	vshrl.u32 v2, $0x9  }
0x22c: {  	v2 =	vand.u32 $0x1FF, v2;
	_ =	sdelay $0x1  }
0x22d: {  	v57 =	vpop (erf)  }
0x22e: {  	v3 =	vmul.f32 v57, v3;
	_ =	sdelay $0x1  }
0x22f: {  	[tilespmem:v2+s1+$0x0] =	vst.idx.add.f32.msk $0xffff, v3  }
0x230: {  	v2 =	vld [tilespmem:s0+$0x6020];
	_ =	sdelay $0x4  }
0x231: {  	v3 =	vshra.s32 v2, $0x12;
	_ =	sdelay $0x3  }
0x232: {  	v58 =	vld [tilespmem:s0+$0x8020]  }
0x233: {  	v3 =	vld.idx.msk [tilespmem:v3+s4+$0x0], $0xffff;
	_ =	sdelay $0x4  }
0x234: {  	v3 =	vadd.f32 v58, v3;
	_ =	sdelay $0x1  }
0x235: {  	v3 =	vmul.f32 $1.442695020e+00, v3;
	_ =	sdelay $0x1  }
0x236: {  	v59 =	vand.u32 $0x1FF, v2;
	(erf) = vpow2.f32 v3;
	_ =	sdelay $0x4  }
0x237: {  	v3 =	vld.idx.msk [tilespmem:v59+s5+$0x0], $0xffff  }
0x238: {  	v2 =	vshrl.u32 v2, $0x9  }
0x239: {  	v2 =	vand.u32 $0x1FF, v2;
	_ =	sdelay $0x1  }
0x23a: {  	v60 =	vpop (erf)  }
0x23b: {  	v3 =	vmul.f32 v60, v3;
	_ =	sdelay $0x1  }
0x23c: {  	[tilespmem:v2+s1+$0x0] =	vst.idx.add.f32.msk $0xffff, v3  }
0x23d: {  	v2 =	vld [tilespmem:s0+$0x6030];
	_ =	sdelay $0x4  }
0x23e: {  	v3 =	vshra.s32 v2, $0x12;
	_ =	sdelay $0x3  }
0x23f: {  	v61 =	vld [tilespmem:s0+$0x8030]  }
0x240: {  	v3 =	vld.idx.msk [tilespmem:v3+s4+$0x0], $0xffff;
	_ =	sdelay $0x4  }
0x241: {  	v3 =	vadd.f32 v61, v3;
	_ =	sdelay $0x1  }
0x242: {  	v3 =	vmul.f32 $1.442695020e+00, v3;
	_ =	sdelay $0x1  }
0x243: {  	v62 =	vand.u32 $0x1FF, v2;
	(erf) = vpow2.f32 v3;
	_ =	sdelay $0x4  }
0x244: {  	v3 =	vld.idx.msk [tilespmem:v62+s5+$0x0], $0xffff  }
0x245: {  	v2 =	vshrl.u32 v2, $0x9  }
0x246: {  	p1 =	sne.s32 s8, $0x700;
	v2 =	vand.u32 $0x1FF, v2  }
.Ltmp14:
0x247: {  	_ = 	snop;
	(pc) =	sbr.rel @p1 .LBB3_30-.Ltmp14, $3  }
0x248: {  	v63 =	vpop (erf)  }
0x249: {  	v3 =	vmul.f32 v63, v3;
	_ =	sdelay $0x1  }
0x24a: {  	s8 =	sadd.s32 $0x100, s8;
	[tilespmem:v2+s1+$0x0] =	vst.idx.add.f32.msk $0xffff, v3  }
0x24b: {  	v2 =	vld [tilespmem:$0xA200]  }
0x24c: {  	v3 =	vld [tilespmem:$0xA210]  }
0x24d: {  	v4 =	vld [tilespmem:$0xA220]  }
0x24e: {  	v5 =	vld [tilespmem:$0xA230]  }
0x24f: {  	v6 =	vld [tilespmem:$0xA240]  }
0x250: {  	v8 =	vld [tilespmem:$0xA250];
	v7 =	vmax.f32 v2, $0.0e+00  }
0x251: {  	v55 =	vld [tilespmem:$0xA260];
	v3 =	vmax.f32 v7, v3  }
0x252: {  	v56 =	vld [tilespmem:$0xA270];
	v3 =	vmax.f32 v3, v4  }
0x253: {  	v3 =	vmax.f32 v3, v5  }
0x254: {  	v3 =	vmax.f32 v3, v6  }
0x255: {  	v3 =	vmax.f32 v3, v8  }
0x256: {  	v3 =	vmax.f32 v3, v55  }
0x257: {  	v3 =	vmax.f32 v3, v56  }
0x258: {  	v3 =	vshra.s32 v3, $0x17  }
0x259: {  	v3 =	vadd.s32 $0xFFFFFF81, v3  }
0x25a: {  	v3 =	vcvt.s32.f32 v3;
	_ =	sdelay $0x1  }
0x25b: {  	(xrf0) =	vmax.scan.msk.f32 $0xffff, v3;
	_ =	sdelay $0x5  }
0x25c: {  	v3, _, _ =	vpop (xrf0)  }
0x25d: {  	(v2sf) =	vpush v3, $0xF;
	_ =	sdelay $0xe  }
0x25e: {  	s0 =	spop (v2sf)  }
0x25f: {  	s8 =	scvt.f32.s32 s0;
	_ =	sdelay $0x1  }
0x260: {  	s0 =	ssub.s32 $0x7F, s8  }
0x261: {  	v3 =	vmov s0  }
0x262: {  	v58 =	vld [tilespmem:$0xA220];
	v3 =	vshll.u32 v3, $0x17  }
0x263: {  	v3 =	vbroadcast v3, $0x0  }
0x264: {  	v60 =	vld [tilespmem:$0xA240]  }
0x265: {  	v57 =	vld [tilespmem:$0xA210];
	[tilespmem:$0xA200] =	vst v1;
	v2 =	vmul.f32 v2, v3  }
0x266: {  	v61 =	vld [tilespmem:$0xA250];
	[tilespmem:$0xA210] =	vst v1  }
0x267: {  	[tilespmem:$0xA000] =	vst v2;
	v2 =	vmul.f32 v58, v3  }
0x268: {  	[tilespmem:$0xA220] =	vst v1  }
0x269: {  	[tilespmem:$0xA020] =	vst v2;
	v2 =	vmul.f32 v60, v3  }
0x26a: {  	v59 =	vld [tilespmem:$0xA230];
	[tilespmem:$0xA230] =	vst v1  }
0x26b: {  	v63 =	vld [tilespmem:$0xA260];
	[tilespmem:$0xA040] =	vst v2;
	v2 =	vmul.f32 v61, v3  }
0x26c: {  	[tilespmem:$0xA240] =	vst v1  }
0x26d: {  	[tilespmem:$0xA050] =	vst v2;
	v2 =	vld [tilespmem:$0xA270]  }
0x26e: {  	[tilespmem:$0xA250] =	vst v1;
	v4 =	vmul.f32 v57, v3  }
0x26f: {  	[tilespmem:$0xA260] =	vst v1;
	v62 =	vmul.f32 v59, v3  }
0x270: {  	[tilespmem:$0xA010] =	vst v4;
	v4 =	vmul.f32 v63, v3  }
0x271: {  	[tilespmem:$0xA030] =	vst v62  }
0x272: {  	[tilespmem:$0xA060] =	vst v4;
	v2 =	vmul.f32 v2, v3  }
0x273: {  	[tilespmem:$0xA270] =	vst v1  }
0x274: {  	s9 =	simm.s32 $0x0;
	[tilespmem:$0xA070] =	vst v2  }
.LBB3_32:
0x275: {  	s0 =	sshra.s32 s9, $0x2  }
0x276: {  	v2 =	vld [tilespmem:s0+$0x6200];
	_ =	sdelay $0x4  }
0x277: {  	v3 =	vshra.s32 v2, $0x12;
	_ =	sdelay $0x3  }
0x278: {  	v4 =	vld [tilespmem:s0+$0x8200]  }
0x279: {  	v3 =	vld.idx.msk [tilespmem:v3+s4+$0x0], $0xffff;
	_ =	sdelay $0x4  }
0x27a: {  	v3 =	vadd.f32 v4, v3;
	_ =	sdelay $0x1  }
0x27b: {  	v3 =	vmul.f32 $1.442695020e+00, v3  }
0x27c: {  	v53 =	vand.u32 $0x1FF, v2  }
0x27d: {  	v4 =	vadd.s32 $0x80, v53;
	(erf) = vpow2.f32 v3;
	_ =	sdelay $0x4  }
0x27e: {  	v2 =	vshrl.u32 v2, $0x9;
	v3 =	vld.idx.msk [tilespmem:v4+s5+$0x0], $0xffff  }
0x27f: {  	v2 =	vand.u32 $0x1FF, v2  }
0x280: {  	v2 =	vadd.s32 $0x80, v2;
	_ =	sdelay $0x1  }
0x281: {  	v54 =	vpop (erf)  }
0x282: {  	v3 =	vmul.f32 v54, v3;
	_ =	sdelay $0x1  }
0x283: {  	[tilespmem:v2+s1+$0x0] =	vst.idx.add.f32.msk $0xffff, v3  }
0x284: {  	v2 =	vld [tilespmem:s0+$0x6210];
	_ =	sdelay $0x4  }
0x285: {  	v3 =	vshra.s32 v2, $0x12;
	_ =	sdelay $0x3  }
0x286: {  	v55 =	vld [tilespmem:s0+$0x8210]  }
0x287: {  	v3 =	vld.idx.msk [tilespmem:v3+s4+$0x0], $0xffff;
	_ =	sdelay $0x4  }
0x288: {  	v3 =	vadd.f32 v55, v3;
	_ =	sdelay $0x1  }
0x289: {  	v3 =	vmul.f32 $1.442695020e+00, v3  }
0x28a: {  	v56 =	vand.u32 $0x1FF, v2  }
0x28b: {  	v4 =	vadd.s32 $0x80, v56;
	(erf) = vpow2.f32 v3;
	_ =	sdelay $0x4  }
0x28c: {  	v2 =	vshrl.u32 v2, $0x9;
	v3 =	vld.idx.msk [tilespmem:v4+s5+$0x0], $0xffff  }
0x28d: {  	v2 =	vand.u32 $0x1FF, v2  }
0x28e: {  	v2 =	vadd.s32 $0x80, v2;
	_ =	sdelay $0x1  }
0x28f: {  	v57 =	vpop (erf)  }
0x290: {  	v3 =	vmul.f32 v57, v3;
	_ =	sdelay $0x1  }
0x291: {  	[tilespmem:v2+s1+$0x0] =	vst.idx.add.f32.msk $0xffff, v3  }
0x292: {  	v2 =	vld [tilespmem:s0+$0x6220];
	_ =	sdelay $0x4  }
0x293: {  	v3 =	vshra.s32 v2, $0x12;
	_ =	sdelay $0x3  }
0x294: {  	v58 =	vld [tilespmem:s0+$0x8220]  }
0x295: {  	v3 =	vld.idx.msk [tilespmem:v3+s4+$0x0], $0xffff;
	_ =	sdelay $0x4  }
0x296: {  	v3 =	vadd.f32 v58, v3;
	_ =	sdelay $0x1  }
0x297: {  	v3 =	vmul.f32 $1.442695020e+00, v3  }
0x298: {  	v59 =	vand.u32 $0x1FF, v2  }
0x299: {  	v4 =	vadd.s32 $0x80, v59;
	(erf) = vpow2.f32 v3;
	_ =	sdelay $0x4  }
0x29a: {  	v2 =	vshrl.u32 v2, $0x9;
	v3 =	vld.idx.msk [tilespmem:v4+s5+$0x0], $0xffff  }
0x29b: {  	v2 =	vand.u32 $0x1FF, v2  }
0x29c: {  	v2 =	vadd.s32 $0x80, v2;
	_ =	sdelay $0x1  }
0x29d: {  	v60 =	vpop (erf)  }
0x29e: {  	v3 =	vmul.f32 v60, v3;
	_ =	sdelay $0x1  }
0x29f: {  	[tilespmem:v2+s1+$0x0] =	vst.idx.add.f32.msk $0xffff, v3  }
0x2a0: {  	v2 =	vld [tilespmem:s0+$0x6230];
	_ =	sdelay $0x4  }
0x2a1: {  	v3 =	vshra.s32 v2, $0x12;
	_ =	sdelay $0x3  }
0x2a2: {  	v61 =	vld [tilespmem:s0+$0x8230]  }
0x2a3: {  	v3 =	vld.idx.msk [tilespmem:v3+s4+$0x0], $0xffff;
	_ =	sdelay $0x4  }
0x2a4: {  	v3 =	vadd.f32 v61, v3;
	_ =	sdelay $0x1  }
0x2a5: {  	v3 =	vmul.f32 $1.442695020e+00, v3  }
0x2a6: {  	v62 =	vand.u32 $0x1FF, v2  }
0x2a7: {  	v4 =	vadd.s32 $0x80, v62;
	(erf) = vpow2.f32 v3;
	_ =	sdelay $0x4  }
0x2a8: {  	v2 =	vshrl.u32 v2, $0x9;
	v3 =	vld.idx.msk [tilespmem:v4+s5+$0x0], $0xffff  }
0x2a9: {  	v2 =	vand.u32 $0x1FF, v2  }
0x2aa: {  	p1 =	sne.s32 s9, $0x700;
	v2 =	vadd.s32 $0x80, v2  }
.Ltmp15:
0x2ab: {  	_ = 	snop;
	(pc) =	sbr.rel @p1 .LBB3_32-.Ltmp15, $3  }
0x2ac: {  	v63 =	vpop (erf)  }
0x2ad: {  	v3 =	vmul.f32 v63, v3;
	_ =	sdelay $0x1  }
0x2ae: {  	s9 =	sadd.s32 $0x100, s9;
	[tilespmem:v2+s1+$0x0] =	vst.idx.add.f32.msk $0xffff, v3  }
0x2af: {  	v2 =	vld [tilespmem:$0xA280]  }
0x2b0: {  	v3 =	vld [tilespmem:$0xA290]  }
0x2b1: {  	v4 =	vld [tilespmem:$0xA2A0]  }
0x2b2: {  	v5 =	vld [tilespmem:$0xA2B0]  }
0x2b3: {  	v6 =	vld [tilespmem:$0xA2C0]  }
0x2b4: {  	v8 =	vld [tilespmem:$0xA2D0];
	v7 =	vmax.f32 v2, $0.0e+00  }
0x2b5: {  	v55 =	vld [tilespmem:$0xA2E0];
	v3 =	vmax.f32 v7, v3  }
0x2b6: {  	v56 =	vld [tilespmem:$0xA2F0];
	v3 =	vmax.f32 v3, v4  }
0x2b7: {  	v3 =	vmax.f32 v3, v5  }
0x2b8: {  	v3 =	vmax.f32 v3, v6  }
0x2b9: {  	v3 =	vmax.f32 v3, v8  }
0x2ba: {  	v3 =	vmax.f32 v3, v55  }
0x2bb: {  	v3 =	vmax.f32 v3, v56  }
0x2bc: {  	v3 =	vshra.s32 v3, $0x17  }
0x2bd: {  	v3 =	vadd.s32 $0xFFFFFF81, v3  }
0x2be: {  	v3 =	vcvt.s32.f32 v3;
	_ =	sdelay $0x1  }
0x2bf: {  	(xrf0) =	vmax.scan.msk.f32 $0xffff, v3;
	_ =	sdelay $0x5  }
0x2c0: {  	v3, _, _ =	vpop (xrf0)  }
0x2c1: {  	(v2sf) =	vpush v3, $0xF;
	_ =	sdelay $0xe  }
0x2c2: {  	s0 =	spop (v2sf)  }
0x2c3: {  	s0 =	scvt.f32.s32 s0;
	_ =	sdelay $0x1  }
0x2c4: {  	s9 =	ssub.s32 $0x7F, s0  }
0x2c5: {  	v3 =	vmov s9  }
0x2c6: {  	v58 =	vld [tilespmem:$0xA2A0];
	v3 =	vshll.u32 v3, $0x17  }
0x2c7: {  	v3 =	vbroadcast v3, $0x0  }
0x2c8: {  	v60 =	vld [tilespmem:$0xA2C0]  }
0x2c9: {  	v57 =	vld [tilespmem:$0xA290];
	[tilespmem:$0xA280] =	vst v1;
	v2 =	vmul.f32 v2, v3  }
0x2ca: {  	v61 =	vld [tilespmem:$0xA2D0];
	[tilespmem:$0xA290] =	vst v1  }
0x2cb: {  	[tilespmem:$0xA080] =	vst v2;
	v2 =	vmul.f32 v58, v3  }
0x2cc: {  	[tilespmem:$0xA2A0] =	vst v1  }
0x2cd: {  	[tilespmem:$0xA0A0] =	vst v2;
	v2 =	vmul.f32 v60, v3  }
0x2ce: {  	v59 =	vld [tilespmem:$0xA2B0];
	[tilespmem:$0xA2B0] =	vst v1  }
0x2cf: {  	v63 =	vld [tilespmem:$0xA2E0];
	[tilespmem:$0xA0C0] =	vst v2;
	v2 =	vmul.f32 v61, v3  }
0x2d0: {  	[tilespmem:$0xA2C0] =	vst v1  }
0x2d1: {  	[tilespmem:$0xA0D0] =	vst v2;
	v2 =	vld [tilespmem:$0xA2F0]  }
0x2d2: {  	[tilespmem:$0xA2D0] =	vst v1;
	s18 =	sadd.s32 $0x1, s18;
	v4 =	vmul.f32 v57, v3  }
0x2d3: {  	[tilespmem:$0xA2E0] =	vst v1;
	p1 =	seq.s32 s18, s6;
	v62 =	vmul.f32 v59, v3  }
.Ltmp16:
0x2d4: {  	[tilespmem:$0xA090] =	vst v4;
	v4 =	vmul.f32 v63, v3;
	(pc) =	sbr.rel @!p1 .LBB3_29-.Ltmp16, $4  }
0x2d5: {  	[tilespmem:$0xA0B0] =	vst v62  }
0x2d6: {  	[tilespmem:$0xA0E0] =	vst v4;
	v2 =	vmul.f32 v2, v3  }
0x2d7: {  	[tilespmem:$0xA2F0] =	vst v1  }
0x2d8: {  	s31 =	sadd.s32 s8, s31;
	s30 =	sadd.s32 s0, s30;
	[tilespmem:$0xA0F0] =	vst v2  }
.Ltmp17:
0x2d9: {  	(pc) =	sbr.rel .LBB3_26-.Ltmp17, $2  }
0x2da: {  	_ =	sdelay $0x2  }
0x2db: {  	s6 =	scvt.s32.f32 s31;
	s8 =	scvt.s32.f32 s30  }
.LBB3_9:
0x2dc: {  	s6 =	simm.f32 $0.0e+00  }
.LBB3_11:
0x2dd: {  	s9 =	simm.s32 $0x0  }
0x2de: {  	v3 =	vld [tilespmem:s9+$0xA400];
	_ =	sdelay $0x4  }
0x2df: {  	v3 =	vmul.f32 $1.442695020e+00, v3  }
0x2e0: {  	s0 =	simm.s32 $0x10  }
0x2e1: {  	(erf) = vpow2.f32 v3;
	v3 =	vld [tilespmem:s0+$0xA400];
	_ =	sdelay $0x3  }
0x2e2: {  	s8 =	simm.s32 $0x20  }
0x2e3: {  	v4 =	vld [tilespmem:s8+$0xA400];
	v5 =	vmul.f32 $1.442695020e+00, v3  }
0x2e4: {  	v3 =	vld [tilespmem:s9+$0xA000]  }
0x2e5: {  	(erf) = vpow2.f32 v5;
	_ =	sdelay $0x2  }
0x2e6: {  	v2 =	vimm.f32 $0.0e+00;
	s11 =	simm.s32 $0xBE00;
	s9 =	simm.s32 $0xC0;
	v5 =	vpop (erf)  }
.LBB3_12:
0x2e7: {  	s10 =	sshra.s32 s9, $0x2;
	p1 =	sne.s32 s9, $0x7C0;
	s9 =	sadd.s32 $0x40, s9;
	v6 =	vmul.f32 $1.442695020e+00, v4;
	v5 =	vmul.f32 v5, v3;
	v3 =	vld [tilespmem:s0+$0xA000]  }
.Ltmp18:
0x2e8: {  	s0 =	smov.u32 s8;
	v4 =	vld [tilespmem:s10+$0xA400];
	s8 =	smov.u32 s10;
	(pc) =	sbr.rel @p1 .LBB3_12-.Ltmp18, $2  }
0x2e9: {  	(erf) = vpow2.f32 v6;
	v2 =	vadd.f32 v5, v2;
	_ =	sdelay $0x2  }
0x2ea: {  	v5 =	vpop (erf)  }
0x2eb: {  	v4 =	vmul.f32 $1.442695020e+00, v4;
	_ =	sdelay $0x1  }
0x2ec: {  	(erf) = vpow2.f32 v4;
	_ =	sdelay $0x2  }
0x2ed: {  	v4 =	vld [tilespmem:s0+$0xA000];
	_ =	sdelay $0x1  }
0x2ee: {  	v6 =	vld [tilespmem:s8+$0xA000]  }
0x2ef: {  	v3 =	vmul.f32 v5, v3  }
0x2f0: {  	v5 =	vpop (erf)  }
0x2f1: {  	v2 =	vadd.f32 v3, v2;
	v3 =	vmul.f32 v5, v4  }
0x2f2: {  	v4 =	vpop (erf)  }
0x2f3: {  	v2 =	vadd.f32 v3, v2;
	v3 =	vmul.f32 v4, v6;
	_ =	sdelay $0x1  }
0x2f4: {  	v2 =	vadd.f32 v3, v2;
	_ =	sdelay $0x1  }
0x2f5: {  	(xrf2) =	vadd.scan.msk.f32 $0xffff, v2;
	_ =	sdelay $0x5  }
.Ltmp19:
0x2f6: {  	_ = 	snop;
	(pc) =	sbr.rel .LBB3_27-.Ltmp19, $3  }
0x2f7: {  	_ =	sdelay $0x1  }
0x2f8: {  	v3 =	vmov s6  }
0x2f9: {  	s10 =	simm.s32 $0xBE80;
	v3 =	vnsel vm1, $0x0, v3;
	v2, _, _ =	vpop (xrf2)  }
.LBB3_28:
0x2fa: {  	_ =	sfence.sel $0x180000  }
0x2fb: {  	[bflag:$0x0] =	sbarrier.arrive $0xFFFF  }
0x2fc: {  	_ =	strace $0x90000047  }
0x2fd: {  	s0 =	stileid.u32;
	[bflag:$0x2] =	sbarrier.arrive $0xFFFF  }
0x2fe: {  	p0 =	sne.s32 s0, $0x0;
	s0 =	rddreg [dreg:$0x12]  }
0x2ff: {  	s0 =	sadd.s32 @!p0 $0x100000, s0  }
0x300: {  	[sflag:s0] =	ssyncadd.tile.s32 @!p0 $0x1;
	_ =	shalt  }
.Lfunc_end3:
_tile_overlayer_lowered:
.L_overlay_start_3:
0x301: {  	(tag) =	ssettag $0x3  }
0x302: {  	s0 =	rddreg [dreg:$0x0];
	s2 =	stileid.u32  }
0x303: {  	s1 =	rddreg [dreg:$0x1];
	p0 =	sne.s32 s2, $0x0  }
0x304: {  	s3 =	rddreg [dreg:$0x2];
	[bflag:$0x3] =	sbarrier.arrive $0xFFFF;
	s2 =	simm.s32 @!p0 $0x1C01  }
0x305: {  	[timem:s3], [sflag:s2] =	dma.local @!p0 [hbm:s0], s1  }
0x306: {  	s0 =	simm.s32 @!p0 $0x1  }
0x307: {  	_ =	swait.ge @!p0 [sflag:s0], s1  }
0x308: {  	s1 =	ssub.s32 @!p0 $0x0, s1;
	[sflag:s0] =	ssyncset.done @!p0 $0x0  }
0x309: {  	[sflag:s0] =	ssyncadd.s32 @!p0 s1  }
0x30a: {  	[bflag:$0x3] =	sbarrier.arrive $0xFFFF  }
0x30b: {  	_ =	shalt  }

</sc_bundles>
